<compile_context>
chip_gen: v7x
topology: tpu7x:2x2x1
jax: 0.10.2.dev20260603
libtpu: 0.0.44.dev20260713+nightly
codegen_flags: <defaults>
</compile_context>

<pallas_src>
import functools

import jax
import jax.numpy as jnp
from jax import lax
from jax.experimental import pallas as pl
from jax.experimental.pallas import tpu as pltpu
from jax.experimental.pallas import tpu_sc as plsc

_N = 10000
_D = 128
_E = 160000
_P = 200
_PP = 256
_NC = 2
_NS = 16
_NW = _NC * _NS
_L = 16
_K = 128
_NCH = 40
_EPW = _NCH * _K
_EPAD = _NW * _EPW
_NV = _PP // _L
_FDUMP = 10008
_ODUMP = _N * _N
_H = 64

_mesh = plsc.VectorSubcoreMesh(
    core_axis_name="c", subcore_axis_name="s", num_cores=_NC, num_subcores=_NS
)


def _proj_body(x_ref, wt_ref, o_ref):
    o_ref[...] = jnp.dot(
        x_ref[...], wt_ref[...], preferred_element_type=jnp.float32
    )


_proj = pl.pallas_call(
    _proj_body,
    out_shape=jax.ShapeDtypeStruct((_N, _PP), jnp.float32),
)


def _copy_body(a_ref, o_ref):
    o_ref[...] = a_ref[...]


_OROWS = _N + 8
_copy = pl.pallas_call(
    _copy_body,
    grid=(_OROWS // 72,),
    in_specs=[pl.BlockSpec((72, _N), lambda i: (i, 0))],
    out_specs=pl.BlockSpec((72, _N), lambda i: (i, 0)),
    out_shape=jax.ShapeDtypeStruct((_OROWS, _N), jnp.float32),
)


def _mask_body(x_ref, f_ref, o_ref):
    o_ref[...] = x_ref[...] * f_ref[...]


_mask = pl.pallas_call(
    _mask_body,
    out_shape=jax.ShapeDtypeStruct((_N, _D), jnp.float32),
)


@functools.partial(
    pl.kernel,
    out_type=(
        jax.ShapeDtypeStruct((_NW, _NCH, _K), jnp.float32),
        jax.ShapeDtypeStruct((_NW, 128), jnp.float32),
    ),
    mesh=_mesh,
    compiler_params=pltpu.CompilerParams(needs_layout_passes=False),
    scratch_types=[
        pltpu.VMEM((_NCH, _K), jnp.int32),
        pltpu.VMEM((_NCH, _K), jnp.int32),
        pltpu.VMEM((_H, _PP), jnp.float32),
        pltpu.VMEM((_H, _PP), jnp.float32),
        pltpu.VMEM((_H, _PP), jnp.float32),
        pltpu.VMEM((_H, _PP), jnp.float32),
        pltpu.VMEM((_H, _L), jnp.float32),
        pltpu.VMEM((_NCH, _K), jnp.float32),
        pltpu.VMEM((_PP,), jnp.float32),
        pltpu.VMEM((_L,), jnp.float32),
        pltpu.VMEM((128,), jnp.float32),
        pltpu.SemaphoreType.DMA,
        pltpu.SemaphoreType.DMA,
        pltpu.SemaphoreType.DMA,
        pltpu.SemaphoreType.DMA,
    ],
)
def _sc_logits(
    src_hbm, dst_hbm, xp_hbm, w_hbm, b_hbm,
    lg_hbm, part_hbm,
    isrc, idst, rows_s0, rows_d0, rows_s1, rows_d1, pacc, lg, wv, bv, stg,
    sem_s0, sem_d0, sem_s1, sem_d1,
):
    wid = lax.axis_index("c") * _NS + lax.axis_index("s")
    pltpu.sync_copy(src_hbm.at[wid], isrc)
    pltpu.sync_copy(dst_hbm.at[wid], idst)
    pltpu.sync_copy(w_hbm, wv)
    pltpu.sync_copy(b_hbm, bv)
    b = bv[...][0]
    iota = lax.iota(jnp.int32, _L)
    wvs = [wv[pl.ds(j * _L, _L)] for j in range(_NV)]

    def fire(h, rs, rd, ss, sd):
        c = h // 2
        base = (h % 2) * _H
        pltpu.async_copy(xp_hbm.at[isrc.at[c, pl.ds(base, _H)]], rs, ss)
        pltpu.async_copy(xp_hbm.at[idst.at[c, pl.ds(base, _H)]], rd, sd)

    def drain(h, rs, rd, ss, sd):
        c = h // 2
        base = (h % 2) * _H
        pltpu.make_async_copy(
            xp_hbm.at[isrc.at[c, pl.ds(base, _H)]], rs, ss
        ).wait()
        pltpu.make_async_copy(
            xp_hbm.at[idst.at[c, pl.ds(base, _H)]], rd, sd
        ).wait()

    def compute(h, rows_s, rows_d):
        c = h // 2
        base = (h % 2) * _H

        @functools.partial(plsc.parallel_loop, 0, _H, unroll=2)
        def pe(e):
            acc = jnp.abs(
                rows_s[e, pl.ds(0, _L)] - rows_d[e, pl.ds(0, _L)]
            ) * wvs[0]
            for j in range(1, _NV):
                sl = pl.ds(j * _L, _L)
                acc = acc + jnp.abs(rows_s[e, sl] - rows_d[e, sl]) * wvs[j]
            pacc[e, pl.ds(0, _L)] = acc

        def pg(g, carry):
            rid = g * _L + iota
            tot = plsc.load_gather(pacc, [rid, jnp.zeros((_L,), jnp.int32)])
            for k in range(1, _L):
                tot = tot + plsc.load_gather(
                    pacc, [rid, jnp.full((_L,), k, jnp.int32)]
                )
            lg[c, pl.ds(base + g * _L, _L)] = jnp.maximum(tot + b, 0.0)
            return carry

        lax.fori_loop(0, _H // _L, pg, 0)

    fire(0, rows_s0, rows_d0, sem_s0, sem_d0)

    def pair(t, carry):
        h0 = 2 * t
        h1 = h0 + 1
        fire(h1, rows_s1, rows_d1, sem_s1, sem_d1)
        drain(h0, rows_s0, rows_d0, sem_s0, sem_d0)
        compute(h0, rows_s0, rows_d0)
        h2 = jnp.minimum(h0 + 2, 2 * _NCH - 1)
        fire(h2, rows_s0, rows_d0, sem_s0, sem_d0)
        drain(h1, rows_s1, rows_d1, sem_s1, sem_d1)
        compute(h1, rows_s1, rows_d1)
        return carry

    lax.fori_loop(0, _NCH, pair, 0)
    drain(2 * _NCH - 1, rows_s0, rows_d0, sem_s0, sem_d0)

    def mx(i, mv):
        return jnp.maximum(mv, lg[i // 8, pl.ds((i % 8) * _L, _L)])

    mv = lax.fori_loop(0, _NCH * 8, mx, jnp.zeros((_L,), jnp.float32))
    m_loc = jnp.max(mv)

    def sm(i, sv):
        c = i // 8
        sl = pl.ds((i % 8) * _L, _L)
        keep = isrc[c, sl] != idst[c, sl]
        e = jnp.exp(lg[c, sl] - m_loc)
        return sv + jnp.where(keep, e, 0.0)

    sv = lax.fori_loop(0, _NCH * 8, sm, jnp.zeros((_L,), jnp.float32))
    s_loc = jnp.sum(sv)

    pltpu.sync_copy(lg, lg_hbm.at[wid])
    stg[pl.ds(0, _L)] = jnp.where(
        iota == 0, m_loc, jnp.where(iota == 1, s_loc, 0.0)
    )
    for _z in range(1, 128 // _L):
        stg[pl.ds(_z * _L, _L)] = jnp.zeros((_L,), jnp.float32)
    pltpu.sync_copy(stg, part_hbm.at[wid])


@functools.partial(
    pl.kernel,
    out_type=jax.ShapeDtypeStruct((_NC, _FDUMP + 8), jnp.float32),
    mesh=_mesh,
    compiler_params=pltpu.CompilerParams(
        needs_layout_passes=False, use_tc_tiling_on_sc=False
    ),
    scratch_types=[
        pltpu.VMEM((_EPW,), jnp.int32),
        pltpu.VMEM((_EPW,), jnp.int32),
        pltpu.VMEM((_EPW,), jnp.float32),
        pltpu.VMEM((_EPW,), jnp.int32),
        pltpu.VMEM((_EPW,), jnp.int32),
        pltpu.VMEM((_EPW,), jnp.int32),
        pltpu.VMEM((_EPW,), jnp.float32),
        pltpu.VMEM((_NW, 128), jnp.float32),
        pltpu.VMEM((_EPW,), jnp.float32),
        pltpu.VMEM_SHARED((_FDUMP + 8,), jnp.float32),
        pltpu.SemaphoreType.DMA,
        pltpu.SemaphoreType.DMA,
        pltpu.SemaphoreType.DMA,
    ],
)
def _sc_scatter(
    lg_hbm, part_hbm, src_hbm, dst_hbm, ones_hbm, zeros_hbm, out_hbm,
    fl_out_hbm,
    isrc, idst, lg, i1, i2, fi, vals, pv, ones_v, flsh, sem1, sem2, sem3,
):
    cid = lax.axis_index("c")
    sid = lax.axis_index("s")
    wid = cid * _NS + sid

    @pl.when(sid == 0)
    def _zero_flags():
        pltpu.sync_copy(zeros_hbm, flsh)

    p1 = pltpu.async_copy(lg_hbm.at[wid], lg, sem1)
    p2 = pltpu.async_copy(src_hbm.at[wid], isrc, sem2)
    p3 = pltpu.async_copy(dst_hbm.at[wid], idst, sem3)
    pltpu.sync_copy(part_hbm, pv)
    pltpu.sync_copy(ones_hbm, ones_v)
    p1.wait()
    p2.wait()
    p3.wait()

    iota = lax.iota(jnp.int32, _L)
    zz = jnp.zeros((_L,), jnp.int32)
    oo = zz + 1
    m_a = plsc.load_gather(pv, [iota, zz])
    m_b = plsc.load_gather(pv, [iota + _L, zz])
    s_a = plsc.load_gather(pv, [iota, oo])
    s_b = plsc.load_gather(pv, [iota + _L, oo])
    m_glob = jnp.max(jnp.maximum(m_a, m_b))
    s_glob = jnp.sum(s_a * jnp.exp(m_a - m_glob)) + jnp.sum(
        s_b * jnp.exp(m_b - m_glob)
    )
    rinv = 1.0 / jnp.full((_L,), s_glob)

    def idxs(c, carry):
        base = c * _K
        for k in range(_K // _L):
            off = base + k * _L
            sl = pl.ds(off, _L)
            s_ = isrc[sl]
            d_ = idst[sl]
            keep = s_ != d_
            dump = _ODUMP + off + iota
            i1[sl] = jnp.where(keep, s_ * _N + d_, dump)
            i2[sl] = jnp.where(keep, d_ * _N + s_, dump)
            fi[sl] = jnp.where(keep, d_, _FDUMP)
            vals[sl] = jnp.exp(lg[sl] - m_glob) * rinv
        return carry

    lax.fori_loop(0, _NCH, idxs, 0)

    c1 = pltpu.async_copy(vals, out_hbm.at[i1], sem1)
    c2 = pltpu.async_copy(vals, out_hbm.at[i2], sem2)

    plsc.subcore_barrier()
    pltpu.sync_copy(ones_v, flsh.at[fi], add=True)
    plsc.subcore_barrier()

    @pl.when(sid == 0)
    def _flush_flags():
        pltpu.sync_copy(flsh, fl_out_hbm.at[cid])

    c1.wait()
    c2.wait()


def kernel(x, edge_index, W_proj, b_proj, W_att, b_att, edge_attr):
    del b_proj

    src = edge_index[0]
    dst = edge_index[1]
    pad = _EPAD - _E
    src_p = jnp.pad(src, (0, pad)).reshape(_NW, _NCH, _K)
    dst_p = jnp.pad(dst, (0, pad)).reshape(_NW, _NCH, _K)
    wt_pad = jnp.pad(W_proj.T, ((0, 0), (0, _PP - _P)))
    watt_pad = jnp.pad(W_att[0], (0, _PP - _P))
    batt_pad = jnp.pad(b_att, (0, _L - 1))
    ones_row = jnp.ones((_EPW,), jnp.float32)

    xp = _proj(x, wt_pad)

    logits, partials = _sc_logits(src_p, dst_p, xp, watt_pad, batt_pad)

    out2d = _copy(edge_attr)

    out_ref = jax.new_ref(out2d.reshape(_OROWS * _N))
    zeros_fl = jnp.zeros((_FDUMP + 8,), jnp.float32)
    flpart = _sc_scatter(
        logits.reshape(_NW, _EPW), partials,
        src_p.reshape(_NW, _EPW), dst_p.reshape(_NW, _EPW),
        ones_row, zeros_fl,
        out_ref,
    )
    edge_values = jax.freeze(out_ref)[:_N * _N].reshape(_N, _N)
    flags = (flpart[0, :_N] + flpart[1, :_N] > 0.0)
    flags = flags.astype(jnp.float32).reshape(_N, 1)

    agg = _mask(x, flags)
    return (agg, edge_values)

# --- scband reference (transcript-rebuilt; emitter-appended) ---
"""Pipeline reference for scband-graph-module-78889959293634 (READ-ONLY COPY).

The authoritative reference and input builder live on the scoring server;
editing this copy changes nothing except your own understanding.
"""

import jax, jax.numpy as jnp
import numpy as np

N_NODES = 10000
D_FEAT = 128
N_EDGES = 160000
D_PROJ = 200


def setup_inputs(seed: int = 0) -> dict:
    key = jax.random.key(seed)
    ks = jax.random.split(key, 8)
    x = jax.random.normal(ks[0], (N_NODES, D_FEAT), dtype=jnp.float32)
    edge_index = jax.random.randint(ks[1], (2, N_EDGES), 0, N_NODES, dtype=jnp.int32)
    # learned params of GraphLearning
    W_proj = jax.random.normal(ks[2], (D_PROJ, D_FEAT), dtype=jnp.float32) * (1.0 / np.sqrt(D_FEAT))
    b_proj = jnp.zeros((D_PROJ,), dtype=jnp.float32)
    W_att = jax.random.normal(ks[3], (1, D_PROJ), dtype=jnp.float32) * (1.0 / np.sqrt(D_PROJ))
    b_att = jnp.zeros((1,), dtype=jnp.float32)
    # edge_attr Variable held by GraphModule: dense [N, N] edge-value matrix
    edge_attr = jax.random.normal(ks[4], (N_NODES, N_NODES), dtype=jnp.float32) * 0.01
    return {"x": x, "edge_index": edge_index, "W_proj": W_proj, "b_proj": b_proj,
            "W_att": W_att, "b_att": b_att, "edge_attr": edge_attr}


def reference(x, edge_index, W_proj, b_proj, W_att, b_att, edge_attr):
    # remove_self_loops (fixed-shape masked form)
    src = edge_index[0]
    dst = edge_index[1]
    keep = src != dst
    N = x.shape[0]
    # PyG convention (source_to_target): x_i = x[target], x_j = x[source]
    x_i = jnp.take(x, dst, axis=0)
    x_j = jnp.take(x, src, axis=0)
    # message()
    x_i_proj = x_i @ W_proj.T + b_proj
    x_j_proj = x_j @ W_proj.T + b_proj
    diff = jnp.abs(x_i_proj - x_j_proj)
    alpha = diff @ W_att.T + b_att          # [E, 1]
    alpha = jax.nn.relu(alpha)
    keep_col = keep[:, None]
    logits = jnp.where(keep_col, alpha, -jnp.inf)
    x_max = jax.lax.stop_gradient(jnp.max(logits, axis=0, keepdims=True))
    unnormalized = jnp.exp(logits - x_max)
    alpha = unnormalized / jnp.sum(unnormalized, axis=0, keepdims=True)
    a = alpha[:, 0]
    # symmetric scatter-overwrite into dense edge-value matrix
    edge_values = edge_attr
    v1 = jnp.where(keep, a, edge_attr[src, dst])
    edge_values = edge_values.at[src, dst].set(v1)
    v2 = jnp.where(keep, a, edge_attr[dst, src])
    edge_values = edge_values.at[dst, src].set(v2)
    # aggregate(): scatter_('max', x_i, index=dst, dim_size=N), untouched rows -> 0
    x_i_masked = jnp.where(keep_col, x_i, -jnp.inf)
    agg = jax.ops.segment_max(x_i_masked, dst, num_segments=N)
    agg = jnp.where(jnp.isfinite(agg), agg, 0.0)
    return (agg, edge_values)

if __name__ == "__main__":
    import jax
    _d = setup_inputs()
    print(jax.jit(kernel)(*tuple(_d.values())))

</pallas_src>

<mosaic_0001>
#map = affine_map<(d0, d1) -> (0, 0)>
#map1 = affine_map<(d0, d1) -> (0)>
module attributes {stable_mosaic.version = 14 : i64} {
  func.func @new_body(%arg0: i32, %arg1: i32, %arg2: memref<32x5120xf32, #tpu.memory_space<hbm>>, %arg3: memref<32x128xf32, #tpu.memory_space<hbm>>, %arg4: memref<32x5120xi32, #tpu.memory_space<hbm>>, %arg5: memref<32x5120xi32, #tpu.memory_space<hbm>>, %arg6: memref<5120xf32, #tpu.memory_space<hbm>>, %arg7: memref<10016xf32, #tpu.memory_space<hbm>>, %arg8: memref<100080000xf32, #tpu.memory_space<hbm>>, %arg9: memref<2x10016xf32, #tpu.memory_space<hbm>>, %arg10: memref<100080000xf32, #tpu.memory_space<hbm>>, %arg11: memref<5120xi32, #tpu.memory_space<vmem>>, %arg12: memref<5120xi32, #tpu.memory_space<vmem>>, %arg13: memref<5120xf32, #tpu.memory_space<vmem>>, %arg14: memref<5120xi32, #tpu.memory_space<vmem>>, %arg15: memref<5120xi32, #tpu.memory_space<vmem>>, %arg16: memref<5120xi32, #tpu.memory_space<vmem>>, %arg17: memref<5120xf32, #tpu.memory_space<vmem>>, %arg18: memref<32x128xf32, #tpu.memory_space<vmem>>, %arg19: memref<5120xf32, #tpu.memory_space<vmem>>, %arg20: memref<10016xf32, #tpu.memory_space<vmem_shared>>, %arg21: memref<!tpu.dma_semaphore, #tpu.memory_space<semaphore_mem>>, %arg22: memref<!tpu.dma_semaphore, #tpu.memory_space<semaphore_mem>>, %arg23: memref<!tpu.dma_semaphore, #tpu.memory_space<semaphore_mem>>) attributes {dimension_semantics = [#tpu.dimension_semantics<core_parallel>, #tpu.dimension_semantics<subcore_parallel>], iteration_bounds = array<i64: 2, 16>, scalar_prefetch = 0 : i64, scratch_operands = 13 : i64, tpu.core_type = #tpu.core_type<sc_vector_subcore>, window_params = [{transform_indices = #map}, {transform_indices = #map}, {transform_indices = #map}, {transform_indices = #map}, {transform_indices = #map1}, {transform_indices = #map1}, {transform_indices = #map1}, {transform_indices = #map}, {transform_indices = #map1}]} {
    %mul3A = arith.constant 16 : i32
    %mul3A_0 = arith.muli %arg0, %mul3A : i32
    %add3A = arith.addi %mul3A_0, %arg1 : i32
    %eq3A = arith.constant 0 : i32
    %eq3A_1 = arith.cmpi eq, %arg1, %eq3A : i32
    %convert_element_type3A = arith.extui %eq3A_1 : i1 to i32
    %cond3A = arith.constant 0 : i32
    %cond3A_2 = arith.cmpi ne, %convert_element_type3A, %cond3A : i32
    scf.if %cond3A_2 {
      "tpu.region"() ({
        %run_scoped3A = tpu.sem_alloc : memref<!tpu.dma_semaphore, #tpu.memory_space<semaphore_mem>>
        tpu.enqueue_dma source(%arg7 : memref<10016xf32, #tpu.memory_space<hbm>>) target(%arg20 : memref<10016xf32, #tpu.memory_space<vmem_shared>>) target_semaphore(%run_scoped3A : memref<!tpu.dma_semaphore, #tpu.memory_space<semaphore_mem>>)
        tpu.wait_dma2 semaphore(%run_scoped3A : memref<!tpu.dma_semaphore, #tpu.memory_space<semaphore_mem>>) src(%arg7 : memref<10016xf32, #tpu.memory_space<hbm>>) dst(%arg20 : memref<10016xf32, #tpu.memory_space<vmem_shared>>)
        tpu.yield
      }) : () -> ()
    } else {
    }
    %dma_start3A = arith.constant 0 : i32
    %dma_start3A_3 = tpu.memref_slice %arg2[%add3A, %dma_start3A] : memref<32x5120xf32, #tpu.memory_space<hbm>> -> memref<1x5120xf32, #tpu.memory_space<hbm>>
    %dma_start3A_4 = tpu.memref_squeeze %dma_start3A_3 : memref<1x5120xf32, #tpu.memory_space<hbm>> -> memref<5120xf32, #tpu.memory_space<hbm>>
    %dma_start3A_5 = arith.constant 0 : i32
    %dma_start3A_6 = tpu.memref_slice %arg2[%add3A, %dma_start3A_5] : memref<32x5120xf32, #tpu.memory_space<hbm>> -> memref<1x5120xf32, #tpu.memory_space<hbm>>
    %dma_start3A_7 = tpu.memref_squeeze %dma_start3A_6 : memref<1x5120xf32, #tpu.memory_space<hbm>> -> memref<5120xf32, #tpu.memory_space<hbm>>
    tpu.enqueue_dma source(%dma_start3A_7 : memref<5120xf32, #tpu.memory_space<hbm>>) target(%arg13 : memref<5120xf32, #tpu.memory_space<vmem>>) target_semaphore(%arg21 : memref<!tpu.dma_semaphore, #tpu.memory_space<semaphore_mem>>)
    %dma_start3A_8 = arith.constant 0 : i32
    %dma_start3A_9 = tpu.memref_slice %arg4[%add3A, %dma_start3A_8] : memref<32x5120xi32, #tpu.memory_space<hbm>> -> memref<1x5120xi32, #tpu.memory_space<hbm>>
    %dma_start3A_10 = tpu.memref_squeeze %dma_start3A_9 : memref<1x5120xi32, #tpu.memory_space<hbm>> -> memref<5120xi32, #tpu.memory_space<hbm>>
    %dma_start3A_11 = arith.constant 0 : i32
    %dma_start3A_12 = tpu.memref_slice %arg4[%add3A, %dma_start3A_11] : memref<32x5120xi32, #tpu.memory_space<hbm>> -> memref<1x5120xi32, #tpu.memory_space<hbm>>
    %dma_start3A_13 = tpu.memref_squeeze %dma_start3A_12 : memref<1x5120xi32, #tpu.memory_space<hbm>> -> memref<5120xi32, #tpu.memory_space<hbm>>
    tpu.enqueue_dma source(%dma_start3A_13 : memref<5120xi32, #tpu.memory_space<hbm>>) target(%arg11 : memref<5120xi32, #tpu.memory_space<vmem>>) target_semaphore(%arg22 : memref<!tpu.dma_semaphore, #tpu.memory_space<semaphore_mem>>)
    %dma_start3A_14 = arith.constant 0 : i32
    %dma_start3A_15 = tpu.memref_slice %arg5[%add3A, %dma_start3A_14] : memref<32x5120xi32, #tpu.memory_space<hbm>> -> memref<1x5120xi32, #tpu.memory_space<hbm>>
    %dma_start3A_16 = tpu.memref_squeeze %dma_start3A_15 : memref<1x5120xi32, #tpu.memory_space<hbm>> -> memref<5120xi32, #tpu.memory_space<hbm>>
    %dma_start3A_17 = arith.constant 0 : i32
    %dma_start3A_18 = tpu.memref_slice %arg5[%add3A, %dma_start3A_17] : memref<32x5120xi32, #tpu.memory_space<hbm>> -> memref<1x5120xi32, #tpu.memory_space<hbm>>
    %dma_start3A_19 = tpu.memref_squeeze %dma_start3A_18 : memref<1x5120xi32, #tpu.memory_space<hbm>> -> memref<5120xi32, #tpu.memory_space<hbm>>
    tpu.enqueue_dma source(%dma_start3A_19 : memref<5120xi32, #tpu.memory_space<hbm>>) target(%arg12 : memref<5120xi32, #tpu.memory_space<vmem>>) target_semaphore(%arg23 : memref<!tpu.dma_semaphore, #tpu.memory_space<semaphore_mem>>)
    "tpu.region"() ({
      %run_scoped3A = tpu.sem_alloc : memref<!tpu.dma_semaphore, #tpu.memory_space<semaphore_mem>>
      tpu.enqueue_dma source(%arg3 : memref<32x128xf32, #tpu.memory_space<hbm>>) target(%arg18 : memref<32x128xf32, #tpu.memory_space<vmem>>) target_semaphore(%run_scoped3A : memref<!tpu.dma_semaphore, #tpu.memory_space<semaphore_mem>>)
      tpu.wait_dma2 semaphore(%run_scoped3A : memref<!tpu.dma_semaphore, #tpu.memory_space<semaphore_mem>>) src(%arg3 : memref<32x128xf32, #tpu.memory_space<hbm>>) dst(%arg18 : memref<32x128xf32, #tpu.memory_space<vmem>>)
      tpu.yield
    }) : () -> ()
    "tpu.region"() ({
      %run_scoped3A = tpu.sem_alloc : memref<!tpu.dma_semaphore, #tpu.memory_space<semaphore_mem>>
      tpu.enqueue_dma source(%arg6 : memref<5120xf32, #tpu.memory_space<hbm>>) target(%arg19 : memref<5120xf32, #tpu.memory_space<vmem>>) target_semaphore(%run_scoped3A : memref<!tpu.dma_semaphore, #tpu.memory_space<semaphore_mem>>)
      tpu.wait_dma2 semaphore(%run_scoped3A : memref<!tpu.dma_semaphore, #tpu.memory_space<semaphore_mem>>) src(%arg6 : memref<5120xf32, #tpu.memory_space<hbm>>) dst(%arg19 : memref<5120xf32, #tpu.memory_space<vmem>>)
      tpu.yield
    }) : () -> ()
    %dma_wait3A = arith.constant 0 : i32
    %dma_wait3A_20 = tpu.memref_slice %arg2[%add3A, %dma_wait3A] : memref<32x5120xf32, #tpu.memory_space<hbm>> -> memref<1x5120xf32, #tpu.memory_space<hbm>>
    %dma_wait3A_21 = tpu.memref_squeeze %dma_wait3A_20 : memref<1x5120xf32, #tpu.memory_space<hbm>> -> memref<5120xf32, #tpu.memory_space<hbm>>
    %dma_wait3A_22 = arith.constant 0 : i32
    %dma_wait3A_23 = tpu.memref_slice %arg2[%add3A, %dma_wait3A_22] : memref<32x5120xf32, #tpu.memory_space<hbm>> -> memref<1x5120xf32, #tpu.memory_space<hbm>>
    %dma_wait3A_24 = tpu.memref_squeeze %dma_wait3A_23 : memref<1x5120xf32, #tpu.memory_space<hbm>> -> memref<5120xf32, #tpu.memory_space<hbm>>
    tpu.wait_dma2 semaphore(%arg21 : memref<!tpu.dma_semaphore, #tpu.memory_space<semaphore_mem>>) src(%dma_wait3A_24 : memref<5120xf32, #tpu.memory_space<hbm>>) dst(%arg13 : memref<5120xf32, #tpu.memory_space<vmem>>)
    %dma_wait3A_25 = arith.constant 0 : i32
    %dma_wait3A_26 = tpu.memref_slice %arg4[%add3A, %dma_wait3A_25] : memref<32x5120xi32, #tpu.memory_space<hbm>> -> memref<1x5120xi32, #tpu.memory_space<hbm>>
    %dma_wait3A_27 = tpu.memref_squeeze %dma_wait3A_26 : memref<1x5120xi32, #tpu.memory_space<hbm>> -> memref<5120xi32, #tpu.memory_space<hbm>>
    %dma_wait3A_28 = arith.constant 0 : i32
    %dma_wait3A_29 = tpu.memref_slice %arg4[%add3A, %dma_wait3A_28] : memref<32x5120xi32, #tpu.memory_space<hbm>> -> memref<1x5120xi32, #tpu.memory_space<hbm>>
    %dma_wait3A_30 = tpu.memref_squeeze %dma_wait3A_29 : memref<1x5120xi32, #tpu.memory_space<hbm>> -> memref<5120xi32, #tpu.memory_space<hbm>>
    tpu.wait_dma2 semaphore(%arg22 : memref<!tpu.dma_semaphore, #tpu.memory_space<semaphore_mem>>) src(%dma_wait3A_30 : memref<5120xi32, #tpu.memory_space<hbm>>) dst(%arg11 : memref<5120xi32, #tpu.memory_space<vmem>>)
    %dma_wait3A_31 = arith.constant 0 : i32
    %dma_wait3A_32 = tpu.memref_slice %arg5[%add3A, %dma_wait3A_31] : memref<32x5120xi32, #tpu.memory_space<hbm>> -> memref<1x5120xi32, #tpu.memory_space<hbm>>
    %dma_wait3A_33 = tpu.memref_squeeze %dma_wait3A_32 : memref<1x5120xi32, #tpu.memory_space<hbm>> -> memref<5120xi32, #tpu.memory_space<hbm>>
    %dma_wait3A_34 = arith.constant 0 : i32
    %dma_wait3A_35 = tpu.memref_slice %arg5[%add3A, %dma_wait3A_34] : memref<32x5120xi32, #tpu.memory_space<hbm>> -> memref<1x5120xi32, #tpu.memory_space<hbm>>
    %dma_wait3A_36 = tpu.memref_squeeze %dma_wait3A_35 : memref<1x5120xi32, #tpu.memory_space<hbm>> -> memref<5120xi32, #tpu.memory_space<hbm>>
    tpu.wait_dma2 semaphore(%arg23 : memref<!tpu.dma_semaphore, #tpu.memory_space<semaphore_mem>>) src(%dma_wait3A_36 : memref<5120xi32, #tpu.memory_space<hbm>>) dst(%arg12 : memref<5120xi32, #tpu.memory_space<vmem>>)
    %iota3A = tpu.iota {dimensions = array<i32: 0>} : vector<16xi32>
    %broadcast_in_dim3A = arith.constant 0 : i32
    %broadcast_in_dim3A_37 = vector.broadcast %broadcast_in_dim3A : i32 to vector<16xi32>
    %add3A_38 = arith.constant 1 : i32
    %add3A_39 = vector.broadcast %add3A_38 : i32 to vector<16xi32>
    %add3A_40 = arith.addi %broadcast_in_dim3A_37, %add3A_39 : vector<16xi32>
    %gather3A = tpu.vector_load_idx %arg18[%iota3A, %broadcast_in_dim3A_37] : memref<32x128xf32, #tpu.memory_space<vmem>>[vector<16xi32>, vector<16xi32>], vector<16xf32>,
    %add3A_41 = arith.constant 16 : i32
    %add3A_42 = vector.broadcast %add3A_41 : i32 to vector<16xi32>
    %add3A_43 = arith.addi %iota3A, %add3A_42 : vector<16xi32>
    %gather3A_44 = tpu.vector_load_idx %arg18[%add3A_43, %broadcast_in_dim3A_37] : memref<32x128xf32, #tpu.memory_space<vmem>>[vector<16xi32>, vector<16xi32>], vector<16xf32>,
    %gather3A_45 = tpu.vector_load_idx %arg18[%iota3A, %add3A_40] : memref<32x128xf32, #tpu.memory_space<vmem>>[vector<16xi32>, vector<16xi32>], vector<16xf32>,
    %add3A_46 = arith.constant 16 : i32
    %add3A_47 = vector.broadcast %add3A_46 : i32 to vector<16xi32>
    %add3A_48 = arith.addi %iota3A, %add3A_47 : vector<16xi32>
    %gather3A_49 = tpu.vector_load_idx %arg18[%add3A_48, %add3A_40] : memref<32x128xf32, #tpu.memory_space<vmem>>[vector<16xi32>, vector<16xi32>], vector<16xf32>,
    %max3A = arith.maximumf %gather3A, %gather3A_44 : vector<16xf32>
    %reduce_max3A = arith.constant true
    %reduce_max3A_50 = vector.broadcast %reduce_max3A : i1 to vector<16xi1>
    %reduce_max3A_51 = tpu.scan <max>, %max3A masked %reduce_max3A_50 : vector<16xf32>, vector<16xi1> -> vector<16xf32>
    %reduce_max3A_52 = vector.extract %reduce_max3A_51[15] : f32 from vector<16xf32>
    %sub3A = vector.broadcast %reduce_max3A_52 : f32 to vector<16xf32>
    %sub3A_53 = arith.subf %gather3A, %sub3A : vector<16xf32>
    %exp3A = math.exp %sub3A_53 : vector<16xf32>
    %mul3A_54 = arith.mulf %gather3A_45, %exp3A : vector<16xf32>
    %reduce_sum3A = arith.constant true
    %reduce_sum3A_55 = vector.broadcast %reduce_sum3A : i1 to vector<16xi1>
    %reduce_sum3A_56 = tpu.scan <sum>, %mul3A_54 masked %reduce_sum3A_55 : vector<16xf32>, vector<16xi1> -> vector<16xf32>
    %reduce_sum3A_57 = vector.extract %reduce_sum3A_56[15] : f32 from vector<16xf32>
    %sub3A_58 = vector.broadcast %reduce_max3A_52 : f32 to vector<16xf32>
    %sub3A_59 = arith.subf %gather3A_44, %sub3A_58 : vector<16xf32>
    %exp3A_60 = math.exp %sub3A_59 : vector<16xf32>
    %mul3A_61 = arith.mulf %gather3A_49, %exp3A_60 : vector<16xf32>
    %reduce_sum3A_62 = arith.constant true
    %reduce_sum3A_63 = vector.broadcast %reduce_sum3A_62 : i1 to vector<16xi1>
    %reduce_sum3A_64 = tpu.scan <sum>, %mul3A_61 masked %reduce_sum3A_63 : vector<16xf32>, vector<16xi1> -> vector<16xf32>
    %reduce_sum3A_65 = vector.extract %reduce_sum3A_64[15] : f32 from vector<16xf32>
    %add3A_66 = arith.addf %reduce_sum3A_57, %reduce_sum3A_65 : f32
    %broadcast_in_dim3A_67 = vector.broadcast %add3A_66 : f32 to vector<16xf32>
    %div3A = arith.constant 1.000000e+00 : f32
    %div3A_68 = vector.broadcast %div3A : f32 to vector<16xf32>
    %div3A_69 = arith.divf %div3A_68, %broadcast_in_dim3A_67 : vector<16xf32>
    %scan3A = arith.constant 0 : i32
    %scan3A_70 = arith.constant 0 : i32
    %scan3A_71 = arith.constant 40 : i32
    %scan3A_72 = arith.addi %scan3A_70, %scan3A_71 : i32
    %scan3A_73 = arith.constant 1 : i32
    scf.for %scan3A_89 = %scan3A_70 to %scan3A_72 step %scan3A_73  : i32 {
      %mul3A_90 = arith.constant 128 : i32
      %mul3A_91 = arith.muli %scan3A_89, %mul3A_90 : i32
      %add3A_92 = arith.constant 0 : i32
      %add3A_93 = arith.addi %mul3A_91, %add3A_92 : i32
      %get3A = arith.index_cast %add3A_93 : i32 to index
      %get3A_94 = tpu.vector_load %arg11[%get3A] {strides = array<i32>} : memref<5120xi32, #tpu.memory_space<vmem>>, vector<16xi32>,
      %get3A_95 = arith.index_cast %add3A_93 : i32 to index
      %get3A_96 = tpu.vector_load %arg12[%get3A_95] {strides = array<i32>} : memref<5120xi32, #tpu.memory_space<vmem>>, vector<16xi32>,
      %ne3A = arith.cmpi ne, %get3A_94, %get3A_96 : vector<16xi32>
      %add3A_97 = arith.constant 100000000 : i32
      %add3A_98 = arith.addi %add3A_97, %add3A_93 : i32
      %add3A_99 = vector.broadcast %add3A_98 : i32 to vector<16xi32>
      %add3A_100 = arith.addi %add3A_99, %iota3A : vector<16xi32>
      %mul3A_101 = arith.constant 10000 : i32
      %mul3A_102 = vector.broadcast %mul3A_101 : i32 to vector<16xi32>
      %mul3A_103 = arith.muli %get3A_94, %mul3A_102 : vector<16xi32>
      %add3A_104 = arith.addi %mul3A_103, %get3A_96 : vector<16xi32>
      %select_n3A = arith.select %ne3A, %add3A_104, %add3A_100 : vector<16xi1>, vector<16xi32>
      %swap3A = arith.index_cast %add3A_93 : i32 to index
      %swap3A_105 = tpu.vector_load %arg14[%swap3A] {strides = array<i32>} : memref<5120xi32, #tpu.memory_space<vmem>>, vector<16xi32>,
      tpu.vector_store %arg14[%swap3A], %select_n3A {strides = array<i32>} : memref<5120xi32, #tpu.memory_space<vmem>>, vector<16xi32>,
      %mul3A_106 = arith.constant 10000 : i32
      %mul3A_107 = vector.broadcast %mul3A_106 : i32 to vector<16xi32>
      %mul3A_108 = arith.muli %get3A_96, %mul3A_107 : vector<16xi32>
      %add3A_109 = arith.addi %mul3A_108, %get3A_94 : vector<16xi32>
      %select_n3A_110 = arith.select %ne3A, %add3A_109, %add3A_100 : vector<16xi1>, vector<16xi32>
      %swap3A_111 = arith.index_cast %add3A_93 : i32 to index
      %swap3A_112 = tpu.vector_load %arg15[%swap3A_111] {strides = array<i32>} : memref<5120xi32, #tpu.memory_space<vmem>>, vector<16xi32>,
      tpu.vector_store %arg15[%swap3A_111], %select_n3A_110 {strides = array<i32>} : memref<5120xi32, #tpu.memory_space<vmem>>, vector<16xi32>,
      %jit3A = arith.constant 10008 : i32
      %broadcast_in_dim3A_113 = vector.broadcast %jit3A : i32 to vector<16xi32>
      %select_n3A_114 = arith.select %ne3A, %get3A_96, %broadcast_in_dim3A_113 : vector<16xi1>, vector<16xi32>
      %swap3A_115 = arith.index_cast %add3A_93 : i32 to index
      %swap3A_116 = tpu.vector_load %arg16[%swap3A_115] {strides = array<i32>} : memref<5120xi32, #tpu.memory_space<vmem>>, vector<16xi32>,
      tpu.vector_store %arg16[%swap3A_115], %select_n3A_114 {strides = array<i32>} : memref<5120xi32, #tpu.memory_space<vmem>>, vector<16xi32>,
      %get3A_117 = arith.index_cast %add3A_93 : i32 to index
      %get3A_118 = tpu.vector_load %arg13[%get3A_117] {strides = array<i32>} : memref<5120xf32, #tpu.memory_space<vmem>>, vector<16xf32>,
      %sub3A_119 = vector.broadcast %reduce_max3A_52 : f32 to vector<16xf32>
      %sub3A_120 = arith.subf %get3A_118, %sub3A_119 : vector<16xf32>
      %exp3A_121 = math.exp %sub3A_120 : vector<16xf32>
      %mul3A_122 = arith.mulf %exp3A_121, %div3A_69 : vector<16xf32>
      %swap3A_123 = arith.index_cast %add3A_93 : i32 to index
      %swap3A_124 = tpu.vector_load %arg17[%swap3A_123] {strides = array<i32>} : memref<5120xf32, #tpu.memory_space<vmem>>, vector<16xf32>,
      tpu.vector_store %arg17[%swap3A_123], %mul3A_122 {strides = array<i32>} : memref<5120xf32, #tpu.memory_space<vmem>>, vector<16xf32>,
      %add3A_125 = arith.constant 16 : i32
      %add3A_126 = arith.addi %mul3A_91, %add3A_125 : i32
      %get3A_127 = arith.index_cast %add3A_126 : i32 to index
      %get3A_128 = tpu.vector_load %arg11[%get3A_127] {strides = array<i32>} : memref<5120xi32, #tpu.memory_space<vmem>>, vector<16xi32>,
      %get3A_129 = arith.index_cast %add3A_126 : i32 to index
      %get3A_130 = tpu.vector_load %arg12[%get3A_129] {strides = array<i32>} : memref<5120xi32, #tpu.memory_space<vmem>>, vector<16xi32>,
      %ne3A_131 = arith.cmpi ne, %get3A_128, %get3A_130 : vector<16xi32>
      %add3A_132 = arith.constant 100000000 : i32
      %add3A_133 = arith.addi %add3A_132, %add3A_126 : i32
      %add3A_134 = vector.broadcast %add3A_133 : i32 to vector<16xi32>
      %add3A_135 = arith.addi %add3A_134, %iota3A : vector<16xi32>
      %mul3A_136 = arith.constant 10000 : i32
      %mul3A_137 = vector.broadcast %mul3A_136 : i32 to vector<16xi32>
      %mul3A_138 = arith.muli %get3A_128, %mul3A_137 : vector<16xi32>
      %add3A_139 = arith.addi %mul3A_138, %get3A_130 : vector<16xi32>
      %select_n3A_140 = arith.select %ne3A_131, %add3A_139, %add3A_135 : vector<16xi1>, vector<16xi32>
      %swap3A_141 = arith.index_cast %add3A_126 : i32 to index
      %swap3A_142 = tpu.vector_load %arg14[%swap3A_141] {strides = array<i32>} : memref<5120xi32, #tpu.memory_space<vmem>>, vector<16xi32>,
      tpu.vector_store %arg14[%swap3A_141], %select_n3A_140 {strides = array<i32>} : memref<5120xi32, #tpu.memory_space<vmem>>, vector<16xi32>,
      %mul3A_143 = arith.constant 10000 : i32
      %mul3A_144 = vector.broadcast %mul3A_143 : i32 to vector<16xi32>
      %mul3A_145 = arith.muli %get3A_130, %mul3A_144 : vector<16xi32>
      %add3A_146 = arith.addi %mul3A_145, %get3A_128 : vector<16xi32>
      %select_n3A_147 = arith.select %ne3A_131, %add3A_146, %add3A_135 : vector<16xi1>, vector<16xi32>
      %swap3A_148 = arith.index_cast %add3A_126 : i32 to index
      %swap3A_149 = tpu.vector_load %arg15[%swap3A_148] {strides = array<i32>} : memref<5120xi32, #tpu.memory_space<vmem>>, vector<16xi32>,
      tpu.vector_store %arg15[%swap3A_148], %select_n3A_147 {strides = array<i32>} : memref<5120xi32, #tpu.memory_space<vmem>>, vector<16xi32>,
      %jit3A_150 = arith.constant 10008 : i32
      %broadcast_in_dim3A_151 = vector.broadcast %jit3A_150 : i32 to vector<16xi32>
      %select_n3A_152 = arith.select %ne3A_131, %get3A_130, %broadcast_in_dim3A_151 : vector<16xi1>, vector<16xi32>
      %swap3A_153 = arith.index_cast %add3A_126 : i32 to index
      %swap3A_154 = tpu.vector_load %arg16[%swap3A_153] {strides = array<i32>} : memref<5120xi32, #tpu.memory_space<vmem>>, vector<16xi32>,
      tpu.vector_store %arg16[%swap3A_153], %select_n3A_152 {strides = array<i32>} : memref<5120xi32, #tpu.memory_space<vmem>>, vector<16xi32>,
      %get3A_155 = arith.index_cast %add3A_126 : i32 to index
      %get3A_156 = tpu.vector_load %arg13[%get3A_155] {strides = array<i32>} : memref<5120xf32, #tpu.memory_space<vmem>>, vector<16xf32>,
      %sub3A_157 = vector.broadcast %reduce_max3A_52 : f32 to vector<16xf32>
      %sub3A_158 = arith.subf %get3A_156, %sub3A_157 : vector<16xf32>
      %exp3A_159 = math.exp %sub3A_158 : vector<16xf32>
      %mul3A_160 = arith.mulf %exp3A_159, %div3A_69 : vector<16xf32>
      %swap3A_161 = arith.index_cast %add3A_126 : i32 to index
      %swap3A_162 = tpu.vector_load %arg17[%swap3A_161] {strides = array<i32>} : memref<5120xf32, #tpu.memory_space<vmem>>, vector<16xf32>,
      tpu.vector_store %arg17[%swap3A_161], %mul3A_160 {strides = array<i32>} : memref<5120xf32, #tpu.memory_space<vmem>>, vector<16xf32>,
      %add3A_163 = arith.constant 32 : i32
      %add3A_164 = arith.addi %mul3A_91, %add3A_163 : i32
      %get3A_165 = arith.index_cast %add3A_164 : i32 to index
      %get3A_166 = tpu.vector_load %arg11[%get3A_165] {strides = array<i32>} : memref<5120xi32, #tpu.memory_space<vmem>>, vector<16xi32>,
      %get3A_167 = arith.index_cast %add3A_164 : i32 to index
      %get3A_168 = tpu.vector_load %arg12[%get3A_167] {strides = array<i32>} : memref<5120xi32, #tpu.memory_space<vmem>>, vector<16xi32>,
      %ne3A_169 = arith.cmpi ne, %get3A_166, %get3A_168 : vector<16xi32>
      %add3A_170 = arith.constant 100000000 : i32
      %add3A_171 = arith.addi %add3A_170, %add3A_164 : i32
      %add3A_172 = vector.broadcast %add3A_171 : i32 to vector<16xi32>
      %add3A_173 = arith.addi %add3A_172, %iota3A : vector<16xi32>
      %mul3A_174 = arith.constant 10000 : i32
      %mul3A_175 = vector.broadcast %mul3A_174 : i32 to vector<16xi32>
      %mul3A_176 = arith.muli %get3A_166, %mul3A_175 : vector<16xi32>
      %add3A_177 = arith.addi %mul3A_176, %get3A_168 : vector<16xi32>
      %select_n3A_178 = arith.select %ne3A_169, %add3A_177, %add3A_173 : vector<16xi1>, vector<16xi32>
      %swap3A_179 = arith.index_cast %add3A_164 : i32 to index
      %swap3A_180 = tpu.vector_load %arg14[%swap3A_179] {strides = array<i32>} : memref<5120xi32, #tpu.memory_space<vmem>>, vector<16xi32>,
      tpu.vector_store %arg14[%swap3A_179], %select_n3A_178 {strides = array<i32>} : memref<5120xi32, #tpu.memory_space<vmem>>, vector<16xi32>,
      %mul3A_181 = arith.constant 10000 : i32
      %mul3A_182 = vector.broadcast %mul3A_181 : i32 to vector<16xi32>
      %mul3A_183 = arith.muli %get3A_168, %mul3A_182 : vector<16xi32>
      %add3A_184 = arith.addi %mul3A_183, %get3A_166 : vector<16xi32>
      %select_n3A_185 = arith.select %ne3A_169, %add3A_184, %add3A_173 : vector<16xi1>, vector<16xi32>
      %swap3A_186 = arith.index_cast %add3A_164 : i32 to index
      %swap3A_187 = tpu.vector_load %arg15[%swap3A_186] {strides = array<i32>} : memref<5120xi32, #tpu.memory_space<vmem>>, vector<16xi32>,
      tpu.vector_store %arg15[%swap3A_186], %select_n3A_185 {strides = array<i32>} : memref<5120xi32, #tpu.memory_space<vmem>>, vector<16xi32>,
      %jit3A_188 = arith.constant 10008 : i32
      %broadcast_in_dim3A_189 = vector.broadcast %jit3A_188 : i32 to vector<16xi32>
      %select_n3A_190 = arith.select %ne3A_169, %get3A_168, %broadcast_in_dim3A_189 : vector<16xi1>, vector<16xi32>
      %swap3A_191 = arith.index_cast %add3A_164 : i32 to index
      %swap3A_192 = tpu.vector_load %arg16[%swap3A_191] {strides = array<i32>} : memref<5120xi32, #tpu.memory_space<vmem>>, vector<16xi32>,
      tpu.vector_store %arg16[%swap3A_191], %select_n3A_190 {strides = array<i32>} : memref<5120xi32, #tpu.memory_space<vmem>>, vector<16xi32>,
      %get3A_193 = arith.index_cast %add3A_164 : i32 to index
      %get3A_194 = tpu.vector_load %arg13[%get3A_193] {strides = array<i32>} : memref<5120xf32, #tpu.memory_space<vmem>>, vector<16xf32>,
      %sub3A_195 = vector.broadcast %reduce_max3A_52 : f32 to vector<16xf32>
      %sub3A_196 = arith.subf %get3A_194, %sub3A_195 : vector<16xf32>
      %exp3A_197 = math.exp %sub3A_196 : vector<16xf32>
      %mul3A_198 = arith.mulf %exp3A_197, %div3A_69 : vector<16xf32>
      %swap3A_199 = arith.index_cast %add3A_164 : i32 to index
      %swap3A_200 = tpu.vector_load %arg17[%swap3A_199] {strides = array<i32>} : memref<5120xf32, #tpu.memory_space<vmem>>, vector<16xf32>,
      tpu.vector_store %arg17[%swap3A_199], %mul3A_198 {strides = array<i32>} : memref<5120xf32, #tpu.memory_space<vmem>>, vector<16xf32>,
      %add3A_201 = arith.constant 48 : i32
      %add3A_202 = arith.addi %mul3A_91, %add3A_201 : i32
      %get3A_203 = arith.index_cast %add3A_202 : i32 to index
      %get3A_204 = tpu.vector_load %arg11[%get3A_203] {strides = array<i32>} : memref<5120xi32, #tpu.memory_space<vmem>>, vector<16xi32>,
      %get3A_205 = arith.index_cast %add3A_202 : i32 to index
      %get3A_206 = tpu.vector_load %arg12[%get3A_205] {strides = array<i32>} : memref<5120xi32, #tpu.memory_space<vmem>>, vector<16xi32>,
      %ne3A_207 = arith.cmpi ne, %get3A_204, %get3A_206 : vector<16xi32>
      %add3A_208 = arith.constant 100000000 : i32
      %add3A_209 = arith.addi %add3A_208, %add3A_202 : i32
      %add3A_210 = vector.broadcast %add3A_209 : i32 to vector<16xi32>
      %add3A_211 = arith.addi %add3A_210, %iota3A : vector<16xi32>
      %mul3A_212 = arith.constant 10000 : i32
      %mul3A_213 = vector.broadcast %mul3A_212 : i32 to vector<16xi32>
      %mul3A_214 = arith.muli %get3A_204, %mul3A_213 : vector<16xi32>
      %add3A_215 = arith.addi %mul3A_214, %get3A_206 : vector<16xi32>
      %select_n3A_216 = arith.select %ne3A_207, %add3A_215, %add3A_211 : vector<16xi1>, vector<16xi32>
      %swap3A_217 = arith.index_cast %add3A_202 : i32 to index
      %swap3A_218 = tpu.vector_load %arg14[%swap3A_217] {strides = array<i32>} : memref<5120xi32, #tpu.memory_space<vmem>>, vector<16xi32>,
      tpu.vector_store %arg14[%swap3A_217], %select_n3A_216 {strides = array<i32>} : memref<5120xi32, #tpu.memory_space<vmem>>, vector<16xi32>,
      %mul3A_219 = arith.constant 10000 : i32
      %mul3A_220 = vector.broadcast %mul3A_219 : i32 to vector<16xi32>
      %mul3A_221 = arith.muli %get3A_206, %mul3A_220 : vector<16xi32>
      %add3A_222 = arith.addi %mul3A_221, %get3A_204 : vector<16xi32>
      %select_n3A_223 = arith.select %ne3A_207, %add3A_222, %add3A_211 : vector<16xi1>, vector<16xi32>
      %swap3A_224 = arith.index_cast %add3A_202 : i32 to index
      %swap3A_225 = tpu.vector_load %arg15[%swap3A_224] {strides = array<i32>} : memref<5120xi32, #tpu.memory_space<vmem>>, vector<16xi32>,
      tpu.vector_store %arg15[%swap3A_224], %select_n3A_223 {strides = array<i32>} : memref<5120xi32, #tpu.memory_space<vmem>>, vector<16xi32>,
      %jit3A_226 = arith.constant 10008 : i32
      %broadcast_in_dim3A_227 = vector.broadcast %jit3A_226 : i32 to vector<16xi32>
      %select_n3A_228 = arith.select %ne3A_207, %get3A_206, %broadcast_in_dim3A_227 : vector<16xi1>, vector<16xi32>
      %swap3A_229 = arith.index_cast %add3A_202 : i32 to index
      %swap3A_230 = tpu.vector_load %arg16[%swap3A_229] {strides = array<i32>} : memref<5120xi32, #tpu.memory_space<vmem>>, vector<16xi32>,
      tpu.vector_store %arg16[%swap3A_229], %select_n3A_228 {strides = array<i32>} : memref<5120xi32, #tpu.memory_space<vmem>>, vector<16xi32>,
      %get3A_231 = arith.index_cast %add3A_202 : i32 to index
      %get3A_232 = tpu.vector_load %arg13[%get3A_231] {strides = array<i32>} : memref<5120xf32, #tpu.memory_space<vmem>>, vector<16xf32>,
      %sub3A_233 = vector.broadcast %reduce_max3A_52 : f32 to vector<16xf32>
      %sub3A_234 = arith.subf %get3A_232, %sub3A_233 : vector<16xf32>
      %exp3A_235 = math.exp %sub3A_234 : vector<16xf32>
      %mul3A_236 = arith.mulf %exp3A_235, %div3A_69 : vector<16xf32>
      %swap3A_237 = arith.index_cast %add3A_202 : i32 to index
      %swap3A_238 = tpu.vector_load %arg17[%swap3A_237] {strides = array<i32>} : memref<5120xf32, #tpu.memory_space<vmem>>, vector<16xf32>,
      tpu.vector_store %arg17[%swap3A_237], %mul3A_236 {strides = array<i32>} : memref<5120xf32, #tpu.memory_space<vmem>>, vector<16xf32>,
      %add3A_239 = arith.constant 64 : i32
      %add3A_240 = arith.addi %mul3A_91, %add3A_239 : i32
      %get3A_241 = arith.index_cast %add3A_240 : i32 to index
      %get3A_242 = tpu.vector_load %arg11[%get3A_241] {strides = array<i32>} : memref<5120xi32, #tpu.memory_space<vmem>>, vector<16xi32>,
      %get3A_243 = arith.index_cast %add3A_240 : i32 to index
      %get3A_244 = tpu.vector_load %arg12[%get3A_243] {strides = array<i32>} : memref<5120xi32, #tpu.memory_space<vmem>>, vector<16xi32>,
      %ne3A_245 = arith.cmpi ne, %get3A_242, %get3A_244 : vector<16xi32>
      %add3A_246 = arith.constant 100000000 : i32
      %add3A_247 = arith.addi %add3A_246, %add3A_240 : i32
      %add3A_248 = vector.broadcast %add3A_247 : i32 to vector<16xi32>
      %add3A_249 = arith.addi %add3A_248, %iota3A : vector<16xi32>
      %mul3A_250 = arith.constant 10000 : i32
      %mul3A_251 = vector.broadcast %mul3A_250 : i32 to vector<16xi32>
      %mul3A_252 = arith.muli %get3A_242, %mul3A_251 : vector<16xi32>
      %add3A_253 = arith.addi %mul3A_252, %get3A_244 : vector<16xi32>
      %select_n3A_254 = arith.select %ne3A_245, %add3A_253, %add3A_249 : vector<16xi1>, vector<16xi32>
      %swap3A_255 = arith.index_cast %add3A_240 : i32 to index
      %swap3A_256 = tpu.vector_load %arg14[%swap3A_255] {strides = array<i32>} : memref<5120xi32, #tpu.memory_space<vmem>>, vector<16xi32>,
      tpu.vector_store %arg14[%swap3A_255], %select_n3A_254 {strides = array<i32>} : memref<5120xi32, #tpu.memory_space<vmem>>, vector<16xi32>,
      %mul3A_257 = arith.constant 10000 : i32
      %mul3A_258 = vector.broadcast %mul3A_257 : i32 to vector<16xi32>
      %mul3A_259 = arith.muli %get3A_244, %mul3A_258 : vector<16xi32>
      %add3A_260 = arith.addi %mul3A_259, %get3A_242 : vector<16xi32>
      %select_n3A_261 = arith.select %ne3A_245, %add3A_260, %add3A_249 : vector<16xi1>, vector<16xi32>
      %swap3A_262 = arith.index_cast %add3A_240 : i32 to index
      %swap3A_263 = tpu.vector_load %arg15[%swap3A_262] {strides = array<i32>} : memref<5120xi32, #tpu.memory_space<vmem>>, vector<16xi32>,
      tpu.vector_store %arg15[%swap3A_262], %select_n3A_261 {strides = array<i32>} : memref<5120xi32, #tpu.memory_space<vmem>>, vector<16xi32>,
      %jit3A_264 = arith.constant 10008 : i32
      %broadcast_in_dim3A_265 = vector.broadcast %jit3A_264 : i32 to vector<16xi32>
      %select_n3A_266 = arith.select %ne3A_245, %get3A_244, %broadcast_in_dim3A_265 : vector<16xi1>, vector<16xi32>
      %swap3A_267 = arith.index_cast %add3A_240 : i32 to index
      %swap3A_268 = tpu.vector_load %arg16[%swap3A_267] {strides = array<i32>} : memref<5120xi32, #tpu.memory_space<vmem>>, vector<16xi32>,
      tpu.vector_store %arg16[%swap3A_267], %select_n3A_266 {strides = array<i32>} : memref<5120xi32, #tpu.memory_space<vmem>>, vector<16xi32>,
      %get3A_269 = arith.index_cast %add3A_240 : i32 to index
      %get3A_270 = tpu.vector_load %arg13[%get3A_269] {strides = array<i32>} : memref<5120xf32, #tpu.memory_space<vmem>>, vector<16xf32>,
      %sub3A_271 = vector.broadcast %reduce_max3A_52 : f32 to vector<16xf32>
      %sub3A_272 = arith.subf %get3A_270, %sub3A_271 : vector<16xf32>
      %exp3A_273 = math.exp %sub3A_272 : vector<16xf32>
      %mul3A_274 = arith.mulf %exp3A_273, %div3A_69 : vector<16xf32>
      %swap3A_275 = arith.index_cast %add3A_240 : i32 to index
      %swap3A_276 = tpu.vector_load %arg17[%swap3A_275] {strides = array<i32>} : memref<5120xf32, #tpu.memory_space<vmem>>, vector<16xf32>,
      tpu.vector_store %arg17[%swap3A_275], %mul3A_274 {strides = array<i32>} : memref<5120xf32, #tpu.memory_space<vmem>>, vector<16xf32>,
      %add3A_277 = arith.constant 80 : i32
      %add3A_278 = arith.addi %mul3A_91, %add3A_277 : i32
      %get3A_279 = arith.index_cast %add3A_278 : i32 to index
      %get3A_280 = tpu.vector_load %arg11[%get3A_279] {strides = array<i32>} : memref<5120xi32, #tpu.memory_space<vmem>>, vector<16xi32>,
      %get3A_281 = arith.index_cast %add3A_278 : i32 to index
      %get3A_282 = tpu.vector_load %arg12[%get3A_281] {strides = array<i32>} : memref<5120xi32, #tpu.memory_space<vmem>>, vector<16xi32>,
      %ne3A_283 = arith.cmpi ne, %get3A_280, %get3A_282 : vector<16xi32>
      %add3A_284 = arith.constant 100000000 : i32
      %add3A_285 = arith.addi %add3A_284, %add3A_278 : i32
      %add3A_286 = vector.broadcast %add3A_285 : i32 to vector<16xi32>
      %add3A_287 = arith.addi %add3A_286, %iota3A : vector<16xi32>
      %mul3A_288 = arith.constant 10000 : i32
      %mul3A_289 = vector.broadcast %mul3A_288 : i32 to vector<16xi32>
      %mul3A_290 = arith.muli %get3A_280, %mul3A_289 : vector<16xi32>
      %add3A_291 = arith.addi %mul3A_290, %get3A_282 : vector<16xi32>
      %select_n3A_292 = arith.select %ne3A_283, %add3A_291, %add3A_287 : vector<16xi1>, vector<16xi32>
      %swap3A_293 = arith.index_cast %add3A_278 : i32 to index
      %swap3A_294 = tpu.vector_load %arg14[%swap3A_293] {strides = array<i32>} : memref<5120xi32, #tpu.memory_space<vmem>>, vector<16xi32>,
      tpu.vector_store %arg14[%swap3A_293], %select_n3A_292 {strides = array<i32>} : memref<5120xi32, #tpu.memory_space<vmem>>, vector<16xi32>,
      %mul3A_295 = arith.constant 10000 : i32
      %mul3A_296 = vector.broadcast %mul3A_295 : i32 to vector<16xi32>
      %mul3A_297 = arith.muli %get3A_282, %mul3A_296 : vector<16xi32>
      %add3A_298 = arith.addi %mul3A_297, %get3A_280 : vector<16xi32>
      %select_n3A_299 = arith.select %ne3A_283, %add3A_298, %add3A_287 : vector<16xi1>, vector<16xi32>
      %swap3A_300 = arith.index_cast %add3A_278 : i32 to index
      %swap3A_301 = tpu.vector_load %arg15[%swap3A_300] {strides = array<i32>} : memref<5120xi32, #tpu.memory_space<vmem>>, vector<16xi32>,
      tpu.vector_store %arg15[%swap3A_300], %select_n3A_299 {strides = array<i32>} : memref<5120xi32, #tpu.memory_space<vmem>>, vector<16xi32>,
      %jit3A_302 = arith.constant 10008 : i32
      %broadcast_in_dim3A_303 = vector.broadcast %jit3A_302 : i32 to vector<16xi32>
      %select_n3A_304 = arith.select %ne3A_283, %get3A_282, %broadcast_in_dim3A_303 : vector<16xi1>, vector<16xi32>
      %swap3A_305 = arith.index_cast %add3A_278 : i32 to index
      %swap3A_306 = tpu.vector_load %arg16[%swap3A_305] {strides = array<i32>} : memref<5120xi32, #tpu.memory_space<vmem>>, vector<16xi32>,
      tpu.vector_store %arg16[%swap3A_305], %select_n3A_304 {strides = array<i32>} : memref<5120xi32, #tpu.memory_space<vmem>>, vector<16xi32>,
      %get3A_307 = arith.index_cast %add3A_278 : i32 to index
      %get3A_308 = tpu.vector_load %arg13[%get3A_307] {strides = array<i32>} : memref<5120xf32, #tpu.memory_space<vmem>>, vector<16xf32>,
      %sub3A_309 = vector.broadcast %reduce_max3A_52 : f32 to vector<16xf32>
      %sub3A_310 = arith.subf %get3A_308, %sub3A_309 : vector<16xf32>
      %exp3A_311 = math.exp %sub3A_310 : vector<16xf32>
      %mul3A_312 = arith.mulf %exp3A_311, %div3A_69 : vector<16xf32>
      %swap3A_313 = arith.index_cast %add3A_278 : i32 to index
      %swap3A_314 = tpu.vector_load %arg17[%swap3A_313] {strides = array<i32>} : memref<5120xf32, #tpu.memory_space<vmem>>, vector<16xf32>,
      tpu.vector_store %arg17[%swap3A_313], %mul3A_312 {strides = array<i32>} : memref<5120xf32, #tpu.memory_space<vmem>>, vector<16xf32>,
      %add3A_315 = arith.constant 96 : i32
      %add3A_316 = arith.addi %mul3A_91, %add3A_315 : i32
      %get3A_317 = arith.index_cast %add3A_316 : i32 to index
      %get3A_318 = tpu.vector_load %arg11[%get3A_317] {strides = array<i32>} : memref<5120xi32, #tpu.memory_space<vmem>>, vector<16xi32>,
      %get3A_319 = arith.index_cast %add3A_316 : i32 to index
      %get3A_320 = tpu.vector_load %arg12[%get3A_319] {strides = array<i32>} : memref<5120xi32, #tpu.memory_space<vmem>>, vector<16xi32>,
      %ne3A_321 = arith.cmpi ne, %get3A_318, %get3A_320 : vector<16xi32>
      %add3A_322 = arith.constant 100000000 : i32
      %add3A_323 = arith.addi %add3A_322, %add3A_316 : i32
      %add3A_324 = vector.broadcast %add3A_323 : i32 to vector<16xi32>
      %add3A_325 = arith.addi %add3A_324, %iota3A : vector<16xi32>
      %mul3A_326 = arith.constant 10000 : i32
      %mul3A_327 = vector.broadcast %mul3A_326 : i32 to vector<16xi32>
      %mul3A_328 = arith.muli %get3A_318, %mul3A_327 : vector<16xi32>
      %add3A_329 = arith.addi %mul3A_328, %get3A_320 : vector<16xi32>
      %select_n3A_330 = arith.select %ne3A_321, %add3A_329, %add3A_325 : vector<16xi1>, vector<16xi32>
      %swap3A_331 = arith.index_cast %add3A_316 : i32 to index
      %swap3A_332 = tpu.vector_load %arg14[%swap3A_331] {strides = array<i32>} : memref<5120xi32, #tpu.memory_space<vmem>>, vector<16xi32>,
      tpu.vector_store %arg14[%swap3A_331], %select_n3A_330 {strides = array<i32>} : memref<5120xi32, #tpu.memory_space<vmem>>, vector<16xi32>,
      %mul3A_333 = arith.constant 10000 : i32
      %mul3A_334 = vector.broadcast %mul3A_333 : i32 to vector<16xi32>
      %mul3A_335 = arith.muli %get3A_320, %mul3A_334 : vector<16xi32>
      %add3A_336 = arith.addi %mul3A_335, %get3A_318 : vector<16xi32>
      %select_n3A_337 = arith.select %ne3A_321, %add3A_336, %add3A_325 : vector<16xi1>, vector<16xi32>
      %swap3A_338 = arith.index_cast %add3A_316 : i32 to index
      %swap3A_339 = tpu.vector_load %arg15[%swap3A_338] {strides = array<i32>} : memref<5120xi32, #tpu.memory_space<vmem>>, vector<16xi32>,
      tpu.vector_store %arg15[%swap3A_338], %select_n3A_337 {strides = array<i32>} : memref<5120xi32, #tpu.memory_space<vmem>>, vector<16xi32>,
      %jit3A_340 = arith.constant 10008 : i32
      %broadcast_in_dim3A_341 = vector.broadcast %jit3A_340 : i32 to vector<16xi32>
      %select_n3A_342 = arith.select %ne3A_321, %get3A_320, %broadcast_in_dim3A_341 : vector<16xi1>, vector<16xi32>
      %swap3A_343 = arith.index_cast %add3A_316 : i32 to index
      %swap3A_344 = tpu.vector_load %arg16[%swap3A_343] {strides = array<i32>} : memref<5120xi32, #tpu.memory_space<vmem>>, vector<16xi32>,
      tpu.vector_store %arg16[%swap3A_343], %select_n3A_342 {strides = array<i32>} : memref<5120xi32, #tpu.memory_space<vmem>>, vector<16xi32>,
      %get3A_345 = arith.index_cast %add3A_316 : i32 to index
      %get3A_346 = tpu.vector_load %arg13[%get3A_345] {strides = array<i32>} : memref<5120xf32, #tpu.memory_space<vmem>>, vector<16xf32>,
      %sub3A_347 = vector.broadcast %reduce_max3A_52 : f32 to vector<16xf32>
      %sub3A_348 = arith.subf %get3A_346, %sub3A_347 : vector<16xf32>
      %exp3A_349 = math.exp %sub3A_348 : vector<16xf32>
      %mul3A_350 = arith.mulf %exp3A_349, %div3A_69 : vector<16xf32>
      %swap3A_351 = arith.index_cast %add3A_316 : i32 to index
      %swap3A_352 = tpu.vector_load %arg17[%swap3A_351] {strides = array<i32>} : memref<5120xf32, #tpu.memory_space<vmem>>, vector<16xf32>,
      tpu.vector_store %arg17[%swap3A_351], %mul3A_350 {strides = array<i32>} : memref<5120xf32, #tpu.memory_space<vmem>>, vector<16xf32>,
      %add3A_353 = arith.constant 112 : i32
      %add3A_354 = arith.addi %mul3A_91, %add3A_353 : i32
      %get3A_355 = arith.index_cast %add3A_354 : i32 to index
      %get3A_356 = tpu.vector_load %arg11[%get3A_355] {strides = array<i32>} : memref<5120xi32, #tpu.memory_space<vmem>>, vector<16xi32>,
      %get3A_357 = arith.index_cast %add3A_354 : i32 to index
      %get3A_358 = tpu.vector_load %arg12[%get3A_357] {strides = array<i32>} : memref<5120xi32, #tpu.memory_space<vmem>>, vector<16xi32>,
      %ne3A_359 = arith.cmpi ne, %get3A_356, %get3A_358 : vector<16xi32>
      %add3A_360 = arith.constant 100000000 : i32
      %add3A_361 = arith.addi %add3A_360, %add3A_354 : i32
      %add3A_362 = vector.broadcast %add3A_361 : i32 to vector<16xi32>
      %add3A_363 = arith.addi %add3A_362, %iota3A : vector<16xi32>
      %mul3A_364 = arith.constant 10000 : i32
      %mul3A_365 = vector.broadcast %mul3A_364 : i32 to vector<16xi32>
      %mul3A_366 = arith.muli %get3A_356, %mul3A_365 : vector<16xi32>
      %add3A_367 = arith.addi %mul3A_366, %get3A_358 : vector<16xi32>
      %select_n3A_368 = arith.select %ne3A_359, %add3A_367, %add3A_363 : vector<16xi1>, vector<16xi32>
      %swap3A_369 = arith.index_cast %add3A_354 : i32 to index
      %swap3A_370 = tpu.vector_load %arg14[%swap3A_369] {strides = array<i32>} : memref<5120xi32, #tpu.memory_space<vmem>>, vector<16xi32>,
      tpu.vector_store %arg14[%swap3A_369], %select_n3A_368 {strides = array<i32>} : memref<5120xi32, #tpu.memory_space<vmem>>, vector<16xi32>,
      %mul3A_371 = arith.constant 10000 : i32
      %mul3A_372 = vector.broadcast %mul3A_371 : i32 to vector<16xi32>
      %mul3A_373 = arith.muli %get3A_358, %mul3A_372 : vector<16xi32>
      %add3A_374 = arith.addi %mul3A_373, %get3A_356 : vector<16xi32>
      %select_n3A_375 = arith.select %ne3A_359, %add3A_374, %add3A_363 : vector<16xi1>, vector<16xi32>
      %swap3A_376 = arith.index_cast %add3A_354 : i32 to index
      %swap3A_377 = tpu.vector_load %arg15[%swap3A_376] {strides = array<i32>} : memref<5120xi32, #tpu.memory_space<vmem>>, vector<16xi32>,
      tpu.vector_store %arg15[%swap3A_376], %select_n3A_375 {strides = array<i32>} : memref<5120xi32, #tpu.memory_space<vmem>>, vector<16xi32>,
      %jit3A_378 = arith.constant 10008 : i32
      %broadcast_in_dim3A_379 = vector.broadcast %jit3A_378 : i32 to vector<16xi32>
      %select_n3A_380 = arith.select %ne3A_359, %get3A_358, %broadcast_in_dim3A_379 : vector<16xi1>, vector<16xi32>
      %swap3A_381 = arith.index_cast %add3A_354 : i32 to index
      %swap3A_382 = tpu.vector_load %arg16[%swap3A_381] {strides = array<i32>} : memref<5120xi32, #tpu.memory_space<vmem>>, vector<16xi32>,
      tpu.vector_store %arg16[%swap3A_381], %select_n3A_380 {strides = array<i32>} : memref<5120xi32, #tpu.memory_space<vmem>>, vector<16xi32>,
      %get3A_383 = arith.index_cast %add3A_354 : i32 to index
      %get3A_384 = tpu.vector_load %arg13[%get3A_383] {strides = array<i32>} : memref<5120xf32, #tpu.memory_space<vmem>>, vector<16xf32>,
      %sub3A_385 = vector.broadcast %reduce_max3A_52 : f32 to vector<16xf32>
      %sub3A_386 = arith.subf %get3A_384, %sub3A_385 : vector<16xf32>
      %exp3A_387 = math.exp %sub3A_386 : vector<16xf32>
      %mul3A_388 = arith.mulf %exp3A_387, %div3A_69 : vector<16xf32>
      %swap3A_389 = arith.index_cast %add3A_354 : i32 to index
      %swap3A_390 = tpu.vector_load %arg17[%swap3A_389] {strides = array<i32>} : memref<5120xf32, #tpu.memory_space<vmem>>, vector<16xf32>,
      tpu.vector_store %arg17[%swap3A_389], %mul3A_388 {strides = array<i32>} : memref<5120xf32, #tpu.memory_space<vmem>>, vector<16xf32>,
    }
    %scan3A_74 = arith.constant 40 : i32
    %dma_start3A_75 = arith.constant 0 : i32
    %dma_start3A_76 = tpu.memref_slice %arg8[%dma_start3A_75] : memref<100080000xf32, #tpu.memory_space<hbm>> -> memref<100080000xf32, #tpu.memory_space<hbm>>
    tpu.enqueue_indirect_dma source(%arg17 : memref<5120xf32, #tpu.memory_space<vmem>>) target(%dma_start3A_76 : memref<100080000xf32, #tpu.memory_space<hbm>>) offsets(%arg14 : memref<5120xi32, #tpu.memory_space<vmem>>) semaphore(%arg21 : memref<!tpu.dma_semaphore, #tpu.memory_space<semaphore_mem>>)
    %dma_start3A_77 = arith.constant 0 : i32
    %dma_start3A_78 = tpu.memref_slice %arg8[%dma_start3A_77] : memref<100080000xf32, #tpu.memory_space<hbm>> -> memref<100080000xf32, #tpu.memory_space<hbm>>
    tpu.enqueue_indirect_dma source(%arg17 : memref<5120xf32, #tpu.memory_space<vmem>>) target(%dma_start3A_78 : memref<100080000xf32, #tpu.memory_space<hbm>>) offsets(%arg15 : memref<5120xi32, #tpu.memory_space<vmem>>) semaphore(%arg22 : memref<!tpu.dma_semaphore, #tpu.memory_space<semaphore_mem>>)
    %barrier3A = arith.constant 0 : index
    tpu.barrier barrier_id(%barrier3A)
    "tpu.region"() ({
      %run_scoped3A = tpu.sem_alloc : memref<!tpu.dma_semaphore, #tpu.memory_space<semaphore_mem>>
      %dma_start3A_89 = arith.constant 0 : i32
      %dma_start3A_90 = tpu.memref_slice %arg20[%dma_start3A_89] : memref<10016xf32, #tpu.memory_space<vmem_shared>> -> memref<10016xf32, #tpu.memory_space<vmem_shared>>
      tpu.enqueue_indirect_dma source(%arg19 : memref<5120xf32, #tpu.memory_space<vmem>>) target(%dma_start3A_90 : memref<10016xf32, #tpu.memory_space<vmem_shared>>) offsets(%arg16 : memref<5120xi32, #tpu.memory_space<vmem>>) semaphore(%run_scoped3A : memref<!tpu.dma_semaphore, #tpu.memory_space<semaphore_mem>>) {add = true}
      %dma_wait3A_91 = arith.constant 0 : i32
      %dma_wait3A_92 = tpu.memref_slice %arg20[%dma_wait3A_91] : memref<10016xf32, #tpu.memory_space<vmem_shared>> -> memref<10016xf32, #tpu.memory_space<vmem_shared>>
      tpu.wait_indirect_dma semaphore(%run_scoped3A : memref<!tpu.dma_semaphore, #tpu.memory_space<semaphore_mem>>) src(%arg19 : memref<5120xf32, #tpu.memory_space<vmem>>) dst(%dma_wait3A_92 : memref<10016xf32, #tpu.memory_space<vmem_shared>>)
      tpu.yield
    }) : () -> ()
    %barrier3A_79 = arith.constant 0 : index
    tpu.barrier barrier_id(%barrier3A_79)
    %eq3A_80 = arith.constant 0 : i32
    %eq3A_81 = arith.cmpi eq, %arg1, %eq3A_80 : i32
    %convert_element_type3A_82 = arith.extui %eq3A_81 : i1 to i32
    %cond3A_83 = arith.constant 0 : i32
    %cond3A_84 = arith.cmpi ne, %convert_element_type3A_82, %cond3A_83 : i32
    scf.if %cond3A_84 {
      "tpu.region"() ({
        %run_scoped3A = tpu.sem_alloc : memref<!tpu.dma_semaphore, #tpu.memory_space<semaphore_mem>>
        %dma_start3A_89 = arith.constant 0 : i32
        %dma_start3A_90 = tpu.memref_slice %arg9[%arg0, %dma_start3A_89] : memref<2x10016xf32, #tpu.memory_space<hbm>> -> memref<1x10016xf32, #tpu.memory_space<hbm>>
        %dma_start3A_91 = tpu.memref_squeeze %dma_start3A_90 : memref<1x10016xf32, #tpu.memory_space<hbm>> -> memref<10016xf32, #tpu.memory_space<hbm>>
        tpu.enqueue_dma source(%arg20 : memref<10016xf32, #tpu.memory_space<vmem_shared>>) target(%dma_start3A_91 : memref<10016xf32, #tpu.memory_space<hbm>>) target_semaphore(%run_scoped3A : memref<!tpu.dma_semaphore, #tpu.memory_space<semaphore_mem>>)
        %dma_wait3A_92 = arith.constant 0 : i32
        %dma_wait3A_93 = tpu.memref_slice %arg9[%arg0, %dma_wait3A_92] : memref<2x10016xf32, #tpu.memory_space<hbm>> -> memref<1x10016xf32, #tpu.memory_space<hbm>>
        %dma_wait3A_94 = tpu.memref_squeeze %dma_wait3A_93 : memref<1x10016xf32, #tpu.memory_space<hbm>> -> memref<10016xf32, #tpu.memory_space<hbm>>
        tpu.wait_dma2 semaphore(%run_scoped3A : memref<!tpu.dma_semaphore, #tpu.memory_space<semaphore_mem>>) src(%arg20 : memref<10016xf32, #tpu.memory_space<vmem_shared>>) dst(%dma_wait3A_94 : memref<10016xf32, #tpu.memory_space<hbm>>)
        tpu.yield
      }) : () -> ()
    } else {
    }
    %dma_wait3A_85 = arith.constant 0 : i32
    %dma_wait3A_86 = tpu.memref_slice %arg8[%dma_wait3A_85] : memref<100080000xf32, #tpu.memory_space<hbm>> -> memref<100080000xf32, #tpu.memory_space<hbm>>
    tpu.wait_indirect_dma semaphore(%arg21 : memref<!tpu.dma_semaphore, #tpu.memory_space<semaphore_mem>>) src(%arg17 : memref<5120xf32, #tpu.memory_space<vmem>>) dst(%dma_wait3A_86 : memref<100080000xf32, #tpu.memory_space<hbm>>)
    %dma_wait3A_87 = arith.constant 0 : i32
    %dma_wait3A_88 = tpu.memref_slice %arg8[%dma_wait3A_87] : memref<100080000xf32, #tpu.memory_space<hbm>> -> memref<100080000xf32, #tpu.memory_space<hbm>>
    tpu.wait_indirect_dma semaphore(%arg22 : memref<!tpu.dma_semaphore, #tpu.memory_space<semaphore_mem>>) src(%arg17 : memref<5120xf32, #tpu.memory_space<vmem>>) dst(%dma_wait3A_88 : memref<100080000xf32, #tpu.memory_space<hbm>>)
    return
  }
}

#map = affine_map<(d0, d1) -> (0, 0, 0)>
#map1 = affine_map<(d0, d1) -> (0, 0)>
#map2 = affine_map<(d0, d1) -> (0)>
module attributes {stable_mosaic.version = 14 : i64} {
  func.func @_sc_logits(%arg0: i32, %arg1: i32, %arg2: memref<32x40x128xi32, #tpu.memory_space<hbm>>, %arg3: memref<32x40x128xi32, #tpu.memory_space<hbm>>, %arg4: memref<10000x256xf32, #tpu.memory_space<hbm>>, %arg5: memref<256xf32, #tpu.memory_space<hbm>>, %arg6: memref<16xf32, #tpu.memory_space<hbm>>, %arg7: memref<32x40x128xf32, #tpu.memory_space<hbm>>, %arg8: memref<32x128xf32, #tpu.memory_space<hbm>>, %arg9: memref<40x128xi32, #tpu.memory_space<vmem>>, %arg10: memref<40x128xi32, #tpu.memory_space<vmem>>, %arg11: memref<64x256xf32, #tpu.memory_space<vmem>>, %arg12: memref<64x256xf32, #tpu.memory_space<vmem>>, %arg13: memref<64x256xf32, #tpu.memory_space<vmem>>, %arg14: memref<64x256xf32, #tpu.memory_space<vmem>>, %arg15: memref<64x16xf32, #tpu.memory_space<vmem>>, %arg16: memref<40x128xf32, #tpu.memory_space<vmem>>, %arg17: memref<256xf32, #tpu.memory_space<vmem>>, %arg18: memref<16xf32, #tpu.memory_space<vmem>>, %arg19: memref<128xf32, #tpu.memory_space<vmem>>, %arg20: memref<!tpu.dma_semaphore, #tpu.memory_space<semaphore_mem>>, %arg21: memref<!tpu.dma_semaphore, #tpu.memory_space<semaphore_mem>>, %arg22: memref<!tpu.dma_semaphore, #tpu.memory_space<semaphore_mem>>, %arg23: memref<!tpu.dma_semaphore, #tpu.memory_space<semaphore_mem>>) attributes {dimension_semantics = [#tpu.dimension_semantics<core_parallel>, #tpu.dimension_semantics<subcore_parallel>], iteration_bounds = array<i64: 2, 16>, scalar_prefetch = 0 : i64, scratch_operands = 15 : i64, tpu.core_type = #tpu.core_type<sc_vector_subcore>, window_params = [{transform_indices = #map}, {transform_indices = #map}, {transform_indices = #map1}, {transform_indices = #map2}, {transform_indices = #map2}, {transform_indices = #map}, {transform_indices = #map1}]} {
    %mul3A = arith.constant 16 : i32
    %mul3A_0 = arith.muli %arg0, %mul3A : i32
    %add3A = arith.addi %mul3A_0, %arg1 : i32
    "tpu.region"() ({
      %run_scoped3A = tpu.sem_alloc : memref<!tpu.dma_semaphore, #tpu.memory_space<semaphore_mem>>
      %dma_start3A_124 = arith.constant 0 : i32
      %dma_start3A_125 = arith.constant 0 : i32
      %dma_start3A_126 = tpu.memref_slice %arg2[%add3A, %dma_start3A_124, %dma_start3A_125] : memref<32x40x128xi32, #tpu.memory_space<hbm>> -> memref<1x40x128xi32, #tpu.memory_space<hbm>>
      %dma_start3A_127 = tpu.memref_squeeze %dma_start3A_126 : memref<1x40x128xi32, #tpu.memory_space<hbm>> -> memref<40x128xi32, #tpu.memory_space<hbm>>
      %dma_start3A_128 = arith.constant 0 : i32
      %dma_start3A_129 = arith.constant 0 : i32
      %dma_start3A_130 = tpu.memref_slice %arg2[%add3A, %dma_start3A_128, %dma_start3A_129] : memref<32x40x128xi32, #tpu.memory_space<hbm>> -> memref<1x40x128xi32, #tpu.memory_space<hbm>>
      %dma_start3A_131 = tpu.memref_squeeze %dma_start3A_130 : memref<1x40x128xi32, #tpu.memory_space<hbm>> -> memref<40x128xi32, #tpu.memory_space<hbm>>
      tpu.enqueue_dma source(%dma_start3A_131 : memref<40x128xi32, #tpu.memory_space<hbm>>) target(%arg9 : memref<40x128xi32, #tpu.memory_space<vmem>>) target_semaphore(%run_scoped3A : memref<!tpu.dma_semaphore, #tpu.memory_space<semaphore_mem>>)
      %dma_wait3A_132 = arith.constant 0 : i32
      %dma_wait3A_133 = arith.constant 0 : i32
      %dma_wait3A_134 = tpu.memref_slice %arg2[%add3A, %dma_wait3A_132, %dma_wait3A_133] : memref<32x40x128xi32, #tpu.memory_space<hbm>> -> memref<1x40x128xi32, #tpu.memory_space<hbm>>
      %dma_wait3A_135 = tpu.memref_squeeze %dma_wait3A_134 : memref<1x40x128xi32, #tpu.memory_space<hbm>> -> memref<40x128xi32, #tpu.memory_space<hbm>>
      %dma_wait3A_136 = arith.constant 0 : i32
      %dma_wait3A_137 = arith.constant 0 : i32
      %dma_wait3A_138 = tpu.memref_slice %arg2[%add3A, %dma_wait3A_136, %dma_wait3A_137] : memref<32x40x128xi32, #tpu.memory_space<hbm>> -> memref<1x40x128xi32, #tpu.memory_space<hbm>>
      %dma_wait3A_139 = tpu.memref_squeeze %dma_wait3A_138 : memref<1x40x128xi32, #tpu.memory_space<hbm>> -> memref<40x128xi32, #tpu.memory_space<hbm>>
      tpu.wait_dma2 semaphore(%run_scoped3A : memref<!tpu.dma_semaphore, #tpu.memory_space<semaphore_mem>>) src(%dma_wait3A_139 : memref<40x128xi32, #tpu.memory_space<hbm>>) dst(%arg9 : memref<40x128xi32, #tpu.memory_space<vmem>>)
      tpu.yield
    }) : () -> ()
    "tpu.region"() ({
      %run_scoped3A = tpu.sem_alloc : memref<!tpu.dma_semaphore, #tpu.memory_space<semaphore_mem>>
      %dma_start3A_124 = arith.constant 0 : i32
      %dma_start3A_125 = arith.constant 0 : i32
      %dma_start3A_126 = tpu.memref_slice %arg3[%add3A, %dma_start3A_124, %dma_start3A_125] : memref<32x40x128xi32, #tpu.memory_space<hbm>> -> memref<1x40x128xi32, #tpu.memory_space<hbm>>
      %dma_start3A_127 = tpu.memref_squeeze %dma_start3A_126 : memref<1x40x128xi32, #tpu.memory_space<hbm>> -> memref<40x128xi32, #tpu.memory_space<hbm>>
      %dma_start3A_128 = arith.constant 0 : i32
      %dma_start3A_129 = arith.constant 0 : i32
      %dma_start3A_130 = tpu.memref_slice %arg3[%add3A, %dma_start3A_128, %dma_start3A_129] : memref<32x40x128xi32, #tpu.memory_space<hbm>> -> memref<1x40x128xi32, #tpu.memory_space<hbm>>
      %dma_start3A_131 = tpu.memref_squeeze %dma_start3A_130 : memref<1x40x128xi32, #tpu.memory_space<hbm>> -> memref<40x128xi32, #tpu.memory_space<hbm>>
      tpu.enqueue_dma source(%dma_start3A_131 : memref<40x128xi32, #tpu.memory_space<hbm>>) target(%arg10 : memref<40x128xi32, #tpu.memory_space<vmem>>) target_semaphore(%run_scoped3A : memref<!tpu.dma_semaphore, #tpu.memory_space<semaphore_mem>>)
      %dma_wait3A_132 = arith.constant 0 : i32
      %dma_wait3A_133 = arith.constant 0 : i32
      %dma_wait3A_134 = tpu.memref_slice %arg3[%add3A, %dma_wait3A_132, %dma_wait3A_133] : memref<32x40x128xi32, #tpu.memory_space<hbm>> -> memref<1x40x128xi32, #tpu.memory_space<hbm>>
      %dma_wait3A_135 = tpu.memref_squeeze %dma_wait3A_134 : memref<1x40x128xi32, #tpu.memory_space<hbm>> -> memref<40x128xi32, #tpu.memory_space<hbm>>
      %dma_wait3A_136 = arith.constant 0 : i32
      %dma_wait3A_137 = arith.constant 0 : i32
      %dma_wait3A_138 = tpu.memref_slice %arg3[%add3A, %dma_wait3A_136, %dma_wait3A_137] : memref<32x40x128xi32, #tpu.memory_space<hbm>> -> memref<1x40x128xi32, #tpu.memory_space<hbm>>
      %dma_wait3A_139 = tpu.memref_squeeze %dma_wait3A_138 : memref<1x40x128xi32, #tpu.memory_space<hbm>> -> memref<40x128xi32, #tpu.memory_space<hbm>>
      tpu.wait_dma2 semaphore(%run_scoped3A : memref<!tpu.dma_semaphore, #tpu.memory_space<semaphore_mem>>) src(%dma_wait3A_139 : memref<40x128xi32, #tpu.memory_space<hbm>>) dst(%arg10 : memref<40x128xi32, #tpu.memory_space<vmem>>)
      tpu.yield
    }) : () -> ()
    "tpu.region"() ({
      %run_scoped3A = tpu.sem_alloc : memref<!tpu.dma_semaphore, #tpu.memory_space<semaphore_mem>>
      tpu.enqueue_dma source(%arg5 : memref<256xf32, #tpu.memory_space<hbm>>) target(%arg17 : memref<256xf32, #tpu.memory_space<vmem>>) target_semaphore(%run_scoped3A : memref<!tpu.dma_semaphore, #tpu.memory_space<semaphore_mem>>)
      tpu.wait_dma2 semaphore(%run_scoped3A : memref<!tpu.dma_semaphore, #tpu.memory_space<semaphore_mem>>) src(%arg5 : memref<256xf32, #tpu.memory_space<hbm>>) dst(%arg17 : memref<256xf32, #tpu.memory_space<vmem>>)
      tpu.yield
    }) : () -> ()
    "tpu.region"() ({
      %run_scoped3A = tpu.sem_alloc : memref<!tpu.dma_semaphore, #tpu.memory_space<semaphore_mem>>
      tpu.enqueue_dma source(%arg6 : memref<16xf32, #tpu.memory_space<hbm>>) target(%arg18 : memref<16xf32, #tpu.memory_space<vmem>>) target_semaphore(%run_scoped3A : memref<!tpu.dma_semaphore, #tpu.memory_space<semaphore_mem>>)
      tpu.wait_dma2 semaphore(%run_scoped3A : memref<!tpu.dma_semaphore, #tpu.memory_space<semaphore_mem>>) src(%arg6 : memref<16xf32, #tpu.memory_space<hbm>>) dst(%arg18 : memref<16xf32, #tpu.memory_space<vmem>>)
      tpu.yield
    }) : () -> ()
    %get3A = arith.constant 0 : index
    %get3A_1 = tpu.vector_load %arg18[%get3A] {strides = array<i32>} : memref<16xf32, #tpu.memory_space<vmem>>, vector<16xf32>,
    %slice3A = vector.extract_strided_slice %get3A_1 {offsets = [0], sizes = [1], strides = [1]} : vector<16xf32> to vector<1xf32>
    %squeeze3A = vector.extract %slice3A[0] : f32 from vector<1xf32>
    %iota3A = tpu.iota {dimensions = array<i32: 0>} : vector<16xi32>
    %get3A_2 = arith.constant 0 : index
    %get3A_3 = tpu.vector_load %arg17[%get3A_2] {strides = array<i32>} : memref<256xf32, #tpu.memory_space<vmem>>, vector<16xf32>,
    %get3A_4 = arith.constant 16 : index
    %get3A_5 = tpu.vector_load %arg17[%get3A_4] {strides = array<i32>} : memref<256xf32, #tpu.memory_space<vmem>>, vector<16xf32>,
    %get3A_6 = arith.constant 32 : index
    %get3A_7 = tpu.vector_load %arg17[%get3A_6] {strides = array<i32>} : memref<256xf32, #tpu.memory_space<vmem>>, vector<16xf32>,
    %get3A_8 = arith.constant 48 : index
    %get3A_9 = tpu.vector_load %arg17[%get3A_8] {strides = array<i32>} : memref<256xf32, #tpu.memory_space<vmem>>, vector<16xf32>,
    %get3A_10 = arith.constant 64 : index
    %get3A_11 = tpu.vector_load %arg17[%get3A_10] {strides = array<i32>} : memref<256xf32, #tpu.memory_space<vmem>>, vector<16xf32>,
    %get3A_12 = arith.constant 80 : index
    %get3A_13 = tpu.vector_load %arg17[%get3A_12] {strides = array<i32>} : memref<256xf32, #tpu.memory_space<vmem>>, vector<16xf32>,
    %get3A_14 = arith.constant 96 : index
    %get3A_15 = tpu.vector_load %arg17[%get3A_14] {strides = array<i32>} : memref<256xf32, #tpu.memory_space<vmem>>, vector<16xf32>,
    %get3A_16 = arith.constant 112 : index
    %get3A_17 = tpu.vector_load %arg17[%get3A_16] {strides = array<i32>} : memref<256xf32, #tpu.memory_space<vmem>>, vector<16xf32>,
    %get3A_18 = arith.constant 128 : index
    %get3A_19 = tpu.vector_load %arg17[%get3A_18] {strides = array<i32>} : memref<256xf32, #tpu.memory_space<vmem>>, vector<16xf32>,
    %get3A_20 = arith.constant 144 : index
    %get3A_21 = tpu.vector_load %arg17[%get3A_20] {strides = array<i32>} : memref<256xf32, #tpu.memory_space<vmem>>, vector<16xf32>,
    %get3A_22 = arith.constant 160 : index
    %get3A_23 = tpu.vector_load %arg17[%get3A_22] {strides = array<i32>} : memref<256xf32, #tpu.memory_space<vmem>>, vector<16xf32>,
    %get3A_24 = arith.constant 176 : index
    %get3A_25 = tpu.vector_load %arg17[%get3A_24] {strides = array<i32>} : memref<256xf32, #tpu.memory_space<vmem>>, vector<16xf32>,
    %get3A_26 = arith.constant 192 : index
    %get3A_27 = tpu.vector_load %arg17[%get3A_26] {strides = array<i32>} : memref<256xf32, #tpu.memory_space<vmem>>, vector<16xf32>,
    %get3A_28 = arith.constant 208 : index
    %get3A_29 = tpu.vector_load %arg17[%get3A_28] {strides = array<i32>} : memref<256xf32, #tpu.memory_space<vmem>>, vector<16xf32>,
    %get3A_30 = arith.constant 224 : index
    %get3A_31 = tpu.vector_load %arg17[%get3A_30] {strides = array<i32>} : memref<256xf32, #tpu.memory_space<vmem>>, vector<16xf32>,
    %get3A_32 = arith.constant 240 : index
    %get3A_33 = tpu.vector_load %arg17[%get3A_32] {strides = array<i32>} : memref<256xf32, #tpu.memory_space<vmem>>, vector<16xf32>,
    %dma_start3A = arith.constant 0 : i32
    %dma_start3A_34 = arith.constant 0 : i32
    %dma_start3A_35 = tpu.memref_slice %arg9[%dma_start3A, %dma_start3A_34] : memref<40x128xi32, #tpu.memory_space<vmem>> -> memref<1x64xi32, #tpu.memory_space<vmem>>
    %dma_start3A_36 = tpu.memref_squeeze %dma_start3A_35 : memref<1x64xi32, #tpu.memory_space<vmem>> -> memref<64xi32, #tpu.memory_space<vmem>>
    %dma_start3A_37 = arith.constant 0 : i32
    %dma_start3A_38 = arith.constant 0 : i32
    %dma_start3A_39 = tpu.memref_slice %arg4[%dma_start3A_37, %dma_start3A_38] : memref<10000x256xf32, #tpu.memory_space<hbm>> -> memref<10000x256xf32, #tpu.memory_space<hbm>>
    tpu.enqueue_indirect_dma source(%dma_start3A_39 : memref<10000x256xf32, #tpu.memory_space<hbm>>) target(%arg11 : memref<64x256xf32, #tpu.memory_space<vmem>>) offsets(%dma_start3A_36 : memref<64xi32, #tpu.memory_space<vmem>>) semaphore(%arg20 : memref<!tpu.dma_semaphore, #tpu.memory_space<semaphore_mem>>)
    %dma_start3A_40 = arith.constant 0 : i32
    %dma_start3A_41 = arith.constant 0 : i32
    %dma_start3A_42 = tpu.memref_slice %arg10[%dma_start3A_40, %dma_start3A_41] : memref<40x128xi32, #tpu.memory_space<vmem>> -> memref<1x64xi32, #tpu.memory_space<vmem>>
    %dma_start3A_43 = tpu.memref_squeeze %dma_start3A_42 : memref<1x64xi32, #tpu.memory_space<vmem>> -> memref<64xi32, #tpu.memory_space<vmem>>
    %dma_start3A_44 = arith.constant 0 : i32
    %dma_start3A_45 = arith.constant 0 : i32
    %dma_start3A_46 = tpu.memref_slice %arg4[%dma_start3A_44, %dma_start3A_45] : memref<10000x256xf32, #tpu.memory_space<hbm>> -> memref<10000x256xf32, #tpu.memory_space<hbm>>
    tpu.enqueue_indirect_dma source(%dma_start3A_46 : memref<10000x256xf32, #tpu.memory_space<hbm>>) target(%arg12 : memref<64x256xf32, #tpu.memory_space<vmem>>) offsets(%dma_start3A_43 : memref<64xi32, #tpu.memory_space<vmem>>) semaphore(%arg21 : memref<!tpu.dma_semaphore, #tpu.memory_space<semaphore_mem>>)
    %scan3A = arith.constant 0 : i32
    %scan3A_47 = arith.constant 0 : i32
    %scan3A_48 = arith.constant 40 : i32
    %scan3A_49 = arith.addi %scan3A_47, %scan3A_48 : i32
    %scan3A_50 = arith.constant 1 : i32
    scf.for %scan3A_124 = %scan3A_47 to %scan3A_49 step %scan3A_50  : i32 {
      %mul3A_125 = arith.constant 2 : i32
      %mul3A_126 = arith.muli %mul3A_125, %scan3A_124 : i32
      %add3A_127 = arith.constant 1 : i32
      %add3A_128 = arith.addi %mul3A_126, %add3A_127 : i32
      %jit3A_129 = arith.constant 2 : i32
      %div3A = arith.divsi %add3A_128, %jit3A_129 : i32
      %sign3A = arith.constant 0 : i32
      %sign3A_130 = arith.cmpi sgt, %add3A_128, %sign3A : i32
      %sign3A_131 = arith.extui %sign3A_130 : i1 to i32
      %sign3A_132 = arith.constant 0 : i32
      %sign3A_133 = arith.cmpi slt, %add3A_128, %sign3A_132 : i32
      %sign3A_134 = arith.extui %sign3A_133 : i1 to i32
      %sign3A_135 = arith.subi %sign3A_131, %sign3A_134 : i32
      %sign3A_136 = arith.constant 0 : i32
      %sign3A_137 = arith.cmpi sgt, %jit3A_129, %sign3A_136 : i32
      %sign3A_138 = arith.extui %sign3A_137 : i1 to i32
      %sign3A_139 = arith.constant 0 : i32
      %sign3A_140 = arith.cmpi slt, %jit3A_129, %sign3A_139 : i32
      %sign3A_141 = arith.extui %sign3A_140 : i1 to i32
      %sign3A_142 = arith.subi %sign3A_138, %sign3A_141 : i32
      %ne3A = arith.cmpi ne, %sign3A_135, %sign3A_142 : i32
      %rem3A = arith.remsi %add3A_128, %jit3A_129 : i32
      %ne3A_143 = arith.constant 0 : i32
      %ne3A_144 = arith.cmpi ne, %rem3A, %ne3A_143 : i32
      %and3A = arith.andi %ne3A, %ne3A_144 : i1
      %sub3A = arith.constant 1 : i32
      %sub3A_145 = arith.subi %div3A, %sub3A : i32
      %select_n3A_146 = arith.select %and3A, %sub3A_145, %div3A : i32
      %jit3A_147 = arith.constant 2 : i32
      %eq3A_148 = arith.constant 0 : i32
      %eq3A_149 = arith.cmpi eq, %jit3A_147, %eq3A_148 : i32
      %jit3A_150 = arith.constant 1 : i32
      %select_n3A_151 = arith.select %eq3A_149, %jit3A_150, %jit3A_147 : i32
      %rem3A_152 = arith.remsi %add3A_128, %select_n3A_151 : i32
      %ne3A_153 = arith.constant 0 : i32
      %ne3A_154 = arith.cmpi ne, %rem3A_152, %ne3A_153 : i32
      %lt3A = arith.constant 0 : i32
      %lt3A_155 = arith.cmpi slt, %rem3A_152, %lt3A : i32
      %lt3A_156 = arith.constant 0 : i32
      %lt3A_157 = arith.cmpi slt, %select_n3A_151, %lt3A_156 : i32
      %ne3A_158 = arith.xori %lt3A_155, %lt3A_157 : i1
      %and3A_159 = arith.andi %ne3A_158, %ne3A_154 : i1
      %add3A_160 = arith.addi %rem3A_152, %select_n3A_151 : i32
      %select_n3A_161 = arith.select %and3A_159, %add3A_160, %rem3A_152 : i32
      %mul3A_162 = arith.constant 64 : i32
      %mul3A_163 = arith.muli %select_n3A_161, %mul3A_162 : i32
      %dma_start3A_164 = tpu.memref_slice %arg9[%select_n3A_146, %mul3A_163] : memref<40x128xi32, #tpu.memory_space<vmem>> -> memref<1x64xi32, #tpu.memory_space<vmem>>
      %dma_start3A_165 = tpu.memref_squeeze %dma_start3A_164 : memref<1x64xi32, #tpu.memory_space<vmem>> -> memref<64xi32, #tpu.memory_space<vmem>>
      %dma_start3A_166 = arith.constant 0 : i32
      %dma_start3A_167 = arith.constant 0 : i32
      %dma_start3A_168 = tpu.memref_slice %arg4[%dma_start3A_166, %dma_start3A_167] : memref<10000x256xf32, #tpu.memory_space<hbm>> -> memref<10000x256xf32, #tpu.memory_space<hbm>>
      tpu.enqueue_indirect_dma source(%dma_start3A_168 : memref<10000x256xf32, #tpu.memory_space<hbm>>) target(%arg13 : memref<64x256xf32, #tpu.memory_space<vmem>>) offsets(%dma_start3A_165 : memref<64xi32, #tpu.memory_space<vmem>>) semaphore(%arg22 : memref<!tpu.dma_semaphore, #tpu.memory_space<semaphore_mem>>)
      %dma_start3A_169 = tpu.memref_slice %arg10[%select_n3A_146, %mul3A_163] : memref<40x128xi32, #tpu.memory_space<vmem>> -> memref<1x64xi32, #tpu.memory_space<vmem>>
      %dma_start3A_170 = tpu.memref_squeeze %dma_start3A_169 : memref<1x64xi32, #tpu.memory_space<vmem>> -> memref<64xi32, #tpu.memory_space<vmem>>
      %dma_start3A_171 = arith.constant 0 : i32
      %dma_start3A_172 = arith.constant 0 : i32
      %dma_start3A_173 = tpu.memref_slice %arg4[%dma_start3A_171, %dma_start3A_172] : memref<10000x256xf32, #tpu.memory_space<hbm>> -> memref<10000x256xf32, #tpu.memory_space<hbm>>
      tpu.enqueue_indirect_dma source(%dma_start3A_173 : memref<10000x256xf32, #tpu.memory_space<hbm>>) target(%arg14 : memref<64x256xf32, #tpu.memory_space<vmem>>) offsets(%dma_start3A_170 : memref<64xi32, #tpu.memory_space<vmem>>) semaphore(%arg23 : memref<!tpu.dma_semaphore, #tpu.memory_space<semaphore_mem>>)
      %jit3A_174 = arith.constant 2 : i32
      %div3A_175 = arith.divsi %mul3A_126, %jit3A_174 : i32
      %sign3A_176 = arith.constant 0 : i32
      %sign3A_177 = arith.cmpi sgt, %mul3A_126, %sign3A_176 : i32
      %sign3A_178 = arith.extui %sign3A_177 : i1 to i32
      %sign3A_179 = arith.constant 0 : i32
      %sign3A_180 = arith.cmpi slt, %mul3A_126, %sign3A_179 : i32
      %sign3A_181 = arith.extui %sign3A_180 : i1 to i32
      %sign3A_182 = arith.subi %sign3A_178, %sign3A_181 : i32
      %sign3A_183 = arith.constant 0 : i32
      %sign3A_184 = arith.cmpi sgt, %jit3A_174, %sign3A_183 : i32
      %sign3A_185 = arith.extui %sign3A_184 : i1 to i32
      %sign3A_186 = arith.constant 0 : i32
      %sign3A_187 = arith.cmpi slt, %jit3A_174, %sign3A_186 : i32
      %sign3A_188 = arith.extui %sign3A_187 : i1 to i32
      %sign3A_189 = arith.subi %sign3A_185, %sign3A_188 : i32
      %ne3A_190 = arith.cmpi ne, %sign3A_182, %sign3A_189 : i32
      %rem3A_191 = arith.remsi %mul3A_126, %jit3A_174 : i32
      %ne3A_192 = arith.constant 0 : i32
      %ne3A_193 = arith.cmpi ne, %rem3A_191, %ne3A_192 : i32
      %and3A_194 = arith.andi %ne3A_190, %ne3A_193 : i1
      %sub3A_195 = arith.constant 1 : i32
      %sub3A_196 = arith.subi %div3A_175, %sub3A_195 : i32
      %select_n3A_197 = arith.select %and3A_194, %sub3A_196, %div3A_175 : i32
      %jit3A_198 = arith.constant 2 : i32
      %eq3A_199 = arith.constant 0 : i32
      %eq3A_200 = arith.cmpi eq, %jit3A_198, %eq3A_199 : i32
      %jit3A_201 = arith.constant 1 : i32
      %select_n3A_202 = arith.select %eq3A_200, %jit3A_201, %jit3A_198 : i32
      %rem3A_203 = arith.remsi %mul3A_126, %select_n3A_202 : i32
      %ne3A_204 = arith.constant 0 : i32
      %ne3A_205 = arith.cmpi ne, %rem3A_203, %ne3A_204 : i32
      %lt3A_206 = arith.constant 0 : i32
      %lt3A_207 = arith.cmpi slt, %rem3A_203, %lt3A_206 : i32
      %lt3A_208 = arith.constant 0 : i32
      %lt3A_209 = arith.cmpi slt, %select_n3A_202, %lt3A_208 : i32
      %ne3A_210 = arith.xori %lt3A_207, %lt3A_209 : i1
      %and3A_211 = arith.andi %ne3A_210, %ne3A_205 : i1
      %add3A_212 = arith.addi %rem3A_203, %select_n3A_202 : i32
      %select_n3A_213 = arith.select %and3A_211, %add3A_212, %rem3A_203 : i32
      %mul3A_214 = arith.constant 64 : i32
      %mul3A_215 = arith.muli %select_n3A_213, %mul3A_214 : i32
      %dma_wait3A_216 = tpu.memref_slice %arg9[%select_n3A_197, %mul3A_215] : memref<40x128xi32, #tpu.memory_space<vmem>> -> memref<1x64xi32, #tpu.memory_space<vmem>>
      %dma_wait3A_217 = tpu.memref_squeeze %dma_wait3A_216 : memref<1x64xi32, #tpu.memory_space<vmem>> -> memref<64xi32, #tpu.memory_space<vmem>>
      %dma_wait3A_218 = arith.constant 0 : i32
      %dma_wait3A_219 = arith.constant 0 : i32
      %dma_wait3A_220 = tpu.memref_slice %arg4[%dma_wait3A_218, %dma_wait3A_219] : memref<10000x256xf32, #tpu.memory_space<hbm>> -> memref<10000x256xf32, #tpu.memory_space<hbm>>
      tpu.wait_indirect_dma semaphore(%arg20 : memref<!tpu.dma_semaphore, #tpu.memory_space<semaphore_mem>>) src(%dma_wait3A_220 : memref<10000x256xf32, #tpu.memory_space<hbm>>) dst(%arg11 : memref<64x256xf32, #tpu.memory_space<vmem>>)
      %dma_wait3A_221 = tpu.memref_slice %arg10[%select_n3A_197, %mul3A_215] : memref<40x128xi32, #tpu.memory_space<vmem>> -> memref<1x64xi32, #tpu.memory_space<vmem>>
      %dma_wait3A_222 = tpu.memref_squeeze %dma_wait3A_221 : memref<1x64xi32, #tpu.memory_space<vmem>> -> memref<64xi32, #tpu.memory_space<vmem>>
      %dma_wait3A_223 = arith.constant 0 : i32
      %dma_wait3A_224 = arith.constant 0 : i32
      %dma_wait3A_225 = tpu.memref_slice %arg4[%dma_wait3A_223, %dma_wait3A_224] : memref<10000x256xf32, #tpu.memory_space<hbm>> -> memref<10000x256xf32, #tpu.memory_space<hbm>>
      tpu.wait_indirect_dma semaphore(%arg21 : memref<!tpu.dma_semaphore, #tpu.memory_space<semaphore_mem>>) src(%dma_wait3A_225 : memref<10000x256xf32, #tpu.memory_space<hbm>>) dst(%arg12 : memref<64x256xf32, #tpu.memory_space<vmem>>)
      %jit3A_226 = arith.constant 2 : i32
      %div3A_227 = arith.divsi %mul3A_126, %jit3A_226 : i32
      %sign3A_228 = arith.constant 0 : i32
      %sign3A_229 = arith.cmpi sgt, %mul3A_126, %sign3A_228 : i32
      %sign3A_230 = arith.extui %sign3A_229 : i1 to i32
      %sign3A_231 = arith.constant 0 : i32
      %sign3A_232 = arith.cmpi slt, %mul3A_126, %sign3A_231 : i32
      %sign3A_233 = arith.extui %sign3A_232 : i1 to i32
      %sign3A_234 = arith.subi %sign3A_230, %sign3A_233 : i32
      %sign3A_235 = arith.constant 0 : i32
      %sign3A_236 = arith.cmpi sgt, %jit3A_226, %sign3A_235 : i32
      %sign3A_237 = arith.extui %sign3A_236 : i1 to i32
      %sign3A_238 = arith.constant 0 : i32
      %sign3A_239 = arith.cmpi slt, %jit3A_226, %sign3A_238 : i32
      %sign3A_240 = arith.extui %sign3A_239 : i1 to i32
      %sign3A_241 = arith.subi %sign3A_237, %sign3A_240 : i32
      %ne3A_242 = arith.cmpi ne, %sign3A_234, %sign3A_241 : i32
      %rem3A_243 = arith.remsi %mul3A_126, %jit3A_226 : i32
      %ne3A_244 = arith.constant 0 : i32
      %ne3A_245 = arith.cmpi ne, %rem3A_243, %ne3A_244 : i32
      %and3A_246 = arith.andi %ne3A_242, %ne3A_245 : i1
      %sub3A_247 = arith.constant 1 : i32
      %sub3A_248 = arith.subi %div3A_227, %sub3A_247 : i32
      %select_n3A_249 = arith.select %and3A_246, %sub3A_248, %div3A_227 : i32
      %jit3A_250 = arith.constant 2 : i32
      %eq3A_251 = arith.constant 0 : i32
      %eq3A_252 = arith.cmpi eq, %jit3A_250, %eq3A_251 : i32
      %jit3A_253 = arith.constant 1 : i32
      %select_n3A_254 = arith.select %eq3A_252, %jit3A_253, %jit3A_250 : i32
      %rem3A_255 = arith.remsi %mul3A_126, %select_n3A_254 : i32
      %ne3A_256 = arith.constant 0 : i32
      %ne3A_257 = arith.cmpi ne, %rem3A_255, %ne3A_256 : i32
      %lt3A_258 = arith.constant 0 : i32
      %lt3A_259 = arith.cmpi slt, %rem3A_255, %lt3A_258 : i32
      %lt3A_260 = arith.constant 0 : i32
      %lt3A_261 = arith.cmpi slt, %select_n3A_254, %lt3A_260 : i32
      %ne3A_262 = arith.xori %lt3A_259, %lt3A_261 : i1
      %and3A_263 = arith.andi %ne3A_262, %ne3A_257 : i1
      %add3A_264 = arith.addi %rem3A_255, %select_n3A_254 : i32
      %select_n3A_265 = arith.select %and3A_263, %add3A_264, %rem3A_255 : i32
      %mul3A_266 = arith.constant 64 : i32
      %mul3A_267 = arith.muli %select_n3A_265, %mul3A_266 : i32
      %scan3A_268 = arith.constant 0 : i32
      %scan3A_269 = arith.constant 0 : i32
      %scan3A_270 = arith.constant 4 : i32
      %scan3A_271 = arith.addi %scan3A_269, %scan3A_270 : i32
      %scan3A_272 = arith.constant 1 : i32
      scf.for %scan3A_429 = %scan3A_269 to %scan3A_271 step %scan3A_272  : i32 {
        %mul3A_430 = arith.constant 16 : i32
        %mul3A_431 = arith.muli %scan3A_429, %mul3A_430 : i32
        %add3A_432 = vector.broadcast %mul3A_431 : i32 to vector<16xi32>
        %add3A_433 = arith.addi %add3A_432, %iota3A : vector<16xi32>
        %broadcast_in_dim3A_434 = arith.constant 0 : i32
        %broadcast_in_dim3A_435 = vector.broadcast %broadcast_in_dim3A_434 : i32 to vector<16xi32>
        %gather3A = tpu.vector_load_idx %arg15[%add3A_433, %broadcast_in_dim3A_435] : memref<64x16xf32, #tpu.memory_space<vmem>>[vector<16xi32>, vector<16xi32>], vector<16xf32>,
        %broadcast_in_dim3A_436 = arith.constant 1 : i32
        %broadcast_in_dim3A_437 = vector.broadcast %broadcast_in_dim3A_436 : i32 to vector<16xi32>
        %gather3A_438 = tpu.vector_load_idx %arg15[%add3A_433, %broadcast_in_dim3A_437] : memref<64x16xf32, #tpu.memory_space<vmem>>[vector<16xi32>, vector<16xi32>], vector<16xf32>,
        %add3A_439 = arith.addf %gather3A, %gather3A_438 : vector<16xf32>
        %broadcast_in_dim3A_440 = arith.constant 2 : i32
        %broadcast_in_dim3A_441 = vector.broadcast %broadcast_in_dim3A_440 : i32 to vector<16xi32>
        %gather3A_442 = tpu.vector_load_idx %arg15[%add3A_433, %broadcast_in_dim3A_441] : memref<64x16xf32, #tpu.memory_space<vmem>>[vector<16xi32>, vector<16xi32>], vector<16xf32>,
        %add3A_443 = arith.addf %add3A_439, %gather3A_442 : vector<16xf32>
        %broadcast_in_dim3A_444 = arith.constant 3 : i32
        %broadcast_in_dim3A_445 = vector.broadcast %broadcast_in_dim3A_444 : i32 to vector<16xi32>
        %gather3A_446 = tpu.vector_load_idx %arg15[%add3A_433, %broadcast_in_dim3A_445] : memref<64x16xf32, #tpu.memory_space<vmem>>[vector<16xi32>, vector<16xi32>], vector<16xf32>,
        %add3A_447 = arith.addf %add3A_443, %gather3A_446 : vector<16xf32>
        %broadcast_in_dim3A_448 = arith.constant 4 : i32
        %broadcast_in_dim3A_449 = vector.broadcast %broadcast_in_dim3A_448 : i32 to vector<16xi32>
        %gather3A_450 = tpu.vector_load_idx %arg15[%add3A_433, %broadcast_in_dim3A_449] : memref<64x16xf32, #tpu.memory_space<vmem>>[vector<16xi32>, vector<16xi32>], vector<16xf32>,
        %add3A_451 = arith.addf %add3A_447, %gather3A_450 : vector<16xf32>
        %broadcast_in_dim3A_452 = arith.constant 5 : i32
        %broadcast_in_dim3A_453 = vector.broadcast %broadcast_in_dim3A_452 : i32 to vector<16xi32>
        %gather3A_454 = tpu.vector_load_idx %arg15[%add3A_433, %broadcast_in_dim3A_453] : memref<64x16xf32, #tpu.memory_space<vmem>>[vector<16xi32>, vector<16xi32>], vector<16xf32>,
        %add3A_455 = arith.addf %add3A_451, %gather3A_454 : vector<16xf32>
        %broadcast_in_dim3A_456 = arith.constant 6 : i32
        %broadcast_in_dim3A_457 = vector.broadcast %broadcast_in_dim3A_456 : i32 to vector<16xi32>
        %gather3A_458 = tpu.vector_load_idx %arg15[%add3A_433, %broadcast_in_dim3A_457] : memref<64x16xf32, #tpu.memory_space<vmem>>[vector<16xi32>, vector<16xi32>], vector<16xf32>,
        %add3A_459 = arith.addf %add3A_455, %gather3A_458 : vector<16xf32>
        %broadcast_in_dim3A_460 = arith.constant 7 : i32
        %broadcast_in_dim3A_461 = vector.broadcast %broadcast_in_dim3A_460 : i32 to vector<16xi32>
        %gather3A_462 = tpu.vector_load_idx %arg15[%add3A_433, %broadcast_in_dim3A_461] : memref<64x16xf32, #tpu.memory_space<vmem>>[vector<16xi32>, vector<16xi32>], vector<16xf32>,
        %add3A_463 = arith.addf %add3A_459, %gather3A_462 : vector<16xf32>
        %broadcast_in_dim3A_464 = arith.constant 8 : i32
        %broadcast_in_dim3A_465 = vector.broadcast %broadcast_in_dim3A_464 : i32 to vector<16xi32>
        %gather3A_466 = tpu.vector_load_idx %arg15[%add3A_433, %broadcast_in_dim3A_465] : memref<64x16xf32, #tpu.memory_space<vmem>>[vector<16xi32>, vector<16xi32>], vector<16xf32>,
        %add3A_467 = arith.addf %add3A_463, %gather3A_466 : vector<16xf32>
        %broadcast_in_dim3A_468 = arith.constant 9 : i32
        %broadcast_in_dim3A_469 = vector.broadcast %broadcast_in_dim3A_468 : i32 to vector<16xi32>
        %gather3A_470 = tpu.vector_load_idx %arg15[%add3A_433, %broadcast_in_dim3A_469] : memref<64x16xf32, #tpu.memory_space<vmem>>[vector<16xi32>, vector<16xi32>], vector<16xf32>,
        %add3A_471 = arith.addf %add3A_467, %gather3A_470 : vector<16xf32>
        %broadcast_in_dim3A_472 = arith.constant 10 : i32
        %broadcast_in_dim3A_473 = vector.broadcast %broadcast_in_dim3A_472 : i32 to vector<16xi32>
        %gather3A_474 = tpu.vector_load_idx %arg15[%add3A_433, %broadcast_in_dim3A_473] : memref<64x16xf32, #tpu.memory_space<vmem>>[vector<16xi32>, vector<16xi32>], vector<16xf32>,
        %add3A_475 = arith.addf %add3A_471, %gather3A_474 : vector<16xf32>
        %broadcast_in_dim3A_476 = arith.constant 11 : i32
        %broadcast_in_dim3A_477 = vector.broadcast %broadcast_in_dim3A_476 : i32 to vector<16xi32>
        %gather3A_478 = tpu.vector_load_idx %arg15[%add3A_433, %broadcast_in_dim3A_477] : memref<64x16xf32, #tpu.memory_space<vmem>>[vector<16xi32>, vector<16xi32>], vector<16xf32>,
        %add3A_479 = arith.addf %add3A_475, %gather3A_478 : vector<16xf32>
        %broadcast_in_dim3A_480 = arith.constant 12 : i32
        %broadcast_in_dim3A_481 = vector.broadcast %broadcast_in_dim3A_480 : i32 to vector<16xi32>
        %gather3A_482 = tpu.vector_load_idx %arg15[%add3A_433, %broadcast_in_dim3A_481] : memref<64x16xf32, #tpu.memory_space<vmem>>[vector<16xi32>, vector<16xi32>], vector<16xf32>,
        %add3A_483 = arith.addf %add3A_479, %gather3A_482 : vector<16xf32>
        %broadcast_in_dim3A_484 = arith.constant 13 : i32
        %broadcast_in_dim3A_485 = vector.broadcast %broadcast_in_dim3A_484 : i32 to vector<16xi32>
        %gather3A_486 = tpu.vector_load_idx %arg15[%add3A_433, %broadcast_in_dim3A_485] : memref<64x16xf32, #tpu.memory_space<vmem>>[vector<16xi32>, vector<16xi32>], vector<16xf32>,
        %add3A_487 = arith.addf %add3A_483, %gather3A_486 : vector<16xf32>
        %broadcast_in_dim3A_488 = arith.constant 14 : i32
        %broadcast_in_dim3A_489 = vector.broadcast %broadcast_in_dim3A_488 : i32 to vector<16xi32>
        %gather3A_490 = tpu.vector_load_idx %arg15[%add3A_433, %broadcast_in_dim3A_489] : memref<64x16xf32, #tpu.memory_space<vmem>>[vector<16xi32>, vector<16xi32>], vector<16xf32>,
        %add3A_491 = arith.addf %add3A_487, %gather3A_490 : vector<16xf32>
        %broadcast_in_dim3A_492 = arith.constant 15 : i32
        %broadcast_in_dim3A_493 = vector.broadcast %broadcast_in_dim3A_492 : i32 to vector<16xi32>
        %gather3A_494 = tpu.vector_load_idx %arg15[%add3A_433, %broadcast_in_dim3A_493] : memref<64x16xf32, #tpu.memory_space<vmem>>[vector<16xi32>, vector<16xi32>], vector<16xf32>,
        %add3A_495 = arith.addf %add3A_491, %gather3A_494 : vector<16xf32>
        %add3A_496 = vector.broadcast %squeeze3A : f32 to vector<16xf32>
        %add3A_497 = arith.addf %add3A_495, %add3A_496 : vector<16xf32>
        %max3A = arith.constant 0.000000e+00 : f32
        %max3A_498 = vector.broadcast %max3A : f32 to vector<16xf32>
        %max3A_499 = arith.maximumf %add3A_497, %max3A_498 : vector<16xf32>
        %mul3A_500 = arith.constant 16 : i32
        %mul3A_501 = arith.muli %scan3A_429, %mul3A_500 : i32
        %add3A_502 = arith.addi %mul3A_267, %mul3A_501 : i32
        %swap3A_503 = arith.index_cast %select_n3A_249 : i32 to index
        %swap3A_504 = arith.index_cast %add3A_502 : i32 to index
        %swap3A_505 = tpu.vector_load %arg16[%swap3A_503, %swap3A_504] {strides = array<i32>} : memref<40x128xf32, #tpu.memory_space<vmem>>, vector<16xf32>,
        tpu.vector_store %arg16[%swap3A_503, %swap3A_504], %max3A_499 {strides = array<i32>} : memref<40x128xf32, #tpu.memory_space<vmem>>, vector<16xf32>,
      }
      %scan3A_273 = arith.constant 4 : i32
      %add3A_274 = arith.constant 2 : i32
      %add3A_275 = arith.addi %mul3A_126, %add3A_274 : i32
      %min3A = arith.constant 79 : i32
      %min3A_276 = arith.minsi %add3A_275, %min3A : i32
      %jit3A_277 = arith.constant 2 : i32
      %div3A_278 = arith.divsi %min3A_276, %jit3A_277 : i32
      %sign3A_279 = arith.constant 0 : i32
      %sign3A_280 = arith.cmpi sgt, %min3A_276, %sign3A_279 : i32
      %sign3A_281 = arith.extui %sign3A_280 : i1 to i32
      %sign3A_282 = arith.constant 0 : i32
      %sign3A_283 = arith.cmpi slt, %min3A_276, %sign3A_282 : i32
      %sign3A_284 = arith.extui %sign3A_283 : i1 to i32
      %sign3A_285 = arith.subi %sign3A_281, %sign3A_284 : i32
      %sign3A_286 = arith.constant 0 : i32
      %sign3A_287 = arith.cmpi sgt, %jit3A_277, %sign3A_286 : i32
      %sign3A_288 = arith.extui %sign3A_287 : i1 to i32
      %sign3A_289 = arith.constant 0 : i32
      %sign3A_290 = arith.cmpi slt, %jit3A_277, %sign3A_289 : i32
      %sign3A_291 = arith.extui %sign3A_290 : i1 to i32
      %sign3A_292 = arith.subi %sign3A_288, %sign3A_291 : i32
      %ne3A_293 = arith.cmpi ne, %sign3A_285, %sign3A_292 : i32
      %rem3A_294 = arith.remsi %min3A_276, %jit3A_277 : i32
      %ne3A_295 = arith.constant 0 : i32
      %ne3A_296 = arith.cmpi ne, %rem3A_294, %ne3A_295 : i32
      %and3A_297 = arith.andi %ne3A_293, %ne3A_296 : i1
      %sub3A_298 = arith.constant 1 : i32
      %sub3A_299 = arith.subi %div3A_278, %sub3A_298 : i32
      %select_n3A_300 = arith.select %and3A_297, %sub3A_299, %div3A_278 : i32
      %jit3A_301 = arith.constant 2 : i32
      %eq3A_302 = arith.constant 0 : i32
      %eq3A_303 = arith.cmpi eq, %jit3A_301, %eq3A_302 : i32
      %jit3A_304 = arith.constant 1 : i32
      %select_n3A_305 = arith.select %eq3A_303, %jit3A_304, %jit3A_301 : i32
      %rem3A_306 = arith.remsi %min3A_276, %select_n3A_305 : i32
      %ne3A_307 = arith.constant 0 : i32
      %ne3A_308 = arith.cmpi ne, %rem3A_306, %ne3A_307 : i32
      %lt3A_309 = arith.constant 0 : i32
      %lt3A_310 = arith.cmpi slt, %rem3A_306, %lt3A_309 : i32
      %lt3A_311 = arith.constant 0 : i32
      %lt3A_312 = arith.cmpi slt, %select_n3A_305, %lt3A_311 : i32
      %ne3A_313 = arith.xori %lt3A_310, %lt3A_312 : i1
      %and3A_314 = arith.andi %ne3A_313, %ne3A_308 : i1
      %add3A_315 = arith.addi %rem3A_306, %select_n3A_305 : i32
      %select_n3A_316 = arith.select %and3A_314, %add3A_315, %rem3A_306 : i32
      %mul3A_317 = arith.constant 64 : i32
      %mul3A_318 = arith.muli %select_n3A_316, %mul3A_317 : i32
      %dma_start3A_319 = tpu.memref_slice %arg9[%select_n3A_300, %mul3A_318] : memref<40x128xi32, #tpu.memory_space<vmem>> -> memref<1x64xi32, #tpu.memory_space<vmem>>
      %dma_start3A_320 = tpu.memref_squeeze %dma_start3A_319 : memref<1x64xi32, #tpu.memory_space<vmem>> -> memref<64xi32, #tpu.memory_space<vmem>>
      %dma_start3A_321 = arith.constant 0 : i32
      %dma_start3A_322 = arith.constant 0 : i32
      %dma_start3A_323 = tpu.memref_slice %arg4[%dma_start3A_321, %dma_start3A_322] : memref<10000x256xf32, #tpu.memory_space<hbm>> -> memref<10000x256xf32, #tpu.memory_space<hbm>>
      tpu.enqueue_indirect_dma source(%dma_start3A_323 : memref<10000x256xf32, #tpu.memory_space<hbm>>) target(%arg11 : memref<64x256xf32, #tpu.memory_space<vmem>>) offsets(%dma_start3A_320 : memref<64xi32, #tpu.memory_space<vmem>>) semaphore(%arg20 : memref<!tpu.dma_semaphore, #tpu.memory_space<semaphore_mem>>)
      %dma_start3A_324 = tpu.memref_slice %arg10[%select_n3A_300, %mul3A_318] : memref<40x128xi32, #tpu.memory_space<vmem>> -> memref<1x64xi32, #tpu.memory_space<vmem>>
      %dma_start3A_325 = tpu.memref_squeeze %dma_start3A_324 : memref<1x64xi32, #tpu.memory_space<vmem>> -> memref<64xi32, #tpu.memory_space<vmem>>
      %dma_start3A_326 = arith.constant 0 : i32
      %dma_start3A_327 = arith.constant 0 : i32
      %dma_start3A_328 = tpu.memref_slice %arg4[%dma_start3A_326, %dma_start3A_327] : memref<10000x256xf32, #tpu.memory_space<hbm>> -> memref<10000x256xf32, #tpu.memory_space<hbm>>
      tpu.enqueue_indirect_dma source(%dma_start3A_328 : memref<10000x256xf32, #tpu.memory_space<hbm>>) target(%arg12 : memref<64x256xf32, #tpu.memory_space<vmem>>) offsets(%dma_start3A_325 : memref<64xi32, #tpu.memory_space<vmem>>) semaphore(%arg21 : memref<!tpu.dma_semaphore, #tpu.memory_space<semaphore_mem>>)
      %jit3A_329 = arith.constant 2 : i32
      %div3A_330 = arith.divsi %add3A_128, %jit3A_329 : i32
      %sign3A_331 = arith.constant 0 : i32
      %sign3A_332 = arith.cmpi sgt, %add3A_128, %sign3A_331 : i32
      %sign3A_333 = arith.extui %sign3A_332 : i1 to i32
      %sign3A_334 = arith.constant 0 : i32
      %sign3A_335 = arith.cmpi slt, %add3A_128, %sign3A_334 : i32
      %sign3A_336 = arith.extui %sign3A_335 : i1 to i32
      %sign3A_337 = arith.subi %sign3A_333, %sign3A_336 : i32
      %sign3A_338 = arith.constant 0 : i32
      %sign3A_339 = arith.cmpi sgt, %jit3A_329, %sign3A_338 : i32
      %sign3A_340 = arith.extui %sign3A_339 : i1 to i32
      %sign3A_341 = arith.constant 0 : i32
      %sign3A_342 = arith.cmpi slt, %jit3A_329, %sign3A_341 : i32
      %sign3A_343 = arith.extui %sign3A_342 : i1 to i32
      %sign3A_344 = arith.subi %sign3A_340, %sign3A_343 : i32
      %ne3A_345 = arith.cmpi ne, %sign3A_337, %sign3A_344 : i32
      %rem3A_346 = arith.remsi %add3A_128, %jit3A_329 : i32
      %ne3A_347 = arith.constant 0 : i32
      %ne3A_348 = arith.cmpi ne, %rem3A_346, %ne3A_347 : i32
      %and3A_349 = arith.andi %ne3A_345, %ne3A_348 : i1
      %sub3A_350 = arith.constant 1 : i32
      %sub3A_351 = arith.subi %div3A_330, %sub3A_350 : i32
      %select_n3A_352 = arith.select %and3A_349, %sub3A_351, %div3A_330 : i32
      %jit3A_353 = arith.constant 2 : i32
      %eq3A_354 = arith.constant 0 : i32
      %eq3A_355 = arith.cmpi eq, %jit3A_353, %eq3A_354 : i32
      %jit3A_356 = arith.constant 1 : i32
      %select_n3A_357 = arith.select %eq3A_355, %jit3A_356, %jit3A_353 : i32
      %rem3A_358 = arith.remsi %add3A_128, %select_n3A_357 : i32
      %ne3A_359 = arith.constant 0 : i32
      %ne3A_360 = arith.cmpi ne, %rem3A_358, %ne3A_359 : i32
      %lt3A_361 = arith.constant 0 : i32
      %lt3A_362 = arith.cmpi slt, %rem3A_358, %lt3A_361 : i32
      %lt3A_363 = arith.constant 0 : i32
      %lt3A_364 = arith.cmpi slt, %select_n3A_357, %lt3A_363 : i32
      %ne3A_365 = arith.xori %lt3A_362, %lt3A_364 : i1
      %and3A_366 = arith.andi %ne3A_365, %ne3A_360 : i1
      %add3A_367 = arith.addi %rem3A_358, %select_n3A_357 : i32
      %select_n3A_368 = arith.select %and3A_366, %add3A_367, %rem3A_358 : i32
      %mul3A_369 = arith.constant 64 : i32
      %mul3A_370 = arith.muli %select_n3A_368, %mul3A_369 : i32
      %dma_wait3A_371 = tpu.memref_slice %arg9[%select_n3A_352, %mul3A_370] : memref<40x128xi32, #tpu.memory_space<vmem>> -> memref<1x64xi32, #tpu.memory_space<vmem>>
      %dma_wait3A_372 = tpu.memref_squeeze %dma_wait3A_371 : memref<1x64xi32, #tpu.memory_space<vmem>> -> memref<64xi32, #tpu.memory_space<vmem>>
      %dma_wait3A_373 = arith.constant 0 : i32
      %dma_wait3A_374 = arith.constant 0 : i32
      %dma_wait3A_375 = tpu.memref_slice %arg4[%dma_wait3A_373, %dma_wait3A_374] : memref<10000x256xf32, #tpu.memory_space<hbm>> -> memref<10000x256xf32, #tpu.memory_space<hbm>>
      tpu.wait_indirect_dma semaphore(%arg22 : memref<!tpu.dma_semaphore, #tpu.memory_space<semaphore_mem>>) src(%dma_wait3A_375 : memref<10000x256xf32, #tpu.memory_space<hbm>>) dst(%arg13 : memref<64x256xf32, #tpu.memory_space<vmem>>)
      %dma_wait3A_376 = tpu.memref_slice %arg10[%select_n3A_352, %mul3A_370] : memref<40x128xi32, #tpu.memory_space<vmem>> -> memref<1x64xi32, #tpu.memory_space<vmem>>
      %dma_wait3A_377 = tpu.memref_squeeze %dma_wait3A_376 : memref<1x64xi32, #tpu.memory_space<vmem>> -> memref<64xi32, #tpu.memory_space<vmem>>
      %dma_wait3A_378 = arith.constant 0 : i32
      %dma_wait3A_379 = arith.constant 0 : i32
      %dma_wait3A_380 = tpu.memref_slice %arg4[%dma_wait3A_378, %dma_wait3A_379] : memref<10000x256xf32, #tpu.memory_space<hbm>> -> memref<10000x256xf32, #tpu.memory_space<hbm>>
      tpu.wait_indirect_dma semaphore(%arg23 : memref<!tpu.dma_semaphore, #tpu.memory_space<semaphore_mem>>) src(%dma_wait3A_380 : memref<10000x256xf32, #tpu.memory_space<hbm>>) dst(%arg14 : memref<64x256xf32, #tpu.memory_space<vmem>>)
      %jit3A_381 = arith.constant 2 : i32
      %div3A_382 = arith.divsi %add3A_128, %jit3A_381 : i32
      %sign3A_383 = arith.constant 0 : i32
      %sign3A_384 = arith.cmpi sgt, %add3A_128, %sign3A_383 : i32
      %sign3A_385 = arith.extui %sign3A_384 : i1 to i32
      %sign3A_386 = arith.constant 0 : i32
      %sign3A_387 = arith.cmpi slt, %add3A_128, %sign3A_386 : i32
      %sign3A_388 = arith.extui %sign3A_387 : i1 to i32
      %sign3A_389 = arith.subi %sign3A_385, %sign3A_388 : i32
      %sign3A_390 = arith.constant 0 : i32
      %sign3A_391 = arith.cmpi sgt, %jit3A_381, %sign3A_390 : i32
      %sign3A_392 = arith.extui %sign3A_391 : i1 to i32
      %sign3A_393 = arith.constant 0 : i32
      %sign3A_394 = arith.cmpi slt, %jit3A_381, %sign3A_393 : i32
      %sign3A_395 = arith.extui %sign3A_394 : i1 to i32
      %sign3A_396 = arith.subi %sign3A_392, %sign3A_395 : i32
      %ne3A_397 = arith.cmpi ne, %sign3A_389, %sign3A_396 : i32
      %rem3A_398 = arith.remsi %add3A_128, %jit3A_381 : i32
      %ne3A_399 = arith.constant 0 : i32
      %ne3A_400 = arith.cmpi ne, %rem3A_398, %ne3A_399 : i32
      %and3A_401 = arith.andi %ne3A_397, %ne3A_400 : i1
      %sub3A_402 = arith.constant 1 : i32
      %sub3A_403 = arith.subi %div3A_382, %sub3A_402 : i32
      %select_n3A_404 = arith.select %and3A_401, %sub3A_403, %div3A_382 : i32
      %jit3A_405 = arith.constant 2 : i32
      %eq3A_406 = arith.constant 0 : i32
      %eq3A_407 = arith.cmpi eq, %jit3A_405, %eq3A_406 : i32
      %jit3A_408 = arith.constant 1 : i32
      %select_n3A_409 = arith.select %eq3A_407, %jit3A_408, %jit3A_405 : i32
      %rem3A_410 = arith.remsi %add3A_128, %select_n3A_409 : i32
      %ne3A_411 = arith.constant 0 : i32
      %ne3A_412 = arith.cmpi ne, %rem3A_410, %ne3A_411 : i32
      %lt3A_413 = arith.constant 0 : i32
      %lt3A_414 = arith.cmpi slt, %rem3A_410, %lt3A_413 : i32
      %lt3A_415 = arith.constant 0 : i32
      %lt3A_416 = arith.cmpi slt, %select_n3A_409, %lt3A_415 : i32
      %ne3A_417 = arith.xori %lt3A_414, %lt3A_416 : i1
      %and3A_418 = arith.andi %ne3A_417, %ne3A_412 : i1
      %add3A_419 = arith.addi %rem3A_410, %select_n3A_409 : i32
      %select_n3A_420 = arith.select %and3A_418, %add3A_419, %rem3A_410 : i32
      %mul3A_421 = arith.constant 64 : i32
      %mul3A_422 = arith.muli %select_n3A_420, %mul3A_421 : i32
      %scan3A_423 = arith.constant 0 : i32
      %scan3A_424 = arith.constant 0 : i32
      %scan3A_425 = arith.constant 4 : i32
      %scan3A_426 = arith.addi %scan3A_424, %scan3A_425 : i32
      %scan3A_427 = arith.constant 1 : i32
      scf.for %scan3A_429 = %scan3A_424 to %scan3A_426 step %scan3A_427  : i32 {
        %mul3A_430 = arith.constant 16 : i32
        %mul3A_431 = arith.muli %scan3A_429, %mul3A_430 : i32
        %add3A_432 = vector.broadcast %mul3A_431 : i32 to vector<16xi32>
        %add3A_433 = arith.addi %add3A_432, %iota3A : vector<16xi32>
        %broadcast_in_dim3A_434 = arith.constant 0 : i32
        %broadcast_in_dim3A_435 = vector.broadcast %broadcast_in_dim3A_434 : i32 to vector<16xi32>
        %gather3A = tpu.vector_load_idx %arg15[%add3A_433, %broadcast_in_dim3A_435] : memref<64x16xf32, #tpu.memory_space<vmem>>[vector<16xi32>, vector<16xi32>], vector<16xf32>,
        %broadcast_in_dim3A_436 = arith.constant 1 : i32
        %broadcast_in_dim3A_437 = vector.broadcast %broadcast_in_dim3A_436 : i32 to vector<16xi32>
        %gather3A_438 = tpu.vector_load_idx %arg15[%add3A_433, %broadcast_in_dim3A_437] : memref<64x16xf32, #tpu.memory_space<vmem>>[vector<16xi32>, vector<16xi32>], vector<16xf32>,
        %add3A_439 = arith.addf %gather3A, %gather3A_438 : vector<16xf32>
        %broadcast_in_dim3A_440 = arith.constant 2 : i32
        %broadcast_in_dim3A_441 = vector.broadcast %broadcast_in_dim3A_440 : i32 to vector<16xi32>
        %gather3A_442 = tpu.vector_load_idx %arg15[%add3A_433, %broadcast_in_dim3A_441] : memref<64x16xf32, #tpu.memory_space<vmem>>[vector<16xi32>, vector<16xi32>], vector<16xf32>,
        %add3A_443 = arith.addf %add3A_439, %gather3A_442 : vector<16xf32>
        %broadcast_in_dim3A_444 = arith.constant 3 : i32
        %broadcast_in_dim3A_445 = vector.broadcast %broadcast_in_dim3A_444 : i32 to vector<16xi32>
        %gather3A_446 = tpu.vector_load_idx %arg15[%add3A_433, %broadcast_in_dim3A_445] : memref<64x16xf32, #tpu.memory_space<vmem>>[vector<16xi32>, vector<16xi32>], vector<16xf32>,
        %add3A_447 = arith.addf %add3A_443, %gather3A_446 : vector<16xf32>
        %broadcast_in_dim3A_448 = arith.constant 4 : i32
        %broadcast_in_dim3A_449 = vector.broadcast %broadcast_in_dim3A_448 : i32 to vector<16xi32>
        %gather3A_450 = tpu.vector_load_idx %arg15[%add3A_433, %broadcast_in_dim3A_449] : memref<64x16xf32, #tpu.memory_space<vmem>>[vector<16xi32>, vector<16xi32>], vector<16xf32>,
        %add3A_451 = arith.addf %add3A_447, %gather3A_450 : vector<16xf32>
        %broadcast_in_dim3A_452 = arith.constant 5 : i32
        %broadcast_in_dim3A_453 = vector.broadcast %broadcast_in_dim3A_452 : i32 to vector<16xi32>
        %gather3A_454 = tpu.vector_load_idx %arg15[%add3A_433, %broadcast_in_dim3A_453] : memref<64x16xf32, #tpu.memory_space<vmem>>[vector<16xi32>, vector<16xi32>], vector<16xf32>,
        %add3A_455 = arith.addf %add3A_451, %gather3A_454 : vector<16xf32>
        %broadcast_in_dim3A_456 = arith.constant 6 : i32
        %broadcast_in_dim3A_457 = vector.broadcast %broadcast_in_dim3A_456 : i32 to vector<16xi32>
        %gather3A_458 = tpu.vector_load_idx %arg15[%add3A_433, %broadcast_in_dim3A_457] : memref<64x16xf32, #tpu.memory_space<vmem>>[vector<16xi32>, vector<16xi32>], vector<16xf32>,
        %add3A_459 = arith.addf %add3A_455, %gather3A_458 : vector<16xf32>
        %broadcast_in_dim3A_460 = arith.constant 7 : i32
        %broadcast_in_dim3A_461 = vector.broadcast %broadcast_in_dim3A_460 : i32 to vector<16xi32>
        %gather3A_462 = tpu.vector_load_idx %arg15[%add3A_433, %broadcast_in_dim3A_461] : memref<64x16xf32, #tpu.memory_space<vmem>>[vector<16xi32>, vector<16xi32>], vector<16xf32>,
        %add3A_463 = arith.addf %add3A_459, %gather3A_462 : vector<16xf32>
        %broadcast_in_dim3A_464 = arith.constant 8 : i32
        %broadcast_in_dim3A_465 = vector.broadcast %broadcast_in_dim3A_464 : i32 to vector<16xi32>
        %gather3A_466 = tpu.vector_load_idx %arg15[%add3A_433, %broadcast_in_dim3A_465] : memref<64x16xf32, #tpu.memory_space<vmem>>[vector<16xi32>, vector<16xi32>], vector<16xf32>,
        %add3A_467 = arith.addf %add3A_463, %gather3A_466 : vector<16xf32>
        %broadcast_in_dim3A_468 = arith.constant 9 : i32
        %broadcast_in_dim3A_469 = vector.broadcast %broadcast_in_dim3A_468 : i32 to vector<16xi32>
        %gather3A_470 = tpu.vector_load_idx %arg15[%add3A_433, %broadcast_in_dim3A_469] : memref<64x16xf32, #tpu.memory_space<vmem>>[vector<16xi32>, vector<16xi32>], vector<16xf32>,
        %add3A_471 = arith.addf %add3A_467, %gather3A_470 : vector<16xf32>
        %broadcast_in_dim3A_472 = arith.constant 10 : i32
        %broadcast_in_dim3A_473 = vector.broadcast %broadcast_in_dim3A_472 : i32 to vector<16xi32>
        %gather3A_474 = tpu.vector_load_idx %arg15[%add3A_433, %broadcast_in_dim3A_473] : memref<64x16xf32, #tpu.memory_space<vmem>>[vector<16xi32>, vector<16xi32>], vector<16xf32>,
        %add3A_475 = arith.addf %add3A_471, %gather3A_474 : vector<16xf32>
        %broadcast_in_dim3A_476 = arith.constant 11 : i32
        %broadcast_in_dim3A_477 = vector.broadcast %broadcast_in_dim3A_476 : i32 to vector<16xi32>
        %gather3A_478 = tpu.vector_load_idx %arg15[%add3A_433, %broadcast_in_dim3A_477] : memref<64x16xf32, #tpu.memory_space<vmem>>[vector<16xi32>, vector<16xi32>], vector<16xf32>,
        %add3A_479 = arith.addf %add3A_475, %gather3A_478 : vector<16xf32>
        %broadcast_in_dim3A_480 = arith.constant 12 : i32
        %broadcast_in_dim3A_481 = vector.broadcast %broadcast_in_dim3A_480 : i32 to vector<16xi32>
        %gather3A_482 = tpu.vector_load_idx %arg15[%add3A_433, %broadcast_in_dim3A_481] : memref<64x16xf32, #tpu.memory_space<vmem>>[vector<16xi32>, vector<16xi32>], vector<16xf32>,
        %add3A_483 = arith.addf %add3A_479, %gather3A_482 : vector<16xf32>
        %broadcast_in_dim3A_484 = arith.constant 13 : i32
        %broadcast_in_dim3A_485 = vector.broadcast %broadcast_in_dim3A_484 : i32 to vector<16xi32>
        %gather3A_486 = tpu.vector_load_idx %arg15[%add3A_433, %broadcast_in_dim3A_485] : memref<64x16xf32, #tpu.memory_space<vmem>>[vector<16xi32>, vector<16xi32>], vector<16xf32>,
        %add3A_487 = arith.addf %add3A_483, %gather3A_486 : vector<16xf32>
        %broadcast_in_dim3A_488 = arith.constant 14 : i32
        %broadcast_in_dim3A_489 = vector.broadcast %broadcast_in_dim3A_488 : i32 to vector<16xi32>
        %gather3A_490 = tpu.vector_load_idx %arg15[%add3A_433, %broadcast_in_dim3A_489] : memref<64x16xf32, #tpu.memory_space<vmem>>[vector<16xi32>, vector<16xi32>], vector<16xf32>,
        %add3A_491 = arith.addf %add3A_487, %gather3A_490 : vector<16xf32>
        %broadcast_in_dim3A_492 = arith.constant 15 : i32
        %broadcast_in_dim3A_493 = vector.broadcast %broadcast_in_dim3A_492 : i32 to vector<16xi32>
        %gather3A_494 = tpu.vector_load_idx %arg15[%add3A_433, %broadcast_in_dim3A_493] : memref<64x16xf32, #tpu.memory_space<vmem>>[vector<16xi32>, vector<16xi32>], vector<16xf32>,
        %add3A_495 = arith.addf %add3A_491, %gather3A_494 : vector<16xf32>
        %add3A_496 = vector.broadcast %squeeze3A : f32 to vector<16xf32>
        %add3A_497 = arith.addf %add3A_495, %add3A_496 : vector<16xf32>
        %max3A = arith.constant 0.000000e+00 : f32
        %max3A_498 = vector.broadcast %max3A : f32 to vector<16xf32>
        %max3A_499 = arith.maximumf %add3A_497, %max3A_498 : vector<16xf32>
        %mul3A_500 = arith.constant 16 : i32
        %mul3A_501 = arith.muli %scan3A_429, %mul3A_500 : i32
        %add3A_502 = arith.addi %mul3A_422, %mul3A_501 : i32
        %swap3A_503 = arith.index_cast %select_n3A_404 : i32 to index
        %swap3A_504 = arith.index_cast %add3A_502 : i32 to index
        %swap3A_505 = tpu.vector_load %arg16[%swap3A_503, %swap3A_504] {strides = array<i32>} : memref<40x128xf32, #tpu.memory_space<vmem>>, vector<16xf32>,
        tpu.vector_store %arg16[%swap3A_503, %swap3A_504], %max3A_499 {strides = array<i32>} : memref<40x128xf32, #tpu.memory_space<vmem>>, vector<16xf32>,
      }
      %scan3A_428 = arith.constant 4 : i32
    }
    %scan3A_51 = arith.constant 40 : i32
    %dma_wait3A = arith.constant 39 : i32
    %dma_wait3A_52 = arith.constant 64 : i32
    %dma_wait3A_53 = tpu.memref_slice %arg9[%dma_wait3A, %dma_wait3A_52] : memref<40x128xi32, #tpu.memory_space<vmem>> -> memref<1x64xi32, #tpu.memory_space<vmem>>
    %dma_wait3A_54 = tpu.memref_squeeze %dma_wait3A_53 : memref<1x64xi32, #tpu.memory_space<vmem>> -> memref<64xi32, #tpu.memory_space<vmem>>
    %dma_wait3A_55 = arith.constant 0 : i32
    %dma_wait3A_56 = arith.constant 0 : i32
    %dma_wait3A_57 = tpu.memref_slice %arg4[%dma_wait3A_55, %dma_wait3A_56] : memref<10000x256xf32, #tpu.memory_space<hbm>> -> memref<10000x256xf32, #tpu.memory_space<hbm>>
    tpu.wait_indirect_dma semaphore(%arg20 : memref<!tpu.dma_semaphore, #tpu.memory_space<semaphore_mem>>) src(%dma_wait3A_57 : memref<10000x256xf32, #tpu.memory_space<hbm>>) dst(%arg11 : memref<64x256xf32, #tpu.memory_space<vmem>>)
    %dma_wait3A_58 = arith.constant 39 : i32
    %dma_wait3A_59 = arith.constant 64 : i32
    %dma_wait3A_60 = tpu.memref_slice %arg10[%dma_wait3A_58, %dma_wait3A_59] : memref<40x128xi32, #tpu.memory_space<vmem>> -> memref<1x64xi32, #tpu.memory_space<vmem>>
    %dma_wait3A_61 = tpu.memref_squeeze %dma_wait3A_60 : memref<1x64xi32, #tpu.memory_space<vmem>> -> memref<64xi32, #tpu.memory_space<vmem>>
    %dma_wait3A_62 = arith.constant 0 : i32
    %dma_wait3A_63 = arith.constant 0 : i32
    %dma_wait3A_64 = tpu.memref_slice %arg4[%dma_wait3A_62, %dma_wait3A_63] : memref<10000x256xf32, #tpu.memory_space<hbm>> -> memref<10000x256xf32, #tpu.memory_space<hbm>>
    tpu.wait_indirect_dma semaphore(%arg21 : memref<!tpu.dma_semaphore, #tpu.memory_space<semaphore_mem>>) src(%dma_wait3A_64 : memref<10000x256xf32, #tpu.memory_space<hbm>>) dst(%arg12 : memref<64x256xf32, #tpu.memory_space<vmem>>)
    %broadcast_in_dim3A = arith.constant 0.000000e+00 : f32
    %broadcast_in_dim3A_65 = vector.broadcast %broadcast_in_dim3A : f32 to vector<16xf32>
    %scan3A_66 = arith.constant 0 : i32
    %scan3A_67 = arith.constant 320 : i32
    %scan3A_68 = arith.addi %scan3A_66, %scan3A_67 : i32
    %scan3A_69 = arith.constant 1 : i32
    %scan3A_70 = scf.for %scan3A_124 = %scan3A_66 to %scan3A_68 step %scan3A_69 iter_args(%scan3A_125 = %broadcast_in_dim3A_65) -> (vector<16xf32>)  : i32 {
      %jit3A_126 = arith.constant 8 : i32
      %div3A = arith.divsi %scan3A_124, %jit3A_126 : i32
      %sign3A = arith.constant 0 : i32
      %sign3A_127 = arith.cmpi sgt, %scan3A_124, %sign3A : i32
      %sign3A_128 = arith.extui %sign3A_127 : i1 to i32
      %sign3A_129 = arith.constant 0 : i32
      %sign3A_130 = arith.cmpi slt, %scan3A_124, %sign3A_129 : i32
      %sign3A_131 = arith.extui %sign3A_130 : i1 to i32
      %sign3A_132 = arith.subi %sign3A_128, %sign3A_131 : i32
      %sign3A_133 = arith.constant 0 : i32
      %sign3A_134 = arith.cmpi sgt, %jit3A_126, %sign3A_133 : i32
      %sign3A_135 = arith.extui %sign3A_134 : i1 to i32
      %sign3A_136 = arith.constant 0 : i32
      %sign3A_137 = arith.cmpi slt, %jit3A_126, %sign3A_136 : i32
      %sign3A_138 = arith.extui %sign3A_137 : i1 to i32
      %sign3A_139 = arith.subi %sign3A_135, %sign3A_138 : i32
      %ne3A = arith.cmpi ne, %sign3A_132, %sign3A_139 : i32
      %rem3A = arith.remsi %scan3A_124, %jit3A_126 : i32
      %ne3A_140 = arith.constant 0 : i32
      %ne3A_141 = arith.cmpi ne, %rem3A, %ne3A_140 : i32
      %and3A = arith.andi %ne3A, %ne3A_141 : i1
      %sub3A = arith.constant 1 : i32
      %sub3A_142 = arith.subi %div3A, %sub3A : i32
      %select_n3A_143 = arith.select %and3A, %sub3A_142, %div3A : i32
      %jit3A_144 = arith.constant 8 : i32
      %eq3A_145 = arith.constant 0 : i32
      %eq3A_146 = arith.cmpi eq, %jit3A_144, %eq3A_145 : i32
      %jit3A_147 = arith.constant 1 : i32
      %select_n3A_148 = arith.select %eq3A_146, %jit3A_147, %jit3A_144 : i32
      %rem3A_149 = arith.remsi %scan3A_124, %select_n3A_148 : i32
      %ne3A_150 = arith.constant 0 : i32
      %ne3A_151 = arith.cmpi ne, %rem3A_149, %ne3A_150 : i32
      %lt3A = arith.constant 0 : i32
      %lt3A_152 = arith.cmpi slt, %rem3A_149, %lt3A : i32
      %lt3A_153 = arith.constant 0 : i32
      %lt3A_154 = arith.cmpi slt, %select_n3A_148, %lt3A_153 : i32
      %ne3A_155 = arith.xori %lt3A_152, %lt3A_154 : i1
      %and3A_156 = arith.andi %ne3A_155, %ne3A_151 : i1
      %add3A_157 = arith.addi %rem3A_149, %select_n3A_148 : i32
      %select_n3A_158 = arith.select %and3A_156, %add3A_157, %rem3A_149 : i32
      %mul3A_159 = arith.constant 16 : i32
      %mul3A_160 = arith.muli %select_n3A_158, %mul3A_159 : i32
      %get3A_161 = arith.index_cast %select_n3A_143 : i32 to index
      %get3A_162 = arith.index_cast %mul3A_160 : i32 to index
      %get3A_163 = tpu.vector_load %arg16[%get3A_161, %get3A_162] {strides = array<i32>} : memref<40x128xf32, #tpu.memory_space<vmem>>, vector<16xf32>,
      %max3A = arith.maximumf %scan3A_125, %get3A_163 : vector<16xf32>
      scf.yield %max3A : vector<16xf32>
    }
    %scan3A_71 = arith.constant 320 : i32
    %reduce_max3A = arith.constant true
    %reduce_max3A_72 = vector.broadcast %reduce_max3A : i1 to vector<16xi1>
    %reduce_max3A_73 = tpu.scan <max>, %scan3A_70 masked %reduce_max3A_72 : vector<16xf32>, vector<16xi1> -> vector<16xf32>
    %reduce_max3A_74 = vector.extract %reduce_max3A_73[15] : f32 from vector<16xf32>
    %broadcast_in_dim3A_75 = arith.constant 0.000000e+00 : f32
    %broadcast_in_dim3A_76 = vector.broadcast %broadcast_in_dim3A_75 : f32 to vector<16xf32>
    %scan3A_77 = arith.constant 0 : i32
    %scan3A_78 = arith.constant 320 : i32
    %scan3A_79 = arith.addi %scan3A_77, %scan3A_78 : i32
    %scan3A_80 = arith.constant 1 : i32
    %scan3A_81 = scf.for %scan3A_124 = %scan3A_77 to %scan3A_79 step %scan3A_80 iter_args(%scan3A_125 = %broadcast_in_dim3A_76) -> (vector<16xf32>)  : i32 {
      %jit3A_126 = arith.constant 8 : i32
      %div3A = arith.divsi %scan3A_124, %jit3A_126 : i32
      %sign3A = arith.constant 0 : i32
      %sign3A_127 = arith.cmpi sgt, %scan3A_124, %sign3A : i32
      %sign3A_128 = arith.extui %sign3A_127 : i1 to i32
      %sign3A_129 = arith.constant 0 : i32
      %sign3A_130 = arith.cmpi slt, %scan3A_124, %sign3A_129 : i32
      %sign3A_131 = arith.extui %sign3A_130 : i1 to i32
      %sign3A_132 = arith.subi %sign3A_128, %sign3A_131 : i32
      %sign3A_133 = arith.constant 0 : i32
      %sign3A_134 = arith.cmpi sgt, %jit3A_126, %sign3A_133 : i32
      %sign3A_135 = arith.extui %sign3A_134 : i1 to i32
      %sign3A_136 = arith.constant 0 : i32
      %sign3A_137 = arith.cmpi slt, %jit3A_126, %sign3A_136 : i32
      %sign3A_138 = arith.extui %sign3A_137 : i1 to i32
      %sign3A_139 = arith.subi %sign3A_135, %sign3A_138 : i32
      %ne3A = arith.cmpi ne, %sign3A_132, %sign3A_139 : i32
      %rem3A = arith.remsi %scan3A_124, %jit3A_126 : i32
      %ne3A_140 = arith.constant 0 : i32
      %ne3A_141 = arith.cmpi ne, %rem3A, %ne3A_140 : i32
      %and3A = arith.andi %ne3A, %ne3A_141 : i1
      %sub3A = arith.constant 1 : i32
      %sub3A_142 = arith.subi %div3A, %sub3A : i32
      %select_n3A_143 = arith.select %and3A, %sub3A_142, %div3A : i32
      %jit3A_144 = arith.constant 8 : i32
      %eq3A_145 = arith.constant 0 : i32
      %eq3A_146 = arith.cmpi eq, %jit3A_144, %eq3A_145 : i32
      %jit3A_147 = arith.constant 1 : i32
      %select_n3A_148 = arith.select %eq3A_146, %jit3A_147, %jit3A_144 : i32
      %rem3A_149 = arith.remsi %scan3A_124, %select_n3A_148 : i32
      %ne3A_150 = arith.constant 0 : i32
      %ne3A_151 = arith.cmpi ne, %rem3A_149, %ne3A_150 : i32
      %lt3A = arith.constant 0 : i32
      %lt3A_152 = arith.cmpi slt, %rem3A_149, %lt3A : i32
      %lt3A_153 = arith.constant 0 : i32
      %lt3A_154 = arith.cmpi slt, %select_n3A_148, %lt3A_153 : i32
      %ne3A_155 = arith.xori %lt3A_152, %lt3A_154 : i1
      %and3A_156 = arith.andi %ne3A_155, %ne3A_151 : i1
      %add3A_157 = arith.addi %rem3A_149, %select_n3A_148 : i32
      %select_n3A_158 = arith.select %and3A_156, %add3A_157, %rem3A_149 : i32
      %mul3A_159 = arith.constant 16 : i32
      %mul3A_160 = arith.muli %select_n3A_158, %mul3A_159 : i32
      %get3A_161 = arith.index_cast %select_n3A_143 : i32 to index
      %get3A_162 = arith.index_cast %mul3A_160 : i32 to index
      %get3A_163 = tpu.vector_load %arg9[%get3A_161, %get3A_162] {strides = array<i32>} : memref<40x128xi32, #tpu.memory_space<vmem>>, vector<16xi32>,
      %get3A_164 = arith.index_cast %select_n3A_143 : i32 to index
      %get3A_165 = arith.index_cast %mul3A_160 : i32 to index
      %get3A_166 = tpu.vector_load %arg10[%get3A_164, %get3A_165] {strides = array<i32>} : memref<40x128xi32, #tpu.memory_space<vmem>>, vector<16xi32>,
      %ne3A_167 = arith.cmpi ne, %get3A_163, %get3A_166 : vector<16xi32>
      %get3A_168 = arith.index_cast %select_n3A_143 : i32 to index
      %get3A_169 = arith.index_cast %mul3A_160 : i32 to index
      %get3A_170 = tpu.vector_load %arg16[%get3A_168, %get3A_169] {strides = array<i32>} : memref<40x128xf32, #tpu.memory_space<vmem>>, vector<16xf32>,
      %sub3A_171 = vector.broadcast %reduce_max3A_74 : f32 to vector<16xf32>
      %sub3A_172 = arith.subf %get3A_170, %sub3A_171 : vector<16xf32>
      %exp3A = math.exp %sub3A_172 : vector<16xf32>
      %jit3A_173 = arith.constant 0.000000e+00 : f32
      %broadcast_in_dim3A_174 = vector.broadcast %jit3A_173 : f32 to vector<16xf32>
      %select_n3A_175 = arith.select %ne3A_167, %exp3A, %broadcast_in_dim3A_174 : vector<16xi1>, vector<16xf32>
      %add3A_176 = arith.addf %scan3A_125, %select_n3A_175 : vector<16xf32>
      scf.yield %add3A_176 : vector<16xf32>
    }
    %scan3A_82 = arith.constant 320 : i32
    %reduce_sum3A = arith.constant true
    %reduce_sum3A_83 = vector.broadcast %reduce_sum3A : i1 to vector<16xi1>
    %reduce_sum3A_84 = tpu.scan <sum>, %scan3A_81 masked %reduce_sum3A_83 : vector<16xf32>, vector<16xi1> -> vector<16xf32>
    %reduce_sum3A_85 = vector.extract %reduce_sum3A_84[15] : f32 from vector<16xf32>
    "tpu.region"() ({
      %run_scoped3A = tpu.sem_alloc : memref<!tpu.dma_semaphore, #tpu.memory_space<semaphore_mem>>
      %dma_start3A_124 = arith.constant 0 : i32
      %dma_start3A_125 = arith.constant 0 : i32
      %dma_start3A_126 = tpu.memref_slice %arg7[%add3A, %dma_start3A_124, %dma_start3A_125] : memref<32x40x128xf32, #tpu.memory_space<hbm>> -> memref<1x40x128xf32, #tpu.memory_space<hbm>>
      %dma_start3A_127 = tpu.memref_squeeze %dma_start3A_126 : memref<1x40x128xf32, #tpu.memory_space<hbm>> -> memref<40x128xf32, #tpu.memory_space<hbm>>
      %dma_start3A_128 = arith.constant 0 : i32
      %dma_start3A_129 = arith.constant 0 : i32
      %dma_start3A_130 = tpu.memref_slice %arg7[%add3A, %dma_start3A_128, %dma_start3A_129] : memref<32x40x128xf32, #tpu.memory_space<hbm>> -> memref<1x40x128xf32, #tpu.memory_space<hbm>>
      %dma_start3A_131 = tpu.memref_squeeze %dma_start3A_130 : memref<1x40x128xf32, #tpu.memory_space<hbm>> -> memref<40x128xf32, #tpu.memory_space<hbm>>
      tpu.enqueue_dma source(%arg16 : memref<40x128xf32, #tpu.memory_space<vmem>>) target(%dma_start3A_131 : memref<40x128xf32, #tpu.memory_space<hbm>>) target_semaphore(%run_scoped3A : memref<!tpu.dma_semaphore, #tpu.memory_space<semaphore_mem>>)
      %dma_wait3A_132 = arith.constant 0 : i32
      %dma_wait3A_133 = arith.constant 0 : i32
      %dma_wait3A_134 = tpu.memref_slice %arg7[%add3A, %dma_wait3A_132, %dma_wait3A_133] : memref<32x40x128xf32, #tpu.memory_space<hbm>> -> memref<1x40x128xf32, #tpu.memory_space<hbm>>
      %dma_wait3A_135 = tpu.memref_squeeze %dma_wait3A_134 : memref<1x40x128xf32, #tpu.memory_space<hbm>> -> memref<40x128xf32, #tpu.memory_space<hbm>>
      %dma_wait3A_136 = arith.constant 0 : i32
      %dma_wait3A_137 = arith.constant 0 : i32
      %dma_wait3A_138 = tpu.memref_slice %arg7[%add3A, %dma_wait3A_136, %dma_wait3A_137] : memref<32x40x128xf32, #tpu.memory_space<hbm>> -> memref<1x40x128xf32, #tpu.memory_space<hbm>>
      %dma_wait3A_139 = tpu.memref_squeeze %dma_wait3A_138 : memref<1x40x128xf32, #tpu.memory_space<hbm>> -> memref<40x128xf32, #tpu.memory_space<hbm>>
      tpu.wait_dma2 semaphore(%run_scoped3A : memref<!tpu.dma_semaphore, #tpu.memory_space<semaphore_mem>>) src(%arg16 : memref<40x128xf32, #tpu.memory_space<vmem>>) dst(%dma_wait3A_139 : memref<40x128xf32, #tpu.memory_space<hbm>>)
      tpu.yield
    }) : () -> ()
    %eq3A = arith.constant 0 : i32
    %eq3A_86 = vector.broadcast %eq3A : i32 to vector<16xi32>
    %eq3A_87 = arith.cmpi eq, %iota3A, %eq3A_86 : vector<16xi32>
    %eq3A_88 = arith.constant 1 : i32
    %eq3A_89 = vector.broadcast %eq3A_88 : i32 to vector<16xi32>
    %eq3A_90 = arith.cmpi eq, %iota3A, %eq3A_89 : vector<16xi32>
    %jit3A = arith.constant 0.000000e+00 : f32
    %broadcast_in_dim3A_91 = vector.broadcast %reduce_sum3A_85 : f32 to vector<16xf32>
    %broadcast_in_dim3A_92 = vector.broadcast %jit3A : f32 to vector<16xf32>
    %select_n3A = arith.select %eq3A_90, %broadcast_in_dim3A_91, %broadcast_in_dim3A_92 : vector<16xi1>, vector<16xf32>
    %broadcast_in_dim3A_93 = vector.broadcast %reduce_max3A_74 : f32 to vector<16xf32>
    %select_n3A_94 = arith.select %eq3A_87, %broadcast_in_dim3A_93, %select_n3A : vector<16xi1>, vector<16xf32>
    %swap3A = arith.constant 0 : index
    %swap3A_95 = tpu.vector_load %arg19[%swap3A] {strides = array<i32>} : memref<128xf32, #tpu.memory_space<vmem>>, vector<16xf32>,
    tpu.vector_store %arg19[%swap3A], %select_n3A_94 {strides = array<i32>} : memref<128xf32, #tpu.memory_space<vmem>>, vector<16xf32>,
    %broadcast_in_dim3A_96 = arith.constant 0.000000e+00 : f32
    %broadcast_in_dim3A_97 = vector.broadcast %broadcast_in_dim3A_96 : f32 to vector<16xf32>
    %swap3A_98 = arith.constant 16 : index
    %swap3A_99 = tpu.vector_load %arg19[%swap3A_98] {strides = array<i32>} : memref<128xf32, #tpu.memory_space<vmem>>, vector<16xf32>,
    tpu.vector_store %arg19[%swap3A_98], %broadcast_in_dim3A_97 {strides = array<i32>} : memref<128xf32, #tpu.memory_space<vmem>>, vector<16xf32>,
    %broadcast_in_dim3A_100 = arith.constant 0.000000e+00 : f32
    %broadcast_in_dim3A_101 = vector.broadcast %broadcast_in_dim3A_100 : f32 to vector<16xf32>
    %swap3A_102 = arith.constant 32 : index
    %swap3A_103 = tpu.vector_load %arg19[%swap3A_102] {strides = array<i32>} : memref<128xf32, #tpu.memory_space<vmem>>, vector<16xf32>,
    tpu.vector_store %arg19[%swap3A_102], %broadcast_in_dim3A_101 {strides = array<i32>} : memref<128xf32, #tpu.memory_space<vmem>>, vector<16xf32>,
    %broadcast_in_dim3A_104 = arith.constant 0.000000e+00 : f32
    %broadcast_in_dim3A_105 = vector.broadcast %broadcast_in_dim3A_104 : f32 to vector<16xf32>
    %swap3A_106 = arith.constant 48 : index
    %swap3A_107 = tpu.vector_load %arg19[%swap3A_106] {strides = array<i32>} : memref<128xf32, #tpu.memory_space<vmem>>, vector<16xf32>,
    tpu.vector_store %arg19[%swap3A_106], %broadcast_in_dim3A_105 {strides = array<i32>} : memref<128xf32, #tpu.memory_space<vmem>>, vector<16xf32>,
    %broadcast_in_dim3A_108 = arith.constant 0.000000e+00 : f32
    %broadcast_in_dim3A_109 = vector.broadcast %broadcast_in_dim3A_108 : f32 to vector<16xf32>
    %swap3A_110 = arith.constant 64 : index
    %swap3A_111 = tpu.vector_load %arg19[%swap3A_110] {strides = array<i32>} : memref<128xf32, #tpu.memory_space<vmem>>, vector<16xf32>,
    tpu.vector_store %arg19[%swap3A_110], %broadcast_in_dim3A_109 {strides = array<i32>} : memref<128xf32, #tpu.memory_space<vmem>>, vector<16xf32>,
    %broadcast_in_dim3A_112 = arith.constant 0.000000e+00 : f32
    %broadcast_in_dim3A_113 = vector.broadcast %broadcast_in_dim3A_112 : f32 to vector<16xf32>
    %swap3A_114 = arith.constant 80 : index
    %swap3A_115 = tpu.vector_load %arg19[%swap3A_114] {strides = array<i32>} : memref<128xf32, #tpu.memory_space<vmem>>, vector<16xf32>,
    tpu.vector_store %arg19[%swap3A_114], %broadcast_in_dim3A_113 {strides = array<i32>} : memref<128xf32, #tpu.memory_space<vmem>>, vector<16xf32>,
    %broadcast_in_dim3A_116 = arith.constant 0.000000e+00 : f32
    %broadcast_in_dim3A_117 = vector.broadcast %broadcast_in_dim3A_116 : f32 to vector<16xf32>
    %swap3A_118 = arith.constant 96 : index
    %swap3A_119 = tpu.vector_load %arg19[%swap3A_118] {strides = array<i32>} : memref<128xf32, #tpu.memory_space<vmem>>, vector<16xf32>,
    tpu.vector_store %arg19[%swap3A_118], %broadcast_in_dim3A_117 {strides = array<i32>} : memref<128xf32, #tpu.memory_space<vmem>>, vector<16xf32>,
    %broadcast_in_dim3A_120 = arith.constant 0.000000e+00 : f32
    %broadcast_in_dim3A_121 = vector.broadcast %broadcast_in_dim3A_120 : f32 to vector<16xf32>
    %swap3A_122 = arith.constant 112 : index
    %swap3A_123 = tpu.vector_load %arg19[%swap3A_122] {strides = array<i32>} : memref<128xf32, #tpu.memory_space<vmem>>, vector<16xf32>,
    tpu.vector_store %arg19[%swap3A_122], %broadcast_in_dim3A_121 {strides = array<i32>} : memref<128xf32, #tpu.memory_space<vmem>>, vector<16xf32>,
    "tpu.region"() ({
      %run_scoped3A = tpu.sem_alloc : memref<!tpu.dma_semaphore, #tpu.memory_space<semaphore_mem>>
      %dma_start3A_124 = arith.constant 0 : i32
      %dma_start3A_125 = tpu.memref_slice %arg8[%add3A, %dma_start3A_124] : memref<32x128xf32, #tpu.memory_space<hbm>> -> memref<1x128xf32, #tpu.memory_space<hbm>>
      %dma_start3A_126 = tpu.memref_squeeze %dma_start3A_125 : memref<1x128xf32, #tpu.memory_space<hbm>> -> memref<128xf32, #tpu.memory_space<hbm>>
      %dma_start3A_127 = arith.constant 0 : i32
      %dma_start3A_128 = tpu.memref_slice %arg8[%add3A, %dma_start3A_127] : memref<32x128xf32, #tpu.memory_space<hbm>> -> memref<1x128xf32, #tpu.memory_space<hbm>>
      %dma_start3A_129 = tpu.memref_squeeze %dma_start3A_128 : memref<1x128xf32, #tpu.memory_space<hbm>> -> memref<128xf32, #tpu.memory_space<hbm>>
      tpu.enqueue_dma source(%arg19 : memref<128xf32, #tpu.memory_space<vmem>>) target(%dma_start3A_129 : memref<128xf32, #tpu.memory_space<hbm>>) target_semaphore(%run_scoped3A : memref<!tpu.dma_semaphore, #tpu.memory_space<semaphore_mem>>)
      %dma_wait3A_130 = arith.constant 0 : i32
      %dma_wait3A_131 = tpu.memref_slice %arg8[%add3A, %dma_wait3A_130] : memref<32x128xf32, #tpu.memory_space<hbm>> -> memref<1x128xf32, #tpu.memory_space<hbm>>
      %dma_wait3A_132 = tpu.memref_squeeze %dma_wait3A_131 : memref<1x128xf32, #tpu.memory_space<hbm>> -> memref<128xf32, #tpu.memory_space<hbm>>
      %dma_wait3A_133 = arith.constant 0 : i32
      %dma_wait3A_134 = tpu.memref_slice %arg8[%add3A, %dma_wait3A_133] : memref<32x128xf32, #tpu.memory_space<hbm>> -> memref<1x128xf32, #tpu.memory_space<hbm>>
      %dma_wait3A_135 = tpu.memref_squeeze %dma_wait3A_134 : memref<1x128xf32, #tpu.memory_space<hbm>> -> memref<128xf32, #tpu.memory_space<hbm>>
      tpu.wait_dma2 semaphore(%run_scoped3A : memref<!tpu.dma_semaphore, #tpu.memory_space<semaphore_mem>>) src(%arg19 : memref<128xf32, #tpu.memory_space<vmem>>) dst(%dma_wait3A_135 : memref<128xf32, #tpu.memory_space<hbm>>)
      tpu.yield
    }) : () -> ()
    return
  }
}

module attributes {stable_mosaic.version = 14 : i64} {
  func.func @_proj_body(%arg0: memref<10000x128xf32, #tpu.memory_space<vmem>>, %arg1: memref<128x256xf32, #tpu.memory_space<vmem>>, %arg2: memref<10000x256xf32, #tpu.memory_space<vmem>>) attributes {dimension_semantics = [], scalar_prefetch = 0 : i64, scratch_operands = 0 : i64, tpu.core_type = #tpu.core_type<tc>} {
    %get3A = arith.constant 0 : index
    %get3A_0 = arith.constant 0 : index
    %get3A_1 = vector.load %arg0[%get3A, %get3A_0] : memref<10000x128xf32, #tpu.memory_space<vmem>>, vector<10000x128xf32>
    %get3A_2 = arith.constant 0 : index
    %get3A_3 = arith.constant 0 : index
    %get3A_4 = vector.load %arg1[%get3A_2, %get3A_3] : memref<128x256xf32, #tpu.memory_space<vmem>>, vector<128x256xf32>
    %dot_general3A = arith.constant dense<0.000000e+00> : vector<10000x256xf32>
    %dot_general3A_5 = tpu.matmul %get3A_1, %get3A_4, %dot_general3A {dimension_numbers = #tpu.dot_dimension_numbers<[1], [0], [0], [1], [0, 0, 1, 1], [], []>, transpose_lhs_hint = false} : vector<10000x128xf32>, vector<128x256xf32>, vector<10000x256xf32> -> vector<10000x256xf32>
    %swap3A = arith.constant 0 : index
    %swap3A_6 = arith.constant 0 : index
    %swap3A_7 = vector.load %arg2[%swap3A, %swap3A_6] : memref<10000x256xf32, #tpu.memory_space<vmem>>, vector<10000x256xf32>
    tpu.vector_store %arg2[%swap3A, %swap3A_6], %dot_general3A_5 {strides = array<i32>} : memref<10000x256xf32, #tpu.memory_space<vmem>>, vector<10000x256xf32>,
    return
  }
}

module attributes {stable_mosaic.version = 14 : i64} {
  func.func @_copy_body(%arg0: i32, %arg1: memref<72x10000xf32, #tpu.memory_space<vmem>>, %arg2: memref<72x10000xf32, #tpu.memory_space<vmem>>) attributes {dimension_semantics = [#tpu.dimension_semantics<arbitrary>], iteration_bounds = array<i64: 139>, scalar_prefetch = 0 : i64, scratch_operands = 0 : i64, tpu.core_type = #tpu.core_type<tc>, window_params = [{transform_indices = @transform_0, window_bounds = array<i64: 72, 10000>}, {transform_indices = @transform_1, window_bounds = array<i64: 72, 10000>}]} {
    %get3A = arith.constant 0 : index
    %get3A_0 = arith.constant 0 : index
    %get3A_1 = vector.load %arg1[%get3A, %get3A_0] : memref<72x10000xf32, #tpu.memory_space<vmem>>, vector<72x10000xf32>
    %swap3A = arith.constant 0 : index
    %swap3A_2 = arith.constant 0 : index
    %swap3A_3 = vector.load %arg2[%swap3A, %swap3A_2] : memref<72x10000xf32, #tpu.memory_space<vmem>>, vector<72x10000xf32>
    tpu.vector_store %arg2[%swap3A, %swap3A_2], %get3A_1 {strides = array<i32>} : memref<72x10000xf32, #tpu.memory_space<vmem>>, vector<72x10000xf32>,
    return
  }
  func.func @transform_0(%arg0: i32) -> (i32, i32) {
    %c0_i32 = arith.constant 0 : i32
    %c0_i32_0 = arith.constant 0 : i32
    return %arg0, %c0_i32 : i32, i32
  }
  func.func @transform_1(%arg0: i32) -> (i32, i32) {
    %c0_i32 = arith.constant 0 : i32
    %c0_i32_0 = arith.constant 0 : i32
    return %arg0, %c0_i32 : i32, i32
  }
}

module attributes {stable_mosaic.version = 14 : i64} {
  func.func @_mask_body(%arg0: memref<10000x128xf32, #tpu.memory_space<vmem>>, %arg1: memref<10000x1xf32, #tpu.memory_space<vmem>>, %arg2: memref<10000x128xf32, #tpu.memory_space<vmem>>) attributes {dimension_semantics = [], scalar_prefetch = 0 : i64, scratch_operands = 0 : i64, tpu.core_type = #tpu.core_type<tc>} {
    %get3A = arith.constant 0 : index
    %get3A_0 = arith.constant 0 : index
    %get3A_1 = vector.load %arg0[%get3A, %get3A_0] : memref<10000x128xf32, #tpu.memory_space<vmem>>, vector<10000x128xf32>
    %get3A_2 = arith.constant 0 : index
    %get3A_3 = arith.constant 0 : index
    %get3A_4 = vector.load %arg1[%get3A_2, %get3A_3] : memref<10000x1xf32, #tpu.memory_space<vmem>>, vector<10000x1xf32>
    %mul3A = vector.broadcast %get3A_4 : vector<10000x1xf32> to vector<10000x128xf32>
    %mul3A_5 = arith.mulf %get3A_1, %mul3A : vector<10000x128xf32>
    %swap3A = arith.constant 0 : index
    %swap3A_6 = arith.constant 0 : index
    %swap3A_7 = vector.load %arg2[%swap3A, %swap3A_6] : memref<10000x128xf32, #tpu.memory_space<vmem>>, vector<10000x128xf32>
    tpu.vector_store %arg2[%swap3A, %swap3A_6], %mul3A_5 {strides = array<i32>} : memref<10000x128xf32, #tpu.memory_space<vmem>>, vector<10000x128xf32>,
    return
  }
}

</mosaic_0001>

<sc_bundles>
// kernel: kernel.10.cloned.1.call-start
scs
__scs_entry_jumppad:
0x0: {  	(pc) =	sbr.rel $0x88, $3  }
0x1: {  	(tag) =	ssettag $0x0;
	lr =	simm.s32 $0x1  }
0x2: {  	[smem:$0x3F9B] =	sst lr;
	_ =	strace $0xD0000000  }
0x3: {  	_ = 	snop  }
0x4: {  	_ = 	snop  }
0x5: {  	_ = 	snop  }
0x6: {  	_ = 	snop  }
0x7: {  	_ = 	snop  }
__scs_overlays_trampoline_lowered:
0x8: {  	[smem:$0x3FAA] =	sst s0  }
0x9: {  	[smem:$0x3FAB] =	sst s1  }
0xa: {  	[smem:$0x3FAC] =	sst s2  }
0xb: {  	[smem:$0x3FAD] =	sst s3  }
0xc: {  	[smem:$0x3FAE] =	sst s4  }
0xd: {  	[smem:$0x3FAF] =	sst s5  }
0xe: {  	[smem:$0x3FB0] =	sst s6  }
0xf: {  	[smem:$0x3FB1] =	sst s7  }
0x10: {  	[smem:$0x3FB2] =	sst s8  }
0x11: {  	[smem:$0x3FB3] =	sst s9;
	s0 =	simm.s32 @!p0 $0x0  }
0x12: {  	s1 =	sld [smem:$0x3F99];
	s0 =	simm.s32 @p0 $0x1  }
0x13: {  	[smem:$0x3FB4] =	sst s0;
	s0 =	simm.s32 @!p1 $0x0  }
0x14: {  	s2 =	sld [smem:$0x3F98];
	s0 =	simm.s32 @p1 $0x1  }
0x15: {  	[smem:$0x3FB5] =	sst s0;
	s0 =	simm.s32 @!p2 $0x0  }
0x16: {  	s3 =	sld [smem:$0x3FDB];
	s0 =	simm.s32 @p2 $0x1  }
0x17: {  	s4 =	simm.s32 $0x1BF5;
	[smem:$0x3FB7] =	sst s0  }
0x18: {  	s0 =	sld [smem:$0x3F9A];
	_ =	swait.ge [sflag:s4], $0x0  }
0x19: {  	s7 =	sld [smem:$0x3F9B]  }
0x1a: {  	s8 =	sadd.s32 $0xFFFFE003, lr  }
0x1b: {  	s9 =	sadd.s32 $0xFFFFFEF7, lr;
	s5 =	simm.s32 $0xFFFFFFFF;
	p2 =	slt.u32 s8, $0xFFFFF086  }
0x1c: {  	p1 =	slt.u32 s9, $0xF7A;
	s5 =	simm.s32 @!p2 $0x0  }
0x1d: {  	s5 =	simm.s32 @p1 $0x1;
	p0 =	seq.s32 s7, s2  }
0x1e: {  	s7 =	smul.u32 @!p0 $0xF7A, s2;
	p2 =	seq.s32 @!p0 s5, $0x0  }
0x1f: {  	s9 =	smul.u32 $0xF7A, s1;
	s8 =	simm.s32 @!p0 $0x1BF5;
	p2 =	por !p2, p0  }
0x20: {  	[sflag:s8] =	ssyncset.s32 @!p0 $0xFFFFF086;
	s6 =	sadd.s32 @!p0 s3, s7;
	s7 =	simm.s32 @!p0 $0x108  }
0x21: {  	s3 =	sadd.s32 s3, s9;
	s6 =	sadd.s32 @!p0 $0x88, s6;
	s7 =	simm.s32 @p2 $0x1082  }
0x22: {  	[simem:s7], [sflag:s8] =	dma.local @!p0 [hbm:s6], $0xF7A  }
0x23: {  	s9 =	sor.u32 $0xD0000000, s2;
	s6 =	simm.s32 $0x108;
	_ =	swait.ge @!p0 [sflag:s8], $0x0  }
0x24: {  	s3 =	sadd.s32 $0x88, s3;
	s6 =	simm.s32 @!p1 $0x1082;
	[sflag:s4] =	ssyncset.s32 $0xFFFFF086  }
0x25: {  	[simem:s6], [sflag:s4] =	dma.local [hbm:s3], $0xF7A  }
0x26: {  	[smem:$0x3F9B] =	sst s1;
	(tag) =	ssettag s2;
	_ =	strace s9  }
0x27: {  	s1 =	sld [smem:$0x3FAB]  }
0x28: {  	s2 =	sld [smem:$0x3FAC]  }
0x29: {  	s4 =	sld [smem:$0x3FAE]  }
0x2a: {  	p0 =	seq.s32 s5, $0x0;
	s5 =	sld [smem:$0x3FAF]  }
0x2b: {  	s6 =	sld [smem:$0x3FB0]  }
0x2c: {  	s7 =	sld [smem:$0x3FB1]  }
0x2d: {  	s3 =	simm.s32 $0x108;
	s8 =	sld [smem:$0x3FB2]  }
0x2e: {  	s3 =	simm.s32 @!p0 $0x1082;
	s9 =	sld [smem:$0x3FB3]  }
0x2f: {  	lr =	sadd.s32 s0, s3;
	s0 =	sld [smem:$0x3FAA]  }
0x30: {  	s3 =	sld [smem:$0x3FAD]  }
0x31: {  	[smem:$0x3FB6] =	sst s10  }
0x32: {  	s10 =	sld [smem:$0x3FB4];
	_ =	sdelay $0x3  }
0x33: {  	p0 =	seq.s32 s10, $0x1;
	s10 =	sld [smem:$0x3FB6];
	_ =	sdelay $0x3  }
0x34: {  	[smem:$0x3FB6] =	sst s10  }
0x35: {  	s10 =	sld [smem:$0x3FB5];
	_ =	sdelay $0x3  }
0x36: {  	p1 =	seq.s32 s10, $0x1;
	s10 =	sld [smem:$0x3FB6];
	_ =	sdelay $0x3  }
0x37: {  	[smem:$0x3FB6] =	sst s10  }
0x38: {  	s10 =	sld [smem:$0x3FB7]  }
0x39: {  	_ = 	snop;
	(pc) =	sbr.ind lr, $3  }
0x3a: {  	_ = 	snop  }
0x3b: {  	_ = 	snop  }
0x3c: {  	p2 =	seq.s32 s10, $0x1;
	s10 =	sld [smem:$0x3FB6]  }
0x3d: {  	_ =	shalt  }
0x3e: {  	_ =	shalt  }
0x3f: {  	_ =	shalt  }
0x40: {  	_ =	shalt  }
0x41: {  	_ =	shalt  }
0x42: {  	_ =	shalt  }
0x43: {  	_ =	shalt  }
0x44: {  	_ =	shalt  }
0x45: {  	_ =	shalt  }
0x46: {  	_ =	shalt  }
0x47: {  	_ =	shalt  }
0x48: {  	_ =	shalt  }
0x49: {  	_ =	shalt  }
0x4a: {  	_ =	shalt  }
0x4b: {  	_ =	shalt  }
0x4c: {  	_ =	shalt  }
0x4d: {  	_ =	shalt  }
0x4e: {  	_ =	shalt  }
0x4f: {  	_ =	shalt  }
0x50: {  	_ =	shalt  }
0x51: {  	_ =	shalt  }
0x52: {  	_ =	shalt  }
0x53: {  	_ =	shalt  }
0x54: {  	_ =	shalt  }
0x55: {  	_ =	shalt  }
0x56: {  	_ =	shalt  }
0x57: {  	_ =	shalt  }
0x58: {  	_ =	shalt  }
0x59: {  	_ =	shalt  }
0x5a: {  	_ =	shalt  }
0x5b: {  	_ =	shalt  }
0x5c: {  	_ =	shalt  }
0x5d: {  	_ =	shalt  }
0x5e: {  	_ =	shalt  }
0x5f: {  	_ =	shalt  }
0x60: {  	_ =	shalt  }
0x61: {  	_ =	shalt  }
0x62: {  	_ =	shalt  }
0x63: {  	_ =	shalt  }
0x64: {  	_ =	shalt  }
0x65: {  	_ =	shalt  }
0x66: {  	_ =	shalt  }
0x67: {  	_ =	shalt  }
0x68: {  	_ =	shalt  }
0x69: {  	_ =	shalt  }
0x6a: {  	_ =	shalt  }
0x6b: {  	_ =	shalt  }
0x6c: {  	_ =	shalt  }
0x6d: {  	_ =	shalt  }
0x6e: {  	_ =	shalt  }
0x6f: {  	_ =	shalt  }
0x70: {  	_ =	shalt  }
0x71: {  	_ =	shalt  }
0x72: {  	_ =	shalt  }
0x73: {  	_ =	shalt  }
0x74: {  	_ =	shalt  }
0x75: {  	_ =	shalt  }
0x76: {  	_ =	shalt  }
0x77: {  	_ =	shalt  }
0x78: {  	_ =	shalt  }
0x79: {  	_ =	shalt  }
0x7a: {  	_ =	shalt  }
0x7b: {  	_ =	shalt  }
0x7c: {  	_ =	shalt  }
0x7d: {  	_ =	shalt  }
0x7e: {  	_ =	shalt  }
0x7f: {  	_ =	shalt  }
0x80: {  	_ =	shalt  }
0x81: {  	_ =	shalt  }
0x82: {  	_ =	shalt  }
0x83: {  	_ =	shalt  }
0x84: {  	_ =	shalt  }
0x85: {  	_ =	shalt  }
0x86: {  	_ =	shalt  }
0x87: {  	_ =	shalt  }
.Lfunc_end0:
.L_simem_size_0:
called_computation.1_lowered:
.L_overlay_start_0:
0x88: {  	s2 =	sld [smem:$0x3FD9]  }
0x89: {  	s3 =	sld [smem:$0x3FFE];
	_ =	sdelay $0x1  }
0x8a: {  	s1 =	srdreg.scid  }
0x8b: {  	s0 =	sand.u32 $0x1, s1  }
0x8c: {  	s14 =	sshll.u32 s0, $0xA;
	s2 =	sadd.s32 s3, s2  }
0x8d: {  	s2 =	sadd.s32 s2, s14  }
0x8e: {  	[smem:$0x3FC2] =	sst s2  }
0x8f: {  	_ = 	snop  }
0x90: {  	s2 =	sld [smem:$0x3FD0];
	_ =	sdelay $0x2  }
0x91: {  	s15 =	simm.s32 $0xA;
	s4 =	simm.s32 $0x10  }
0x92: {  	[smem:s4], [sflag:s15] =	dma.local [hbm:s2], $0x1  }
0x93: {  	_ =	swait.eq [sflag:s15], $0x1  }
0x94: {  	[sflag:s15] =	ssyncset.done $0x0  }
0x95: {  	s16 =	sld [smem:$0x10];
	[sflag:s15] =	ssyncadd.s32 $0xFFFFFFFF  }
0x96: {  	s17 =	sld [smem:$0x11];
	(tm) =	ssettm $0x1  }
0x97: {  	s18 =	sld [smem:$0x3FFB];
	_ =	sdelay $0x3  }
0x98: {  	_ =	strace s18  }
0x99: {  	s4 =	sld [smem:$0x3FFC];
	_ =	sdelay $0x3  }
0x9a: {  	_ =	strace s4  }
0x9b: {  	s4 =	sld [smem:$0x3FFD];
	_ =	sdelay $0x3  }
0x9c: {  	_ =	strace s4  }
0x9d: {  	_ =	strace $0x8FFFFFFF  }
0x9e: {  	s19 =	sld [smem:$0x3FDB];
	_ =	sdelay $0x1  }
0x9f: {  	s5 =	simm.s32 $_scs_section_size  }
0xa0: {  	s6 =	simm.s32 $_size__tile_overlayer_lowered;
	s7 =	simm.s32 $_tile_overlayer_lowered  }
0xa1: {  	s22 =	simm.s32 $0x1BFF;
	s21 =	sshll.u32 s7, $0x1;
	s4 =	sadd.s32 s5, s19  }
0xa2: {  	s8 =	simm.s32 $0x0;
	s20 =	sshll.u32 s6, $0x1;
	s6 =	sadd.s32 s21, s4  }
0xa3: {  	[timem:s8], [sflag:s22] =	dma.local [hbm:s6], s20  }
0xa4: {  	_ =	swait.ge [sflag:s22], s20  }
0xa5: {  	s5 =	ssub.s32 $0x0, s20;
	[sflag:s22] =	ssyncset.done $0x0  }
0xa6: {  	[sflag:s22] =	ssyncadd.s32 s5;
	_ =	sdelay $0x1  }
0xa7: {  	s23 =	simm.s32 $0x1B8B  }
0xa8: {  	_ =	swait.ge [sflag:s23], $0x1  }
0xa9: {  	[sflag:s23] =	ssyncset.done $0x0  }
0xaa: {  	s25 =	simm.s32 $0x1B8E;
	s24 =	sld [smem:$0x3FFE];
	[sflag:s23] =	ssyncadd.s32 $0xFFFFFFFF  }
0xab: {  	s26 =	simm.s32 $execute0_lowered;
	[smem:$0x3FD2] =	sst s25  }
0xac: {  	s6 =	sshll.u32 s26, $0x1;
	_ =	strace $0x80000049;
	[dreg:$0x1] =	wrdreg $0xFFFFFFFF  }
0xad: {  	s28 =	simm.s32 $_size_execute0_lowered;
	s4 =	sadd.s32 s4, s6;
	[dreg:$0x0] =	wrdreg $0x0  }
0xae: {  	s6 =	sshll.u32 s28, $0x1;
	[dreg:$0x2] =	wrdreg s4  }
0xaf: {  	[dreg:$0x3] =	wrdreg s6  }
0xb0: {  	[dreg:$0x4] =	wrdreg $0xC0  }
0xb1: {  	_ =	task [dreg:s8], $0x5FFFF  }
0xb2: {  	[dreg:$0x1] =	wrdreg $0xFFFFFFFF  }
0xb3: {  	[dreg:$0x0] =	wrdreg $0x60  }
0xb4: {  	[dreg:$0x2] =	wrdreg s24  }
0xb5: {  	[dreg:$0x3] =	wrdreg s16  }
0xb6: {  	[dreg:$0x4] =	wrdreg s17  }
0xb7: {  	[dreg:$0x5] =	wrdreg $0xB0000  }
0xb8: {  	[dreg:$0x6] =	wrdreg $0x9  }
0xb9: {  	_ =	task.clear_ibuf [dreg:s8], $0x7FFFF;
	_ =	strace $0x90000049  }
0xba: {  	s29 =	simm.s32 $0x9;
	_ =	strace $0x8000004B  }
0xbb: {  	_ =	swait.ge [sflag:s29], $0x1  }
0xbc: {  	[sflag:s29] =	ssyncadd.s32 $0xFFFFFFFF  }
0xbd: {  	_ =	strace $0x9000004B  }
0xbe: {  	_ =	sfence  }
0xbf: {  	s30 =	sld [smem:$0x0];
	_ =	sdelay $0x2  }
0xc0: {  	s31 =	sshll.u32 s1, $0xD;
	s1 =	sshrl.u32 s1, $0x2  }
0xc1: {  	s3 =	sand.u32 $0x4000, s31;
	s1 =	sadd.s32 s1, s30  }
0xc2: {  	s0 =	sor.u32 s3, s0;
	s1 =	sshll.u32 s1, $0x11  }
0xc3: {  	s0 =	sor.u32 s1, s0  }
0xc4: {  	s0 =	sadd.s32 $0x8F2B, s0  }
0xc5: {  	[sflag:s0] =	ssyncadd.remote.s32 $0x1  }
0xc6: {  	_ =	sfence.sel $0xFFFF  }
0xc7: {  	[dreg:$0x0] =	wrdreg $0xFFFFFFFF;
	(pc) =	sbr.abs _section_cstart, $3  }
0xc8: {  	[dreg:$0x1] =	wrdreg $0xFFFFFFFF  }
0xc9: {  	_ =	task.clear_ibuf [dreg:s8], $0x2FFFF;
	_ =	strace $0x9FFFFFFF  }
0xca: {  	(tm) =	ssettm $0x7FFFFFFF  }
0xcb: {  	_ =	shalt  }
tec
execute0_lowered:
.L_overlay_start_1:
0x0: {  	(tag) =	ssettag $0x1  }
0x1: {  	s0 =	rddreg [dreg:$0x0]  }
0x2: {  	s2 =	rddreg [dreg:$0x1]  }
0x3: {  	s3 =	srdreg.scid;
	s1 =	rddreg [dreg:$0x2]  }
0x4: {  	s13 =	rddreg [dreg:$0x3];
	s11 =	stileid.u32  }
0x5: {  	s14 =	simm.s32 $0x1400;
	s15 =	simm.s32 $0x8C00;
	s16 =	simm.s32 $0x4  }
0x6: {  	s17 =	simm.s32 $0x9C00;
	s18 =	simm.s32 $0x1;
	s19 =	simm.s32 $0x2  }
0x7: {  	s20 =	simm.s32 $0x3;
	s22 =	simm.s32 $0x7800;
	s24 =	simm.s32 $0x6400  }
0x8: {  	s25 =	simm.s32 $0x0;
	s6 =	sand.u32 $0x1, s3;
	s3 =	simm.s32 $0x0  }
0x9: {  	s5 =	sadd.s32 $0x6600, s0;
	p0 =	sne.s32 s11, $0x0;
	s4 =	sshll.u32 s6, $0x4  }
0xa: {  	[smem:$0x7FF] =	sst s3;
	s7 =	smul.u32 $0x4E4, s6;
	s10 =	ssub.s32 $0x2, s6  }
0xb: {  	s6 =	sadd.s32 $0x6000, s0;
	s4 =	sor.u32 s11, s4;
	s31 =	sshrl.u32 s10, $0x1  }
0xc: {  	v0 =	vlaneseq.u32;
	_ =	strace $0x8000004A;
	s8 =	smul.u32 $0x280, s4;
	s12 =	ssub.s32 s10, s31  }
0xd: {  	v1 =	vmul.u32 $0x80, v0;
	s4 =	sadd.s32 $0x59600, s0;
	s11 =	smax.u32 s12, $0x1;
	s12 =	sshrl.u32 @!p0 s13, $0x3  }
0xe: {  	s9 =	sadd.s32 s8, s0;
	s0 =	sadd.s32 s7, s0;
	s8 =	sadd.s32 s2, s8  }
0xf: {  	v2 =	vor.u32 $0x800, v1;
	v3 =	vor.u32 $0x1, v1;
	v4 =	vor.u32 $0x801, v1;
	s7 =	sadd.s32 $0x54600, s9;
	s9 =	sadd.s32 $0x1000, s9;
	s10 =	sadd.s32 $0x6A00, s0  }
.LBB2_1:
0x10: {  	s0 =	simm.s32 @!p0 $0x1C04  }
0x11: {  	[spmem:s12], [sflag:s0] =	dma.local @!p0 [hbm:s6], $0x4E4  }
0x12: {  	s0 =	simm.s32 @!p0 $0x4  }
0x13: {  	_ =	swait.ge @!p0 [sflag:s0], $0x4E4  }
0x14: {  	[sflag:s0] =	ssyncset.done @!p0 $0x0  }
0x15: {  	s21 =	simm.s32 $0x2800;
	[sflag:s0] =	ssyncadd.s32 @!p0 $0xFFFFFB1C  }
0x16: {  	[tilespmem:s21], [sflag:$0x1] =	stream.linear.gather [hbm4b:s7+s3], $0x1400, $0x38;
	[tilespmem:$0xB278] =	vst v63  }
0x17: {  	_ = 	snop  }
0x18: {  	[tilespmem:s3], [sflag:$0x2] =	stream.linear.gather [hbm4b:s8+s3], $0x1400, $0x38;
	[tilespmem:$0xB278] =	vst v63  }
0x19: {  	_ = 	snop  }
0x1a: {  	[tilespmem:s14], [sflag:$0x3] =	stream.linear.gather [hbm4b:s9+s3], $0x1400, $0x38;
	[tilespmem:$0xB278] =	vst v63  }
0x1b: {  	_ = 	snop  }
0x1c: {  	[tilespmem:s15], [sflag:$0x4] =	stream.linear.gather [hbm4b:s4+s3], $0x1000, $0x38;
	[tilespmem:$0xB278] =	vst v63  }
0x1d: {  	_ =	swait.ge [sflag:s16], $0x1000  }
0x1e: {  	[sflag:s16] =	ssyncset.done $0x0  }
0x1f: {  	[sflag:s16] =	ssyncadd.s32 $0xFFFFF000  }
0x20: {  	[tilespmem:s17], [sflag:$0x4] =	stream.linear.gather [hbm4b:s5+s3], $0x1400, $0x38;
	[tilespmem:$0xB278] =	vst v63  }
0x21: {  	_ =	swait.ge [sflag:s16], $0x1400  }
0x22: {  	[sflag:s16] =	ssyncset.done $0x0  }
0x23: {  	[sflag:s16] =	ssyncadd.s32 $0xFFFFEC00  }
0x24: {  	_ =	swait.ge [sflag:s18], $0x1400  }
0x25: {  	[sflag:s18] =	ssyncset.done $0x0  }
0x26: {  	[sflag:s18] =	ssyncadd.s32 $0xFFFFEC00  }
0x27: {  	_ =	swait.ge [sflag:s19], $0x1400  }
0x28: {  	[sflag:s19] =	ssyncset.done $0x0  }
0x29: {  	[sflag:s19] =	ssyncadd.s32 $0xFFFFEC00  }
0x2a: {  	_ =	swait.ge [sflag:s20], $0x1400  }
0x2b: {  	[sflag:s20] =	ssyncset.done $0x0  }
0x2c: {  	[sflag:s20] =	ssyncadd.s32 $0xFFFFEC00  }
0x2d: {  	v6 =	vld.idx.msk [tilespmem:v1+s15+$0x0], $0xffff  }
0x2e: {  	v7 =	vld.idx.msk [tilespmem:v2+s15+$0x0], $0xffff;
	_ =	sdelay $0x4  }
0x2f: {  	v5 =	vmax.f32 v6, v7  }
0x30: {  	(xrf0) =	vmax.scan.msk.f32 $0xffff, v5;
	_ =	sdelay $0x5  }
0x31: {  	v5, _, _ =	vpop (xrf0)  }
0x32: {  	v5 =	vbroadcast v5, $0xF;
	_ =	sdelay $0x1  }
0x33: {  	v6 =	vsub.f32 v6, v5  }
0x34: {  	v7 =	vsub.f32 v7, v5  }
0x35: {  	v6 =	vmul.f32 $1.442695020e+00, v6  }
0x36: {  	v7 =	vmul.f32 $1.442695020e+00, v7  }
0x37: {  	(erf) = vpow2.f32 v6  }
0x38: {  	(erf) = vpow2.f32 v7;
	_ =	sdelay $0x3  }
0x39: {  	v6 =	vld.idx.msk [tilespmem:v3+s15+$0x0], $0xffff  }
0x3a: {  	v7 =	vld.idx.msk [tilespmem:v4+s15+$0x0], $0xffff;
	_ =	sdelay $0x2  }
0x3b: {  	v8 =	vpop (erf)  }
0x3c: {  	v6 =	vmul.f32 v8, v6;
	v8 =	vpop (erf)  }
0x3d: {  	v7 =	vmul.f32 v8, v7  }
0x3e: {  	(xrf2) =	vadd.scan.msk.f32 $0xffff, v6  }
0x3f: {  	(xrf2) =	vadd.scan.msk.f32 $0xffff, v7;
	_ =	sdelay $0x8  }
0x40: {  	s23 =	simm.s32 $0x40;
	v6, _, _ =	vpop (xrf2)  }
0x41: {  	s2 =	simm.s32 $0x1440;
	v7 =	vld [tilespmem:s23+$0xFFFFFFC0];
	(v2sf) =	vpush v6, $0xF;
	v6, _, _ =	vpop (xrf2)  }
0x42: {  	(v2sf) =	vpush v6, $0xF;
	v6 =	vld [tilespmem:s2+$0xFFFFFFC0];
	_ =	sdelay $0x3  }
0x43: {  	v8 =	vmul.u32 $0x2710, v7  }
0x44: {  	s13 =	simm.s32 $0x5F5E100;
	v9 =	vmul.u32 $0x2710, v6  }
0x45: {  	v10 =	vor.u32 s13, v0;
	vm0 =	veq.s32 v7, v6;
	v8 =	vadd.s32 v6, v8  }
0x46: {  	s13 =	simm.s32 $0x3C40;
	v8 =	vsel vm0, v10, v8;
	v7 =	vadd.s32 v7, v9  }
0x47: {  	s21 =	simm.s32 $0x5040;
	[tilespmem:s13+$0xFFFFFFC0] =	vst v8;
	v7 =	vsel vm0, v10, v7  }
0x48: {  	s26 =	simm.s32 $0x6440;
	v6 =	vsel vm0, $0x2718, v6;
	[tilespmem:s21+$0xFFFFFFC0] =	vst v7  }
0x49: {  	s28 =	simm.s32 $0x2840;
	[tilespmem:s26+$0xFFFFFFC0] =	vst v6  }
0x4a: {  	v6 =	vld [tilespmem:s28+$0xFFFFFFC0];
	_ =	sdelay $0x2  }
0x4b: {  	s29 =	spop (v2sf)  }
0x4c: {  	s30 =	spop (v2sf)  }
0x4d: {  	s29 =	sadd.f32 s30, s29;
	v6 =	vsub.f32 v6, v5;
	_ =	sdelay $0x1  }
0x4e: {  	v7 =	vmov s29;
	v6 =	vmul.f32 $1.442695020e+00, v6  }
0x4f: {  	(erf) = vrcp.f32 v7  }
0x50: {  	(erf) = vpow2.f32 v6;
	_ =	sdelay $0x7  }
0x51: {  	v6 =	vpop (erf)  }
0x52: {  	v7 =	vpop (erf)  }
0x53: {  	v7 =	vmul.f32 v7, v6  }
0x54: {  	s29 =	simm.s32 $0x7840  }
0x55: {  	[tilespmem:s29+$0xFFFFFFC0] =	vst v7  }
0x56: {  	v7 =	vld [tilespmem:s23+$0xFFFFFFD0]  }
0x57: {  	v8 =	vld [tilespmem:s2+$0xFFFFFFD0];
	_ =	sdelay $0x3  }
0x58: {  	v44 =	vmul.u32 $0x2710, v7  }
0x59: {  	s30 =	simm.s32 $0x5F5E110;
	v45 =	vmul.u32 $0x2710, v8  }
0x5a: {  	v11 =	vor.u32 s30, v0;
	vm9 =	veq.s32 v7, v8;
	v9 =	vadd.s32 v8, v44  }
0x5b: {  	v7 =	vadd.s32 v7, v45;
	v9 =	vsel vm9, v11, v9  }
0x5c: {  	v7 =	vsel vm9, v11, v7;
	[tilespmem:s13+$0xFFFFFFD0] =	vst v9  }
0x5d: {  	v8 =	vsel vm9, $0x2718, v8;
	[tilespmem:s21+$0xFFFFFFD0] =	vst v7  }
0x5e: {  	[tilespmem:s26+$0xFFFFFFD0] =	vst v8  }
0x5f: {  	v7 =	vld [tilespmem:s28+$0xFFFFFFD0];
	_ =	sdelay $0x4  }
0x60: {  	v7 =	vsub.f32 v7, v5;
	_ =	sdelay $0x1  }
0x61: {  	v7 =	vmul.f32 $1.442695020e+00, v7;
	_ =	sdelay $0x1  }
0x62: {  	(erf) = vpow2.f32 v7;
	_ =	sdelay $0x8  }
0x63: {  	v7 =	vpop (erf)  }
0x64: {  	v7 =	vmul.f32 v7, v6;
	_ =	sdelay $0x1  }
0x65: {  	[tilespmem:s29+$0xFFFFFFD0] =	vst v7  }
0x66: {  	v7 =	vld [tilespmem:s23+$0xFFFFFFE0]  }
0x67: {  	v8 =	vld [tilespmem:s2+$0xFFFFFFE0];
	_ =	sdelay $0x3  }
0x68: {  	v46 =	vmul.u32 $0x2710, v7  }
0x69: {  	s30 =	simm.s32 $0x5F5E120;
	v47 =	vmul.u32 $0x2710, v8  }
0x6a: {  	v48 =	vor.u32 s30, v0;
	vm10 =	veq.s32 v7, v8;
	v9 =	vadd.s32 v8, v46  }
0x6b: {  	v7 =	vadd.s32 v7, v47;
	v9 =	vsel vm10, v48, v9  }
0x6c: {  	v7 =	vsel vm10, v48, v7;
	[tilespmem:s13+$0xFFFFFFE0] =	vst v9  }
0x6d: {  	v8 =	vsel vm10, $0x2718, v8;
	[tilespmem:s21+$0xFFFFFFE0] =	vst v7  }
0x6e: {  	[tilespmem:s26+$0xFFFFFFE0] =	vst v8  }
0x6f: {  	v7 =	vld [tilespmem:s28+$0xFFFFFFE0];
	_ =	sdelay $0x4  }
0x70: {  	v7 =	vsub.f32 v7, v5;
	_ =	sdelay $0x1  }
0x71: {  	v7 =	vmul.f32 $1.442695020e+00, v7;
	_ =	sdelay $0x1  }
0x72: {  	(erf) = vpow2.f32 v7;
	_ =	sdelay $0x8  }
0x73: {  	v7 =	vpop (erf)  }
0x74: {  	v7 =	vmul.f32 v7, v6;
	_ =	sdelay $0x1  }
0x75: {  	[tilespmem:s29+$0xFFFFFFE0] =	vst v7  }
0x76: {  	v7 =	vld [tilespmem:s23+$0xFFFFFFF0]  }
0x77: {  	v8 =	vld [tilespmem:s2+$0xFFFFFFF0];
	_ =	sdelay $0x3  }
0x78: {  	v49 =	vmul.u32 $0x2710, v7  }
0x79: {  	s30 =	simm.s32 $0x5F5E130;
	v50 =	vmul.u32 $0x2710, v8  }
0x7a: {  	v51 =	vor.u32 s30, v0;
	vm11 =	veq.s32 v7, v8;
	v9 =	vadd.s32 v8, v49  }
0x7b: {  	v7 =	vadd.s32 v7, v50;
	v9 =	vsel vm11, v51, v9  }
0x7c: {  	v7 =	vsel vm11, v51, v7;
	[tilespmem:s13+$0xFFFFFFF0] =	vst v9  }
0x7d: {  	v8 =	vsel vm11, $0x2718, v8;
	[tilespmem:s21+$0xFFFFFFF0] =	vst v7  }
0x7e: {  	[tilespmem:s26+$0xFFFFFFF0] =	vst v8  }
0x7f: {  	v7 =	vld [tilespmem:s28+$0xFFFFFFF0];
	_ =	sdelay $0x4  }
0x80: {  	v7 =	vsub.f32 v7, v5;
	_ =	sdelay $0x1  }
0x81: {  	v7 =	vmul.f32 $1.442695020e+00, v7;
	_ =	sdelay $0x1  }
0x82: {  	(erf) = vpow2.f32 v7;
	_ =	sdelay $0x8  }
0x83: {  	v7 =	vpop (erf)  }
0x84: {  	v7 =	vmul.f32 v7, v6;
	_ =	sdelay $0x1  }
0x85: {  	[tilespmem:s29+$0xFFFFFFF0] =	vst v7  }
0x86: {  	v7 =	vld [tilespmem:s23+$0x0]  }
0x87: {  	v8 =	vld [tilespmem:s2+$0x0];
	_ =	sdelay $0x3  }
0x88: {  	v52 =	vmul.u32 $0x2710, v7  }
0x89: {  	s30 =	simm.s32 $0x5F5E140;
	v53 =	vmul.u32 $0x2710, v8  }
0x8a: {  	v54 =	vor.u32 s30, v0;
	vm12 =	veq.s32 v7, v8;
	v9 =	vadd.s32 v8, v52  }
0x8b: {  	v7 =	vadd.s32 v7, v53;
	v9 =	vsel vm12, v54, v9  }
0x8c: {  	v7 =	vsel vm12, v54, v7;
	[tilespmem:s13+$0x0] =	vst v9  }
0x8d: {  	v8 =	vsel vm12, $0x2718, v8;
	[tilespmem:s21+$0x0] =	vst v7  }
0x8e: {  	[tilespmem:s26+$0x0] =	vst v8  }
0x8f: {  	v7 =	vld [tilespmem:s28+$0x0];
	_ =	sdelay $0x4  }
0x90: {  	v7 =	vsub.f32 v7, v5;
	_ =	sdelay $0x1  }
0x91: {  	v7 =	vmul.f32 $1.442695020e+00, v7;
	_ =	sdelay $0x1  }
0x92: {  	(erf) = vpow2.f32 v7;
	_ =	sdelay $0x8  }
0x93: {  	v7 =	vpop (erf)  }
0x94: {  	v7 =	vmul.f32 v7, v6;
	_ =	sdelay $0x1  }
0x95: {  	[tilespmem:s29+$0x0] =	vst v7  }
0x96: {  	v7 =	vld [tilespmem:s23+$0x10]  }
0x97: {  	v8 =	vld [tilespmem:s2+$0x10];
	_ =	sdelay $0x3  }
0x98: {  	v55 =	vmul.u32 $0x2710, v7  }
0x99: {  	s30 =	simm.s32 $0x5F5E150;
	v56 =	vmul.u32 $0x2710, v8  }
0x9a: {  	v57 =	vor.u32 s30, v0;
	vm13 =	veq.s32 v7, v8;
	v9 =	vadd.s32 v8, v55  }
0x9b: {  	v7 =	vadd.s32 v7, v56;
	v9 =	vsel vm13, v57, v9  }
0x9c: {  	v7 =	vsel vm13, v57, v7;
	[tilespmem:s13+$0x10] =	vst v9  }
0x9d: {  	v8 =	vsel vm13, $0x2718, v8;
	[tilespmem:s21+$0x10] =	vst v7  }
0x9e: {  	[tilespmem:s26+$0x10] =	vst v8  }
0x9f: {  	v7 =	vld [tilespmem:s28+$0x10];
	_ =	sdelay $0x4  }
0xa0: {  	v7 =	vsub.f32 v7, v5;
	_ =	sdelay $0x1  }
0xa1: {  	v7 =	vmul.f32 $1.442695020e+00, v7;
	_ =	sdelay $0x1  }
0xa2: {  	(erf) = vpow2.f32 v7;
	_ =	sdelay $0x8  }
0xa3: {  	v7 =	vpop (erf)  }
0xa4: {  	v7 =	vmul.f32 v7, v6;
	_ =	sdelay $0x1  }
0xa5: {  	[tilespmem:s29+$0x10] =	vst v7  }
0xa6: {  	v7 =	vld [tilespmem:s23+$0x20]  }
0xa7: {  	v8 =	vld [tilespmem:s2+$0x20];
	_ =	sdelay $0x3  }
0xa8: {  	v58 =	vmul.u32 $0x2710, v7  }
0xa9: {  	s30 =	simm.s32 $0x5F5E160;
	v59 =	vmul.u32 $0x2710, v8  }
0xaa: {  	v60 =	vor.u32 s30, v0;
	vm14 =	veq.s32 v7, v8;
	v9 =	vadd.s32 v8, v58  }
0xab: {  	v7 =	vadd.s32 v7, v59;
	v9 =	vsel vm14, v60, v9  }
0xac: {  	v7 =	vsel vm14, v60, v7;
	[tilespmem:s13+$0x20] =	vst v9  }
0xad: {  	v8 =	vsel vm14, $0x2718, v8;
	[tilespmem:s21+$0x20] =	vst v7  }
0xae: {  	[tilespmem:s26+$0x20] =	vst v8  }
0xaf: {  	v7 =	vld [tilespmem:s28+$0x20];
	_ =	sdelay $0x4  }
0xb0: {  	v7 =	vsub.f32 v7, v5;
	_ =	sdelay $0x1  }
0xb1: {  	v7 =	vmul.f32 $1.442695020e+00, v7;
	_ =	sdelay $0x1  }
0xb2: {  	(erf) = vpow2.f32 v7;
	_ =	sdelay $0x8  }
0xb3: {  	v7 =	vpop (erf)  }
0xb4: {  	v7 =	vmul.f32 v7, v6;
	_ =	sdelay $0x1  }
0xb5: {  	[tilespmem:s29+$0x20] =	vst v7  }
0xb6: {  	v7 =	vld [tilespmem:s23+$0x30]  }
0xb7: {  	v8 =	vld [tilespmem:s2+$0x30];
	_ =	sdelay $0x3  }
0xb8: {  	v61 =	vmul.u32 $0x2710, v7  }
0xb9: {  	s23 =	simm.s32 $0x5F5E170;
	v62 =	vmul.u32 $0x2710, v8  }
0xba: {  	v63 =	vor.u32 s23, v0;
	vm15 =	veq.s32 v7, v8;
	v9 =	vadd.s32 v8, v61  }
0xbb: {  	v7 =	vadd.s32 v7, v62;
	v9 =	vsel vm15, v63, v9  }
0xbc: {  	v7 =	vsel vm15, v63, v7;
	[tilespmem:s13+$0x30] =	vst v9  }
0xbd: {  	v8 =	vsel vm15, $0x2718, v8;
	[tilespmem:s21+$0x30] =	vst v7  }
0xbe: {  	[tilespmem:s26+$0x30] =	vst v8  }
0xbf: {  	v7 =	vld [tilespmem:s28+$0x30];
	_ =	sdelay $0x4  }
0xc0: {  	v7 =	vsub.f32 v7, v5;
	_ =	sdelay $0x1  }
0xc1: {  	v7 =	vmul.f32 $1.442695020e+00, v7;
	_ =	sdelay $0x1  }
0xc2: {  	(erf) = vpow2.f32 v7;
	_ =	sdelay $0x8  }
0xc3: {  	v7 =	vpop (erf)  }
0xc4: {  	s31 =	simm.s32 $0xC0;
	s0 =	simm.s32 $0x50C0;
	v7 =	vmul.f32 v7, v6  }
0xc5: {  	s30 =	simm.s32 $0x5F5E180;
	s2 =	simm.s32 $0x3CC0;
	s13 =	simm.s32 $0x14C0  }
.LBB2_2:
0xc6: {  	[tilespmem:s29+$0x30] =	vst v7;
	s29 =	sadd.s32 $0x80, s29;
	s28 =	sadd.s32 $0x80, s28;
	s26 =	sadd.s32 $0x80, s26  }
0xc7: {  	p1 =	sne.s32 s30, $0x5F5F480;
	s21 =	smov.u32 s30;
	s30 =	sadd.s32 $0x80, s30;
	v7 =	vld [tilespmem:s31+$0xFFFFFFC0]  }
0xc8: {  	v8 =	vld [tilespmem:s13+$0xFFFFFFC0];
	_ =	sdelay $0x3  }
0xc9: {  	v9 =	vmul.u32 $0x2710, v7  }
0xca: {  	v10 =	vmul.u32 $0x2710, v8  }
0xcb: {  	v11 =	vor.u32 s21, v0;
	vm0 =	veq.s32 v7, v8;
	v9 =	vadd.s32 v8, v9  }
0xcc: {  	v8 =	vsel vm0, $0x2718, v8;
	v9 =	vsel vm0, v11, v9;
	v7 =	vadd.s32 v7, v10  }
0xcd: {  	[tilespmem:s2+$0xFFFFFFC0] =	vst v9;
	v7 =	vsel vm0, v11, v7  }
0xce: {  	[tilespmem:s0+$0xFFFFFFC0] =	vst v7  }
0xcf: {  	[tilespmem:s26+$0xFFFFFFC0] =	vst v8  }
0xd0: {  	v7 =	vld [tilespmem:s28+$0xFFFFFFC0];
	_ =	sdelay $0x4  }
0xd1: {  	v7 =	vsub.f32 v7, v5;
	_ =	sdelay $0x1  }
0xd2: {  	v7 =	vmul.f32 $1.442695020e+00, v7;
	_ =	sdelay $0x1  }
0xd3: {  	(erf) = vpow2.f32 v7;
	_ =	sdelay $0x8  }
0xd4: {  	v7 =	vpop (erf)  }
0xd5: {  	v7 =	vmul.f32 v7, v6;
	_ =	sdelay $0x1  }
0xd6: {  	[tilespmem:s29+$0xFFFFFFC0] =	vst v7  }
0xd7: {  	v7 =	vld [tilespmem:s31+$0xFFFFFFD0]  }
0xd8: {  	v8 =	vld [tilespmem:s13+$0xFFFFFFD0];
	_ =	sdelay $0x3  }
0xd9: {  	v9 =	vmul.u32 $0x2710, v7  }
0xda: {  	s23 =	sadd.s32 $0x10, s21;
	v10 =	vmul.u32 $0x2710, v8  }
0xdb: {  	v11 =	vor.u32 s23, v0;
	vm0 =	veq.s32 v7, v8;
	v9 =	vadd.s32 v8, v9  }
0xdc: {  	v8 =	vsel vm0, $0x2718, v8;
	v9 =	vsel vm0, v11, v9;
	v7 =	vadd.s32 v7, v10  }
0xdd: {  	[tilespmem:s2+$0xFFFFFFD0] =	vst v9;
	v7 =	vsel vm0, v11, v7  }
0xde: {  	[tilespmem:s0+$0xFFFFFFD0] =	vst v7  }
0xdf: {  	[tilespmem:s26+$0xFFFFFFD0] =	vst v8  }
0xe0: {  	v7 =	vld [tilespmem:s28+$0xFFFFFFD0];
	_ =	sdelay $0x4  }
0xe1: {  	v7 =	vsub.f32 v7, v5;
	_ =	sdelay $0x1  }
0xe2: {  	v7 =	vmul.f32 $1.442695020e+00, v7;
	_ =	sdelay $0x1  }
0xe3: {  	(erf) = vpow2.f32 v7;
	_ =	sdelay $0x8  }
0xe4: {  	v7 =	vpop (erf)  }
0xe5: {  	v7 =	vmul.f32 v7, v6;
	_ =	sdelay $0x1  }
0xe6: {  	[tilespmem:s29+$0xFFFFFFD0] =	vst v7  }
0xe7: {  	v7 =	vld [tilespmem:s31+$0xFFFFFFE0]  }
0xe8: {  	v8 =	vld [tilespmem:s13+$0xFFFFFFE0];
	_ =	sdelay $0x3  }
0xe9: {  	v9 =	vmul.u32 $0x2710, v7  }
0xea: {  	s23 =	sadd.s32 $0x20, s21;
	v10 =	vmul.u32 $0x2710, v8  }
0xeb: {  	v11 =	vor.u32 s23, v0;
	vm0 =	veq.s32 v7, v8;
	v9 =	vadd.s32 v8, v9  }
0xec: {  	v8 =	vsel vm0, $0x2718, v8;
	v9 =	vsel vm0, v11, v9;
	v7 =	vadd.s32 v7, v10  }
0xed: {  	[tilespmem:s2+$0xFFFFFFE0] =	vst v9;
	v7 =	vsel vm0, v11, v7  }
0xee: {  	[tilespmem:s0+$0xFFFFFFE0] =	vst v7  }
0xef: {  	[tilespmem:s26+$0xFFFFFFE0] =	vst v8  }
0xf0: {  	v7 =	vld [tilespmem:s28+$0xFFFFFFE0];
	_ =	sdelay $0x4  }
0xf1: {  	v7 =	vsub.f32 v7, v5;
	_ =	sdelay $0x1  }
0xf2: {  	v7 =	vmul.f32 $1.442695020e+00, v7;
	_ =	sdelay $0x1  }
0xf3: {  	(erf) = vpow2.f32 v7;
	_ =	sdelay $0x8  }
0xf4: {  	v7 =	vpop (erf)  }
0xf5: {  	v7 =	vmul.f32 v7, v6;
	_ =	sdelay $0x1  }
0xf6: {  	[tilespmem:s29+$0xFFFFFFE0] =	vst v7  }
0xf7: {  	v7 =	vld [tilespmem:s31+$0xFFFFFFF0]  }
0xf8: {  	v8 =	vld [tilespmem:s13+$0xFFFFFFF0];
	_ =	sdelay $0x3  }
0xf9: {  	v9 =	vmul.u32 $0x2710, v7  }
0xfa: {  	s23 =	sadd.s32 $0x30, s21;
	v10 =	vmul.u32 $0x2710, v8  }
0xfb: {  	v11 =	vor.u32 s23, v0;
	vm0 =	veq.s32 v7, v8;
	v9 =	vadd.s32 v8, v9  }
0xfc: {  	v8 =	vsel vm0, $0x2718, v8;
	v9 =	vsel vm0, v11, v9;
	v7 =	vadd.s32 v7, v10  }
0xfd: {  	[tilespmem:s2+$0xFFFFFFF0] =	vst v9;
	v7 =	vsel vm0, v11, v7  }
0xfe: {  	[tilespmem:s0+$0xFFFFFFF0] =	vst v7  }
0xff: {  	[tilespmem:s26+$0xFFFFFFF0] =	vst v8  }
0x100: {  	v7 =	vld [tilespmem:s28+$0xFFFFFFF0];
	_ =	sdelay $0x4  }
0x101: {  	v7 =	vsub.f32 v7, v5;
	_ =	sdelay $0x1  }
0x102: {  	v7 =	vmul.f32 $1.442695020e+00, v7;
	_ =	sdelay $0x1  }
0x103: {  	(erf) = vpow2.f32 v7;
	_ =	sdelay $0x8  }
0x104: {  	v7 =	vpop (erf)  }
0x105: {  	v7 =	vmul.f32 v7, v6;
	_ =	sdelay $0x1  }
0x106: {  	[tilespmem:s29+$0xFFFFFFF0] =	vst v7  }
0x107: {  	v7 =	vld [tilespmem:s31+$0x0]  }
0x108: {  	v8 =	vld [tilespmem:s13+$0x0];
	_ =	sdelay $0x3  }
0x109: {  	v9 =	vmul.u32 $0x2710, v7  }
0x10a: {  	s23 =	sadd.s32 $0x40, s21;
	v10 =	vmul.u32 $0x2710, v8  }
0x10b: {  	v11 =	vor.u32 s23, v0;
	vm0 =	veq.s32 v7, v8;
	v9 =	vadd.s32 v8, v9  }
0x10c: {  	v8 =	vsel vm0, $0x2718, v8;
	v9 =	vsel vm0, v11, v9;
	v7 =	vadd.s32 v7, v10  }
0x10d: {  	[tilespmem:s2+$0x0] =	vst v9;
	v7 =	vsel vm0, v11, v7  }
0x10e: {  	[tilespmem:s0+$0x0] =	vst v7  }
0x10f: {  	[tilespmem:s26+$0x0] =	vst v8  }
0x110: {  	v7 =	vld [tilespmem:s28+$0x0];
	_ =	sdelay $0x4  }
0x111: {  	v7 =	vsub.f32 v7, v5;
	_ =	sdelay $0x1  }
0x112: {  	v7 =	vmul.f32 $1.442695020e+00, v7;
	_ =	sdelay $0x1  }
0x113: {  	(erf) = vpow2.f32 v7;
	_ =	sdelay $0x8  }
0x114: {  	v7 =	vpop (erf)  }
0x115: {  	v7 =	vmul.f32 v7, v6;
	_ =	sdelay $0x1  }
0x116: {  	[tilespmem:s29+$0x0] =	vst v7  }
0x117: {  	v7 =	vld [tilespmem:s31+$0x10]  }
0x118: {  	v8 =	vld [tilespmem:s13+$0x10];
	_ =	sdelay $0x3  }
0x119: {  	v9 =	vmul.u32 $0x2710, v7  }
0x11a: {  	s23 =	sadd.s32 $0x50, s21;
	v10 =	vmul.u32 $0x2710, v8  }
0x11b: {  	v11 =	vor.u32 s23, v0;
	vm0 =	veq.s32 v7, v8;
	v9 =	vadd.s32 v8, v9  }
0x11c: {  	v8 =	vsel vm0, $0x2718, v8;
	v9 =	vsel vm0, v11, v9;
	v7 =	vadd.s32 v7, v10  }
0x11d: {  	[tilespmem:s2+$0x10] =	vst v9;
	v7 =	vsel vm0, v11, v7  }
0x11e: {  	[tilespmem:s0+$0x10] =	vst v7  }
0x11f: {  	[tilespmem:s26+$0x10] =	vst v8  }
0x120: {  	v7 =	vld [tilespmem:s28+$0x10];
	_ =	sdelay $0x4  }
0x121: {  	v7 =	vsub.f32 v7, v5;
	_ =	sdelay $0x1  }
0x122: {  	v7 =	vmul.f32 $1.442695020e+00, v7;
	_ =	sdelay $0x1  }
0x123: {  	(erf) = vpow2.f32 v7;
	_ =	sdelay $0x8  }
0x124: {  	v7 =	vpop (erf)  }
0x125: {  	v7 =	vmul.f32 v7, v6;
	_ =	sdelay $0x1  }
0x126: {  	[tilespmem:s29+$0x10] =	vst v7  }
0x127: {  	v7 =	vld [tilespmem:s31+$0x20]  }
0x128: {  	v8 =	vld [tilespmem:s13+$0x20];
	_ =	sdelay $0x3  }
0x129: {  	v9 =	vmul.u32 $0x2710, v7  }
0x12a: {  	s23 =	sadd.s32 $0x60, s21;
	v10 =	vmul.u32 $0x2710, v8  }
0x12b: {  	v11 =	vor.u32 s23, v0;
	vm0 =	veq.s32 v7, v8;
	v9 =	vadd.s32 v8, v9  }
0x12c: {  	v8 =	vsel vm0, $0x2718, v8;
	v9 =	vsel vm0, v11, v9;
	v7 =	vadd.s32 v7, v10  }
0x12d: {  	[tilespmem:s2+$0x20] =	vst v9;
	v7 =	vsel vm0, v11, v7  }
0x12e: {  	[tilespmem:s0+$0x20] =	vst v7  }
0x12f: {  	[tilespmem:s26+$0x20] =	vst v8  }
0x130: {  	v7 =	vld [tilespmem:s28+$0x20];
	_ =	sdelay $0x4  }
0x131: {  	v7 =	vsub.f32 v7, v5;
	_ =	sdelay $0x1  }
0x132: {  	v7 =	vmul.f32 $1.442695020e+00, v7;
	_ =	sdelay $0x1  }
0x133: {  	(erf) = vpow2.f32 v7;
	_ =	sdelay $0x8  }
0x134: {  	v7 =	vpop (erf)  }
0x135: {  	v7 =	vmul.f32 v7, v6;
	_ =	sdelay $0x1  }
0x136: {  	[tilespmem:s29+$0x20] =	vst v7  }
0x137: {  	v7 =	vld [tilespmem:s31+$0x30]  }
0x138: {  	v8 =	vld [tilespmem:s13+$0x30];
	_ =	sdelay $0x3  }
0x139: {  	v9 =	vmul.u32 $0x2710, v7  }
0x13a: {  	s21 =	sadd.s32 $0x70, s21;
	v10 =	vmul.u32 $0x2710, v8  }
0x13b: {  	v11 =	vor.u32 s21, v0;
	vm0 =	veq.s32 v7, v8;
	v9 =	vadd.s32 v8, v9  }
0x13c: {  	v8 =	vsel vm0, $0x2718, v8;
	v9 =	vsel vm0, v11, v9;
	v7 =	vadd.s32 v7, v10  }
0x13d: {  	[tilespmem:s2+$0x30] =	vst v9;
	v7 =	vsel vm0, v11, v7  }
0x13e: {  	[tilespmem:s0+$0x30] =	vst v7  }
0x13f: {  	[tilespmem:s26+$0x30] =	vst v8  }
0x140: {  	v7 =	vld [tilespmem:s28+$0x30];
	_ =	sdelay $0x4  }
0x141: {  	v7 =	vsub.f32 v7, v5;
	_ =	sdelay $0x1  }
0x142: {  	v7 =	vmul.f32 $1.442695020e+00, v7;
	_ =	sdelay $0x1  }
0x143: {  	(erf) = vpow2.f32 v7;
	_ =	sdelay $0x6  }
.Ltmp0:
0x144: {  	(pc) =	sbr.rel @p1 .LBB2_2-.Ltmp0, $4  }
0x145: {  	_ = 	snop  }
0x146: {  	v7 =	vpop (erf)  }
0x147: {  	s31 =	sadd.s32 $0x80, s31;
	v7 =	vmul.f32 v7, v6  }
0x148: {  	s13 =	sadd.s32 $0x80, s13;
	s2 =	sadd.s32 $0x80, s2;
	s0 =	sadd.s32 $0x80, s0  }
0x149: {  	[tilespmem:s29+$0x30] =	vst v7;
	s0 =	simm.s32 $0x3C00  }
0x14a: {  	[hbm4b:s1+s14] =	stream.indirect.scatter [tilespmem:s22], [sflag:$0x1], $0x1, s0, s14, $0xb8;
	[tilespmem:$0xB278] =	vst v63  }
0x14b: {  	s30 =	simm.s32 $0x5000  }
0x14c: {  	[hbm4b:s1+s14] =	stream.indirect.scatter [tilespmem:s22], [sflag:$0x2], $0x1, s30, s14, $0xb8;
	[tilespmem:$0xB278] =	vst v63  }
0x14d: {  	[bflag:$0x0] =	sbarrier.arrive $0xFFFF  }
0x14e: {  	s31 =	rddreg [dreg:$0x3]  }
0x14f: {  	[spmem:s31] =	stream.indirect.scatter.add.f32 [tilespmem:s17], [sflag:$0x4], $0x1, s24, s14, $0xb8;
	[tilespmem:$0xB278] =	vst v63  }
0x150: {  	_ =	swait.ge [sflag:s16], $0x1400  }
0x151: {  	[sflag:s16] =	ssyncset.done $0x0  }
0x152: {  	[sflag:s16] =	ssyncadd.s32 $0xFFFFEC00  }
0x153: {  	s0 =	simm.s32 @!p0 $0x1C04;
	[bflag:$0x0] =	sbarrier.arrive $0xFFFF  }
0x154: {  	[hbm:s10], [sflag:s0] =	dma.local @!p0 [spmem:s12], $0x4E4  }
0x155: {  	s0 =	simm.s32 @!p0 $0x4  }
0x156: {  	_ =	swait.ge @!p0 [sflag:s0], $0x4E4  }
0x157: {  	[sflag:s0] =	ssyncset.done @!p0 $0x0  }
0x158: {  	s25 =	sadd.s32 $0x1, s25;
	[sflag:s0] =	ssyncadd.s32 @!p0 $0xFFFFFB1C  }
0x159: {  	p1 =	sne.s32 s25, s11;
	_ =	swait.ge [sflag:s18], $0x1400  }
.Ltmp1:
0x15a: {  	[sflag:s18] =	ssyncset.done $0x0;
	(pc) =	sbr.rel @p1 .LBB2_1-.Ltmp1, $4  }
0x15b: {  	[sflag:s18] =	ssyncadd.s32 $0xFFFFEC00  }
0x15c: {  	_ =	swait.ge [sflag:s19], $0x1400  }
0x15d: {  	[sflag:s19] =	ssyncset.done $0x0  }
0x15e: {  	[sflag:s19] =	ssyncadd.s32 $0xFFFFEC00  }
0x15f: {  	_ =	sfence.sel $0x180000  }
0x160: {  	[bflag:$0x0] =	sbarrier.arrive $0xFFFF  }
0x161: {  	_ =	strace $0x9000004A  }
0x162: {  	[bflag:$0x2] =	sbarrier.arrive $0xFFFF  }
0x163: {  	s0 =	rddreg [dreg:$0x4]  }
0x164: {  	s0 =	sadd.s32 @!p0 $0x100000, s0  }
0x165: {  	[sflag:s0] =	ssyncadd.tile.s32 @!p0 $0x1;
	_ =	shalt  }
.Lfunc_end2:
_tile_overlayer_lowered:
.L_overlay_start_2:
0x166: {  	(tag) =	ssettag $0x2  }
0x167: {  	s0 =	rddreg [dreg:$0x0];
	s2 =	stileid.u32  }
0x168: {  	s1 =	rddreg [dreg:$0x1];
	p0 =	sne.s32 s2, $0x0  }
0x169: {  	s3 =	rddreg [dreg:$0x2];
	[bflag:$0x3] =	sbarrier.arrive $0xFFFF;
	s2 =	simm.s32 @!p0 $0x1C04  }
0x16a: {  	[timem:s3], [sflag:s2] =	dma.local @!p0 [hbm:s0], s1  }
0x16b: {  	s0 =	simm.s32 @!p0 $0x4  }
0x16c: {  	_ =	swait.ge @!p0 [sflag:s0], s1  }
0x16d: {  	s1 =	ssub.s32 @!p0 $0x0, s1;
	[sflag:s0] =	ssyncset.done @!p0 $0x0  }
0x16e: {  	[sflag:s0] =	ssyncadd.s32 @!p0 s1  }
0x16f: {  	[bflag:$0x3] =	sbarrier.arrive $0xFFFF  }
0x170: {  	_ =	shalt  }

// kernel: kernel.7.cloned.1.call-start
scs
__scs_entry_jumppad:
0x0: {  	(pc) =	sbr.rel $0x88, $3  }
0x1: {  	(tag) =	ssettag $0x0;
	lr =	simm.s32 $0x1  }
0x2: {  	[smem:$0x3F9B] =	sst lr;
	_ =	strace $0xD0000000  }
0x3: {  	_ = 	snop  }
0x4: {  	_ = 	snop  }
0x5: {  	_ = 	snop  }
0x6: {  	_ = 	snop  }
0x7: {  	_ = 	snop  }
__scs_overlays_trampoline_lowered:
0x8: {  	[smem:$0x3FAA] =	sst s0  }
0x9: {  	[smem:$0x3FAB] =	sst s1  }
0xa: {  	[smem:$0x3FAC] =	sst s2  }
0xb: {  	[smem:$0x3FAD] =	sst s3  }
0xc: {  	[smem:$0x3FAE] =	sst s4  }
0xd: {  	[smem:$0x3FAF] =	sst s5  }
0xe: {  	[smem:$0x3FB0] =	sst s6  }
0xf: {  	[smem:$0x3FB1] =	sst s7  }
0x10: {  	[smem:$0x3FB2] =	sst s8  }
0x11: {  	[smem:$0x3FB3] =	sst s9;
	s0 =	simm.s32 @!p0 $0x0  }
0x12: {  	s1 =	sld [smem:$0x3F99];
	s0 =	simm.s32 @p0 $0x1  }
0x13: {  	[smem:$0x3FB4] =	sst s0;
	s0 =	simm.s32 @!p1 $0x0  }
0x14: {  	s2 =	sld [smem:$0x3F98];
	s0 =	simm.s32 @p1 $0x1  }
0x15: {  	[smem:$0x3FB5] =	sst s0;
	s0 =	simm.s32 @!p2 $0x0  }
0x16: {  	s3 =	sld [smem:$0x3FDB];
	s0 =	simm.s32 @p2 $0x1  }
0x17: {  	s4 =	simm.s32 $0x1BF5;
	[smem:$0x3FB7] =	sst s0  }
0x18: {  	s0 =	sld [smem:$0x3F9A];
	_ =	swait.ge [sflag:s4], $0x0  }
0x19: {  	s7 =	sld [smem:$0x3F9B]  }
0x1a: {  	s8 =	sadd.s32 $0xFFFFE003, lr  }
0x1b: {  	s9 =	sadd.s32 $0xFFFFFEF7, lr;
	s5 =	simm.s32 $0xFFFFFFFF;
	p2 =	slt.u32 s8, $0xFFFFF086  }
0x1c: {  	p1 =	slt.u32 s9, $0xF7A;
	s5 =	simm.s32 @!p2 $0x0  }
0x1d: {  	s5 =	simm.s32 @p1 $0x1;
	p0 =	seq.s32 s7, s2  }
0x1e: {  	s7 =	smul.u32 @!p0 $0xF7A, s2;
	p2 =	seq.s32 @!p0 s5, $0x0  }
0x1f: {  	s9 =	smul.u32 $0xF7A, s1;
	s8 =	simm.s32 @!p0 $0x1BF5;
	p2 =	por !p2, p0  }
0x20: {  	[sflag:s8] =	ssyncset.s32 @!p0 $0xFFFFF086;
	s6 =	sadd.s32 @!p0 s3, s7;
	s7 =	simm.s32 @!p0 $0x108  }
0x21: {  	s3 =	sadd.s32 s3, s9;
	s6 =	sadd.s32 @!p0 $0x88, s6;
	s7 =	simm.s32 @p2 $0x1082  }
0x22: {  	[simem:s7], [sflag:s8] =	dma.local @!p0 [hbm:s6], $0xF7A  }
0x23: {  	s9 =	sor.u32 $0xD0000000, s2;
	s6 =	simm.s32 $0x108;
	_ =	swait.ge @!p0 [sflag:s8], $0x0  }
0x24: {  	s3 =	sadd.s32 $0x88, s3;
	s6 =	simm.s32 @!p1 $0x1082;
	[sflag:s4] =	ssyncset.s32 $0xFFFFF086  }
0x25: {  	[simem:s6], [sflag:s4] =	dma.local [hbm:s3], $0xF7A  }
0x26: {  	[smem:$0x3F9B] =	sst s1;
	(tag) =	ssettag s2;
	_ =	strace s9  }
0x27: {  	s1 =	sld [smem:$0x3FAB]  }
0x28: {  	s2 =	sld [smem:$0x3FAC]  }
0x29: {  	s4 =	sld [smem:$0x3FAE]  }
0x2a: {  	p0 =	seq.s32 s5, $0x0;
	s5 =	sld [smem:$0x3FAF]  }
0x2b: {  	s6 =	sld [smem:$0x3FB0]  }
0x2c: {  	s7 =	sld [smem:$0x3FB1]  }
0x2d: {  	s3 =	simm.s32 $0x108;
	s8 =	sld [smem:$0x3FB2]  }
0x2e: {  	s3 =	simm.s32 @!p0 $0x1082;
	s9 =	sld [smem:$0x3FB3]  }
0x2f: {  	lr =	sadd.s32 s0, s3;
	s0 =	sld [smem:$0x3FAA]  }
0x30: {  	s3 =	sld [smem:$0x3FAD]  }
0x31: {  	[smem:$0x3FB6] =	sst s10  }
0x32: {  	s10 =	sld [smem:$0x3FB4];
	_ =	sdelay $0x3  }
0x33: {  	p0 =	seq.s32 s10, $0x1;
	s10 =	sld [smem:$0x3FB6];
	_ =	sdelay $0x3  }
0x34: {  	[smem:$0x3FB6] =	sst s10  }
0x35: {  	s10 =	sld [smem:$0x3FB5];
	_ =	sdelay $0x3  }
0x36: {  	p1 =	seq.s32 s10, $0x1;
	s10 =	sld [smem:$0x3FB6];
	_ =	sdelay $0x3  }
0x37: {  	[smem:$0x3FB6] =	sst s10  }
0x38: {  	s10 =	sld [smem:$0x3FB7]  }
0x39: {  	_ = 	snop;
	(pc) =	sbr.ind lr, $3  }
0x3a: {  	_ = 	snop  }
0x3b: {  	_ = 	snop  }
0x3c: {  	p2 =	seq.s32 s10, $0x1;
	s10 =	sld [smem:$0x3FB6]  }
0x3d: {  	_ =	shalt  }
0x3e: {  	_ =	shalt  }
0x3f: {  	_ =	shalt  }
0x40: {  	_ =	shalt  }
0x41: {  	_ =	shalt  }
0x42: {  	_ =	shalt  }
0x43: {  	_ =	shalt  }
0x44: {  	_ =	shalt  }
0x45: {  	_ =	shalt  }
0x46: {  	_ =	shalt  }
0x47: {  	_ =	shalt  }
0x48: {  	_ =	shalt  }
0x49: {  	_ =	shalt  }
0x4a: {  	_ =	shalt  }
0x4b: {  	_ =	shalt  }
0x4c: {  	_ =	shalt  }
0x4d: {  	_ =	shalt  }
0x4e: {  	_ =	shalt  }
0x4f: {  	_ =	shalt  }
0x50: {  	_ =	shalt  }
0x51: {  	_ =	shalt  }
0x52: {  	_ =	shalt  }
0x53: {  	_ =	shalt  }
0x54: {  	_ =	shalt  }
0x55: {  	_ =	shalt  }
0x56: {  	_ =	shalt  }
0x57: {  	_ =	shalt  }
0x58: {  	_ =	shalt  }
0x59: {  	_ =	shalt  }
0x5a: {  	_ =	shalt  }
0x5b: {  	_ =	shalt  }
0x5c: {  	_ =	shalt  }
0x5d: {  	_ =	shalt  }
0x5e: {  	_ =	shalt  }
0x5f: {  	_ =	shalt  }
0x60: {  	_ =	shalt  }
0x61: {  	_ =	shalt  }
0x62: {  	_ =	shalt  }
0x63: {  	_ =	shalt  }
0x64: {  	_ =	shalt  }
0x65: {  	_ =	shalt  }
0x66: {  	_ =	shalt  }
0x67: {  	_ =	shalt  }
0x68: {  	_ =	shalt  }
0x69: {  	_ =	shalt  }
0x6a: {  	_ =	shalt  }
0x6b: {  	_ =	shalt  }
0x6c: {  	_ =	shalt  }
0x6d: {  	_ =	shalt  }
0x6e: {  	_ =	shalt  }
0x6f: {  	_ =	shalt  }
0x70: {  	_ =	shalt  }
0x71: {  	_ =	shalt  }
0x72: {  	_ =	shalt  }
0x73: {  	_ =	shalt  }
0x74: {  	_ =	shalt  }
0x75: {  	_ =	shalt  }
0x76: {  	_ =	shalt  }
0x77: {  	_ =	shalt  }
0x78: {  	_ =	shalt  }
0x79: {  	_ =	shalt  }
0x7a: {  	_ =	shalt  }
0x7b: {  	_ =	shalt  }
0x7c: {  	_ =	shalt  }
0x7d: {  	_ =	shalt  }
0x7e: {  	_ =	shalt  }
0x7f: {  	_ =	shalt  }
0x80: {  	_ =	shalt  }
0x81: {  	_ =	shalt  }
0x82: {  	_ =	shalt  }
0x83: {  	_ =	shalt  }
0x84: {  	_ =	shalt  }
0x85: {  	_ =	shalt  }
0x86: {  	_ =	shalt  }
0x87: {  	_ =	shalt  }
.Lfunc_end0:
.L_simem_size_0:
called_computation_lowered:
.L_overlay_start_0:
0x88: {  	s2 =	sld [smem:$0x3FD9]  }
0x89: {  	s3 =	sld [smem:$0x3FFE];
	_ =	sdelay $0x1  }
0x8a: {  	s1 =	srdreg.scid  }
0x8b: {  	s0 =	sand.u32 $0x1, s1  }
0x8c: {  	s14 =	sshll.u32 s0, $0xA;
	s2 =	sadd.s32 s3, s2  }
0x8d: {  	s2 =	sadd.s32 s2, s14  }
0x8e: {  	[smem:$0x3FC2] =	sst s2  }
0x8f: {  	_ = 	snop  }
0x90: {  	s2 =	sld [smem:$0x3FD0];
	_ =	sdelay $0x2  }
0x91: {  	s15 =	simm.s32 $0xA;
	s4 =	simm.s32 $0x10  }
0x92: {  	[smem:s4], [sflag:s15] =	dma.local [hbm:s2], $0x1  }
0x93: {  	_ =	swait.eq [sflag:s15], $0x1  }
0x94: {  	[sflag:s15] =	ssyncset.done $0x0  }
0x95: {  	[sflag:s15] =	ssyncadd.s32 $0xFFFFFFFF  }
0x96: {  	s16 =	sld [smem:$0x10];
	(tm) =	ssettm $0x1  }
0x97: {  	s17 =	sld [smem:$0x3FFB];
	_ =	sdelay $0x3  }
0x98: {  	_ =	strace s17  }
0x99: {  	s3 =	sld [smem:$0x3FFC];
	_ =	sdelay $0x3  }
0x9a: {  	_ =	strace s3  }
0x9b: {  	s3 =	sld [smem:$0x3FFD];
	_ =	sdelay $0x3  }
0x9c: {  	_ =	strace s3  }
0x9d: {  	_ =	strace $0x8FFFFFFF  }
0x9e: {  	s18 =	sld [smem:$0x3FDB];
	_ =	sdelay $0x1  }
0x9f: {  	s19 =	simm.s32 $_scs_section_size  }
0xa0: {  	s5 =	simm.s32 $_size__tile_overlayer_lowered;
	s6 =	simm.s32 $_tile_overlayer_lowered  }
0xa1: {  	s22 =	simm.s32 $0x1BFF;
	s21 =	sshll.u32 s6, $0x1;
	s3 =	sadd.s32 s19, s18  }
0xa2: {  	s7 =	simm.s32 $0x0;
	s20 =	sshll.u32 s5, $0x1;
	s5 =	sadd.s32 s21, s3  }
0xa3: {  	[timem:s7], [sflag:s22] =	dma.local [hbm:s5], s20  }
0xa4: {  	_ =	swait.ge [sflag:s22], s20  }
0xa5: {  	s4 =	ssub.s32 $0x0, s20;
	[sflag:s22] =	ssyncset.done $0x0  }
0xa6: {  	[sflag:s22] =	ssyncadd.s32 s4;
	_ =	sdelay $0x1  }
0xa7: {  	s23 =	simm.s32 $0x1B8B  }
0xa8: {  	_ =	swait.ge [sflag:s23], $0x1  }
0xa9: {  	[sflag:s23] =	ssyncset.done $0x0  }
0xaa: {  	s25 =	simm.s32 $0x1B8E;
	s24 =	sld [smem:$0x3FFE];
	[sflag:s23] =	ssyncadd.s32 $0xFFFFFFFF  }
0xab: {  	s26 =	simm.s32 $execute0_lowered;
	[smem:$0x3FD2] =	sst s25  }
0xac: {  	s5 =	sshll.u32 s26, $0x1;
	_ =	strace $0x80000046;
	[dreg:$0x1] =	wrdreg $0xFFFFFFFF  }
0xad: {  	s28 =	simm.s32 $_size_execute0_lowered;
	s3 =	sadd.s32 s3, s5;
	[dreg:$0x0] =	wrdreg $0x0  }
0xae: {  	s5 =	sshll.u32 s28, $0x1;
	[dreg:$0x2] =	wrdreg s3  }
0xaf: {  	[dreg:$0x3] =	wrdreg s5  }
0xb0: {  	[dreg:$0x4] =	wrdreg $0xC0  }
0xb1: {  	_ =	task [dreg:s7], $0x5FFFF  }
0xb2: {  	[dreg:$0x1] =	wrdreg $0xFFFFFFFF  }
0xb3: {  	[dreg:$0x0] =	wrdreg $0x60  }
0xb4: {  	[dreg:$0x2] =	wrdreg s16  }
0xb5: {  	[dreg:$0x3] =	wrdreg s24  }
0xb6: {  	[dreg:$0x4] =	wrdreg $0x9  }
0xb7: {  	_ =	task.clear_ibuf [dreg:s7], $0x5FFFF;
	_ =	strace $0x90000046  }
0xb8: {  	s29 =	simm.s32 $0x9;
	_ =	strace $0x80000048  }
0xb9: {  	_ =	swait.ge [sflag:s29], $0x1  }
0xba: {  	[sflag:s29] =	ssyncadd.s32 $0xFFFFFFFF  }
0xbb: {  	_ =	strace $0x90000048  }
0xbc: {  	_ =	sfence  }
0xbd: {  	s30 =	sld [smem:$0x0];
	_ =	sdelay $0x2  }
0xbe: {  	s31 =	sshll.u32 s1, $0xD;
	s1 =	sshrl.u32 s1, $0x2  }
0xbf: {  	s3 =	sand.u32 $0x4000, s31;
	s1 =	sadd.s32 s1, s30  }
0xc0: {  	s0 =	sor.u32 s3, s0;
	s1 =	sshll.u32 s1, $0x11  }
0xc1: {  	s0 =	sor.u32 s1, s0  }
0xc2: {  	s0 =	sadd.s32 $0x8F2B, s0  }
0xc3: {  	[sflag:s0] =	ssyncadd.remote.s32 $0x1  }
0xc4: {  	_ =	sfence.sel $0xFFFF  }
0xc5: {  	[dreg:$0x0] =	wrdreg $0xFFFFFFFF;
	(pc) =	sbr.abs _section_cstart, $3  }
0xc6: {  	[dreg:$0x1] =	wrdreg $0xFFFFFFFF  }
0xc7: {  	_ =	task.clear_ibuf [dreg:s7], $0x2FFFF;
	_ =	strace $0x9FFFFFFF  }
0xc8: {  	(tm) =	ssettm $0x7FFFFFFF  }
0xc9: {  	_ =	shalt  }
tec
execute0_lowered:
.L_overlay_start_1:
0x0: {  	(tag) =	ssettag $0x1  }
0x1: {  	s0 =	srdreg.scid;
	s1 =	rddreg [dreg:$0x0]  }
0x2: {  	s2 =	rddreg [dreg:$0x1];
	s7 =	stileid.u32;
	s8 =	simm.s32 $0x0  }
0x3: {  	s16 =	simm.s32 $0x3000;
	s17 =	simm.s32 $0x3800;
	s18 =	simm.s32 $0x4000  }
0x4: {  	s19 =	simm.s32 $0x4800;
	s20 =	simm.s32 $0x5000;
	s28 =	simm.s32 $0x8800  }
0x5: {  	s29 =	simm.s32 $0x9000;
	s30 =	simm.s32 $0x9800;
	s31 =	simm.s32 $0xA000  }
0x6: {  	s11 =	simm.s32 $0x10800;
	s12 =	simm.s32 $0x1;
	s13 =	simm.s32 $0x2  }
0x7: {  	s14 =	simm.s32 $0x12800;
	s9 =	simm.s32 $0x0;
	s0 =	sand.u32 $0x1, s0  }
0x8: {  	[smem:$0x7FF] =	sst s8;
	s6 =	sadd.s32 $0x6000, s2;
	s21 =	sadd.s32 $0x6200, s2  }
0x9: {  	s3 =	sshll.u32 s0, $0x4;
	_ =	strace $0x80000047;
	[dreg:$0x3] =	wrdreg s6  }
0xa: {  	[dreg:$0x4] =	wrdreg s21;
	s0 =	ssub.s32 $0x2, s0;
	s21 =	simm.s32 $0x5800  }
0xb: {  	s4 =	sor.u32 s7, s3;
	s3 =	sadd.s32 $0x6400, s2;
	s7 =	sshll.u32 s7, $0x4  }
0xc: {  	s23 =	sshrl.u32 s0, $0x1;
	s5 =	smul.u32 $0x280, s4;
	s7 =	sand.u32 $0x70, s7  }
0xd: {  	s4 =	sshll.u32 s4, $0x4;
	s0 =	ssub.s32 s0, s23;
	s23 =	simm.s32 $0x6800  }
0xe: {  	s4 =	sand.u32 $0x180, s4;
	s0 =	smax.u32 s0, $0x1;
	s22 =	sadd.s32 s5, s2  }
0xf: {  	s2 =	sadd.s32 s7, s2;
	s1 =	sadd.s32 s1, s5;
	[dreg:$0x9] =	wrdreg s0  }
0x10: {  	s7 =	simm.s32 $0x5;
	s0 =	simm.s32 $0x11800;
	s5 =	simm.s32 $0x4  }
0x11: {  	[dreg:$0x5] =	wrdreg s1;
	s24 =	sadd.s32 s4, s2;
	s25 =	sadd.s32 $0x1000, s22  }
0x12: {  	v3 =	vlaneseq.u32;
	s26 =	sadd.s32 $0x54600, s22;
	s22 =	simm.s32 $0x6000;
	[dreg:$0x6] =	wrdreg s25  }
0x13: {  	vm0 =	vmmov $0xffff;
	vm1 =	vcmask $0x704;
	vm2 =	vcmask $0x3F04;
	s2 =	simm.s32 $0x11000;
	s4 =	simm.s32 $0x3;
	[dreg:$0x7] =	wrdreg s26  }
0x14: {  	v4 =	vimm.f32 $0.0e+00;
	v1 =	vshrl.u32 v3, $0x3;
	v0 =	vand.u32 $0x7, v3;
	s1 =	sadd.s32 $0x59600, s24;
	s24 =	simm.s32 $0x7000;
	s25 =	simm.s32 $0x7800  }
0x15: {  	v2 =	vor.u32 $0x8, v3;
	v3 =	vmul.u32 $0x80, v3;
	v1 =	vmul.u32 $0x8, v1;
	s26 =	simm.s32 $0x8000;
	[dreg:$0x8] =	wrdreg s1;
	s1 =	simm.s32 $0x12000  }
.LBB2_1:
0x16: {  	[dreg:$0xa] =	wrdreg s9  }
0x17: {  	s6 =	rddreg [dreg:$0x5]  }
0x18: {  	[tilespmem:s8], [sflag:$0x5] =	stream.linear.gather [hbm4b:s6+s8], $0x1400, $0x38;
	[tilespmem:$0x15E00] =	vst v63  }
0x19: {  	_ =	swait.ge [sflag:s7], $0x1400  }
0x1a: {  	[sflag:s7] =	ssyncset.done $0x0  }
0x1b: {  	s15 =	simm.s32 $0x1400;
	s10 =	rddreg [dreg:$0x6];
	[sflag:s7] =	ssyncadd.s32 $0xFFFFEC00  }
0x1c: {  	[tilespmem:s15], [sflag:$0x5] =	stream.linear.gather [hbm4b:s10+s8], $0x1400, $0x38;
	[tilespmem:$0x15E00] =	vst v63  }
0x1d: {  	_ =	swait.ge [sflag:s7], $0x1400  }
0x1e: {  	[sflag:s7] =	ssyncset.done $0x0  }
0x1f: {  	s15 =	simm.s32 $0x15C00;
	s10 =	rddreg [dreg:$0x3];
	[sflag:s7] =	ssyncadd.s32 $0xFFFFEC00  }
0x20: {  	[tilespmem:s15], [sflag:$0x5] =	stream.linear.gather [hbm4b:s10+s8], $0x100, $0x38;
	[tilespmem:$0x15E00] =	vst v63  }
0x21: {  	_ =	swait.ge [sflag:s7], $0x100  }
0x22: {  	[sflag:s7] =	ssyncset.done $0x0  }
0x23: {  	s10 =	simm.s32 $0x15D00;
	s9 =	rddreg [dreg:$0x4];
	[sflag:s7] =	ssyncadd.s32 $0xFFFFFF00  }
0x24: {  	[tilespmem:s10], [sflag:$0x5] =	stream.linear.gather [hbm4b:s9+s8], $0x80, $0x38;
	[tilespmem:$0x15E00] =	vst v63  }
0x25: {  	_ =	swait.ge [sflag:s7], $0x80  }
0x26: {  	[sflag:s7] =	ssyncset.done $0x0  }
0x27: {  	[sflag:s7] =	ssyncadd.s32 $0xFFFFFF80  }
0x28: {  	v5 =	vld [tilespmem:$0x0];
	_ =	sdelay $0x4  }
0x29: {  	v6 =	vshll.u32 v5, $0x1  }
0x2a: {  	v5 =	vand.u32 $0x7, v5;
	v6 =	vand.u32 $0xFFFFFFF0, v6  }
0x2b: {  	v5 =	vor.u32 v5, v6  }
0x2c: {  	v6 =	vperm.xlane v5, v0;
	_ =	sdelay $0x1  }
0x2d: {  	v5 =	vperm.xlane v5, v2;
	v6 =	vadd.s32 v1, v6;
	_ =	sdelay $0x1  }
0x2e: {  	v7 =	vadd.s32 v1, v5;
	_ =	sdelay $0x1  }
0x2f: {  	s15 =	simm.s32 $0x2800  }
0x30: {  	v5 =	vld.msk [tilespmem:$0x15D00 ss:$0x0], $0xffff;
	[tilespmem:s15], [sflag:$0x1] =	stream.indirect_vreg.gather [hbm4b:s3+s8], $0x80, v6, vm0, $0xb8  }
0x31: {  	_ = 	snop  }
0x32: {  	[tilespmem:s16], [sflag:$0x1] =	stream.indirect_vreg.gather [hbm4b:s3+s8], $0x80, v7, vm0, $0xb8;
	[tilespmem:$0x15E00] =	vst v63  }
0x33: {  	v6 =	vld [tilespmem:$0x10];
	_ =	sdelay $0x4  }
0x34: {  	v7 =	vshll.u32 v6, $0x1  }
0x35: {  	v6 =	vand.u32 $0x7, v6;
	v7 =	vand.u32 $0xFFFFFFF0, v7  }
0x36: {  	v6 =	vor.u32 v6, v7  }
0x37: {  	v7 =	vperm.xlane v6, v0;
	_ =	sdelay $0x1  }
0x38: {  	v6 =	vperm.xlane v6, v2;
	v7 =	vadd.s32 v1, v7;
	_ =	sdelay $0x1  }
0x39: {  	v6 =	vadd.s32 v1, v6;
	_ =	sdelay $0x2  }
0x3a: {  	[tilespmem:s17], [sflag:$0x1] =	stream.indirect_vreg.gather [hbm4b:s3+s8], $0x80, v7, vm0, $0xb8;
	[tilespmem:$0x15E00] =	vst v63  }
0x3b: {  	_ = 	snop  }
0x3c: {  	[tilespmem:s18], [sflag:$0x1] =	stream.indirect_vreg.gather [hbm4b:s3+s8], $0x80, v6, vm0, $0xb8;
	[tilespmem:$0x15E00] =	vst v63  }
0x3d: {  	v6 =	vld [tilespmem:$0x20];
	_ =	sdelay $0x4  }
0x3e: {  	v7 =	vshll.u32 v6, $0x1  }
0x3f: {  	v6 =	vand.u32 $0x7, v6;
	v7 =	vand.u32 $0xFFFFFFF0, v7  }
0x40: {  	v6 =	vor.u32 v6, v7  }
0x41: {  	v7 =	vperm.xlane v6, v0;
	_ =	sdelay $0x1  }
0x42: {  	v6 =	vperm.xlane v6, v2;
	v7 =	vadd.s32 v1, v7;
	_ =	sdelay $0x1  }
0x43: {  	v6 =	vadd.s32 v1, v6;
	_ =	sdelay $0x2  }
0x44: {  	[tilespmem:s19], [sflag:$0x1] =	stream.indirect_vreg.gather [hbm4b:s3+s8], $0x80, v7, vm0, $0xb8;
	[tilespmem:$0x15E00] =	vst v63  }
0x45: {  	_ = 	snop  }
0x46: {  	[tilespmem:s20], [sflag:$0x1] =	stream.indirect_vreg.gather [hbm4b:s3+s8], $0x80, v6, vm0, $0xb8;
	[tilespmem:$0x15E00] =	vst v63  }
0x47: {  	v6 =	vld [tilespmem:$0x30];
	_ =	sdelay $0x4  }
0x48: {  	v7 =	vshll.u32 v6, $0x1  }
0x49: {  	v6 =	vand.u32 $0x7, v6;
	v7 =	vand.u32 $0xFFFFFFF0, v7  }
0x4a: {  	v6 =	vor.u32 v6, v7  }
0x4b: {  	v7 =	vperm.xlane v6, v0;
	_ =	sdelay $0x1  }
0x4c: {  	v6 =	vperm.xlane v6, v2;
	v7 =	vadd.s32 v1, v7;
	_ =	sdelay $0x1  }
0x4d: {  	v6 =	vadd.s32 v1, v6;
	_ =	sdelay $0x2  }
0x4e: {  	[tilespmem:s21], [sflag:$0x1] =	stream.indirect_vreg.gather [hbm4b:s3+s8], $0x80, v7, vm0, $0xb8;
	[tilespmem:$0x15E00] =	vst v63  }
0x4f: {  	_ = 	snop  }
0x50: {  	[tilespmem:s22], [sflag:$0x1] =	stream.indirect_vreg.gather [hbm4b:s3+s8], $0x80, v6, vm0, $0xb8;
	[tilespmem:$0x15E00] =	vst v63  }
0x51: {  	v6 =	vld [tilespmem:$0x1400];
	_ =	sdelay $0x4  }
0x52: {  	v7 =	vshll.u32 v6, $0x1  }
0x53: {  	v6 =	vand.u32 $0x7, v6;
	v7 =	vand.u32 $0xFFFFFFF0, v7  }
0x54: {  	v6 =	vor.u32 v6, v7  }
0x55: {  	v7 =	vperm.xlane v6, v0;
	_ =	sdelay $0x1  }
0x56: {  	v6 =	vperm.xlane v6, v2;
	v7 =	vadd.s32 v1, v7;
	_ =	sdelay $0x1  }
0x57: {  	v6 =	vadd.s32 v1, v6;
	_ =	sdelay $0x2  }
0x58: {  	[tilespmem:s23], [sflag:$0x2] =	stream.indirect_vreg.gather [hbm4b:s3+s8], $0x80, v7, vm0, $0xb8;
	[tilespmem:$0x15E00] =	vst v63  }
0x59: {  	_ = 	snop  }
0x5a: {  	[tilespmem:s24], [sflag:$0x2] =	stream.indirect_vreg.gather [hbm4b:s3+s8], $0x80, v6, vm0, $0xb8;
	[tilespmem:$0x15E00] =	vst v63  }
0x5b: {  	v6 =	vld [tilespmem:$0x1410];
	_ =	sdelay $0x4  }
0x5c: {  	v7 =	vshll.u32 v6, $0x1  }
0x5d: {  	v6 =	vand.u32 $0x7, v6;
	v7 =	vand.u32 $0xFFFFFFF0, v7  }
0x5e: {  	v6 =	vor.u32 v6, v7  }
0x5f: {  	v7 =	vperm.xlane v6, v0;
	_ =	sdelay $0x1  }
0x60: {  	v6 =	vperm.xlane v6, v2;
	v7 =	vadd.s32 v1, v7;
	_ =	sdelay $0x1  }
0x61: {  	v6 =	vadd.s32 v1, v6;
	_ =	sdelay $0x2  }
0x62: {  	[tilespmem:s25], [sflag:$0x2] =	stream.indirect_vreg.gather [hbm4b:s3+s8], $0x80, v7, vm0, $0xb8;
	[tilespmem:$0x15E00] =	vst v63  }
0x63: {  	_ = 	snop  }
0x64: {  	[tilespmem:s26], [sflag:$0x2] =	stream.indirect_vreg.gather [hbm4b:s3+s8], $0x80, v6, vm0, $0xb8;
	[tilespmem:$0x15E00] =	vst v63  }
0x65: {  	v6 =	vld [tilespmem:$0x1420];
	_ =	sdelay $0x4  }
0x66: {  	v7 =	vshll.u32 v6, $0x1  }
0x67: {  	v6 =	vand.u32 $0x7, v6;
	v7 =	vand.u32 $0xFFFFFFF0, v7  }
0x68: {  	v6 =	vor.u32 v6, v7  }
0x69: {  	v7 =	vperm.xlane v6, v0;
	_ =	sdelay $0x1  }
0x6a: {  	v6 =	vperm.xlane v6, v2;
	v7 =	vadd.s32 v1, v7;
	_ =	sdelay $0x1  }
0x6b: {  	v6 =	vadd.s32 v1, v6;
	_ =	sdelay $0x2  }
0x6c: {  	[tilespmem:s28], [sflag:$0x2] =	stream.indirect_vreg.gather [hbm4b:s3+s8], $0x80, v7, vm0, $0xb8;
	[tilespmem:$0x15E00] =	vst v63  }
0x6d: {  	_ = 	snop  }
0x6e: {  	[tilespmem:s29], [sflag:$0x2] =	stream.indirect_vreg.gather [hbm4b:s3+s8], $0x80, v6, vm0, $0xb8;
	[tilespmem:$0x15E00] =	vst v63  }
0x6f: {  	v6 =	vld [tilespmem:$0x1430];
	_ =	sdelay $0x4  }
0x70: {  	v7 =	vshll.u32 v6, $0x1  }
0x71: {  	v6 =	vand.u32 $0x7, v6;
	v7 =	vand.u32 $0xFFFFFFF0, v7  }
0x72: {  	v6 =	vor.u32 v6, v7  }
0x73: {  	v7 =	vperm.xlane v6, v0;
	_ =	sdelay $0x1  }
0x74: {  	v6 =	vperm.xlane v6, v2;
	v7 =	vadd.s32 v1, v7;
	_ =	sdelay $0x1  }
0x75: {  	v6 =	vadd.s32 v1, v6;
	_ =	sdelay $0x2  }
0x76: {  	[tilespmem:s30], [sflag:$0x2] =	stream.indirect_vreg.gather [hbm4b:s3+s8], $0x80, v7, vm0, $0xb8;
	[tilespmem:$0x15E00] =	vst v63  }
0x77: {  	_ = 	snop  }
0x78: {  	[tilespmem:s31], [sflag:$0x2] =	stream.indirect_vreg.gather [hbm4b:s3+s8], $0x80, v6, vm0, $0xb8;
	[tilespmem:$0x15E00] =	vst v63  }
0x79: {  	s6 =	simm.s32 $0x14840;
	s9 =	simm.s32 $0x14800;
	s8 =	simm.s32 $0x0  }
.LBB2_2:
0x7a: {  	s10 =	sshll.u32 s8, $0x7  }
0x7b: {  	v6 =	vld [tilespmem:s10+$0x40];
	_ =	sdelay $0x4  }
0x7c: {  	v7 =	vshll.u32 v6, $0x1  }
0x7d: {  	v6 =	vand.u32 $0x7, v6;
	v7 =	vand.u32 $0xFFFFFFF0, v7  }
0x7e: {  	v6 =	vor.u32 v6, v7  }
0x7f: {  	v7 =	vperm.xlane v6, v0;
	_ =	sdelay $0x1  }
0x80: {  	v6 =	vperm.xlane v6, v2;
	v7 =	vadd.s32 v1, v7;
	_ =	sdelay $0x1  }
0x81: {  	v6 =	vadd.s32 v1, v6;
	_ =	sdelay $0x1  }
0x82: {  	s7 =	simm.s32 $0x0;
	s15 =	simm.s32 $0xA800  }
0x83: {  	[tilespmem:s15], [sflag:$0x3] =	stream.indirect_vreg.gather [hbm4b:s3+s7], $0x80, v7, vm0, $0xb8;
	[tilespmem:$0x15E00] =	vst v63  }
0x84: {  	s15 =	simm.s32 $0xB000  }
0x85: {  	[tilespmem:s15], [sflag:$0x3] =	stream.indirect_vreg.gather [hbm4b:s3+s7], $0x80, v6, vm0, $0xb8;
	[tilespmem:$0x15E00] =	vst v63  }
0x86: {  	v6 =	vld [tilespmem:s10+$0x50];
	_ =	sdelay $0x4  }
0x87: {  	v7 =	vshll.u32 v6, $0x1  }
0x88: {  	v6 =	vand.u32 $0x7, v6;
	v7 =	vand.u32 $0xFFFFFFF0, v7  }
0x89: {  	v6 =	vor.u32 v6, v7  }
0x8a: {  	v7 =	vperm.xlane v6, v0;
	_ =	sdelay $0x1  }
0x8b: {  	v6 =	vperm.xlane v6, v2;
	v7 =	vadd.s32 v1, v7;
	_ =	sdelay $0x1  }
0x8c: {  	v6 =	vadd.s32 v1, v6;
	_ =	sdelay $0x1  }
0x8d: {  	s15 =	simm.s32 $0xB800  }
0x8e: {  	[tilespmem:s15], [sflag:$0x3] =	stream.indirect_vreg.gather [hbm4b:s3+s7], $0x80, v7, vm0, $0xb8;
	[tilespmem:$0x15E00] =	vst v63  }
0x8f: {  	s15 =	simm.s32 $0xC000  }
0x90: {  	[tilespmem:s15], [sflag:$0x3] =	stream.indirect_vreg.gather [hbm4b:s3+s7], $0x80, v6, vm0, $0xb8;
	[tilespmem:$0x15E00] =	vst v63  }
0x91: {  	v6 =	vld [tilespmem:s10+$0x60];
	_ =	sdelay $0x4  }
0x92: {  	v7 =	vshll.u32 v6, $0x1  }
0x93: {  	v6 =	vand.u32 $0x7, v6;
	v7 =	vand.u32 $0xFFFFFFF0, v7  }
0x94: {  	v6 =	vor.u32 v6, v7  }
0x95: {  	v7 =	vperm.xlane v6, v0;
	_ =	sdelay $0x1  }
0x96: {  	v6 =	vperm.xlane v6, v2;
	v7 =	vadd.s32 v1, v7;
	_ =	sdelay $0x1  }
0x97: {  	v6 =	vadd.s32 v1, v6;
	_ =	sdelay $0x1  }
0x98: {  	s15 =	simm.s32 $0xC800  }
0x99: {  	[tilespmem:s15], [sflag:$0x3] =	stream.indirect_vreg.gather [hbm4b:s3+s7], $0x80, v7, vm0, $0xb8;
	[tilespmem:$0x15E00] =	vst v63  }
0x9a: {  	s15 =	simm.s32 $0xD000  }
0x9b: {  	[tilespmem:s15], [sflag:$0x3] =	stream.indirect_vreg.gather [hbm4b:s3+s7], $0x80, v6, vm0, $0xb8;
	[tilespmem:$0x15E00] =	vst v63  }
0x9c: {  	v6 =	vld [tilespmem:s10+$0x70];
	_ =	sdelay $0x4  }
0x9d: {  	v7 =	vshll.u32 v6, $0x1  }
0x9e: {  	v6 =	vand.u32 $0x7, v6;
	v7 =	vand.u32 $0xFFFFFFF0, v7  }
0x9f: {  	v6 =	vor.u32 v6, v7  }
0xa0: {  	v7 =	vperm.xlane v6, v0;
	_ =	sdelay $0x1  }
0xa1: {  	v6 =	vperm.xlane v6, v2;
	v7 =	vadd.s32 v1, v7;
	_ =	sdelay $0x1  }
0xa2: {  	v6 =	vadd.s32 v1, v6;
	_ =	sdelay $0x1  }
0xa3: {  	s15 =	simm.s32 $0xD800  }
0xa4: {  	[tilespmem:s15], [sflag:$0x3] =	stream.indirect_vreg.gather [hbm4b:s3+s7], $0x80, v7, vm0, $0xb8;
	[tilespmem:$0x15E00] =	vst v63  }
0xa5: {  	s15 =	simm.s32 $0xE000  }
0xa6: {  	[tilespmem:s15], [sflag:$0x3] =	stream.indirect_vreg.gather [hbm4b:s3+s7], $0x80, v6, vm0, $0xb8;
	[tilespmem:$0x15E00] =	vst v63  }
0xa7: {  	v6 =	vld [tilespmem:s10+$0x1440];
	_ =	sdelay $0x4  }
0xa8: {  	v7 =	vshll.u32 v6, $0x1  }
0xa9: {  	v6 =	vand.u32 $0x7, v6;
	v7 =	vand.u32 $0xFFFFFFF0, v7  }
0xaa: {  	v6 =	vor.u32 v6, v7  }
0xab: {  	v7 =	vperm.xlane v6, v0;
	_ =	sdelay $0x1  }
0xac: {  	v6 =	vperm.xlane v6, v2;
	v7 =	vadd.s32 v1, v7;
	_ =	sdelay $0x1  }
0xad: {  	v6 =	vadd.s32 v1, v6;
	_ =	sdelay $0x1  }
0xae: {  	s15 =	simm.s32 $0xE800  }
0xaf: {  	[tilespmem:s15], [sflag:$0x4] =	stream.indirect_vreg.gather [hbm4b:s3+s7], $0x80, v7, vm0, $0xb8;
	[tilespmem:$0x15E00] =	vst v63  }
0xb0: {  	s15 =	simm.s32 $0xF000  }
0xb1: {  	[tilespmem:s15], [sflag:$0x4] =	stream.indirect_vreg.gather [hbm4b:s3+s7], $0x80, v6, vm0, $0xb8;
	[tilespmem:$0x15E00] =	vst v63  }
0xb2: {  	v6 =	vld [tilespmem:s10+$0x1450];
	_ =	sdelay $0x4  }
0xb3: {  	v7 =	vshll.u32 v6, $0x1  }
0xb4: {  	v6 =	vand.u32 $0x7, v6;
	v7 =	vand.u32 $0xFFFFFFF0, v7  }
0xb5: {  	v6 =	vor.u32 v6, v7  }
0xb6: {  	v7 =	vperm.xlane v6, v0;
	_ =	sdelay $0x1  }
0xb7: {  	v6 =	vperm.xlane v6, v2;
	v7 =	vadd.s32 v1, v7;
	_ =	sdelay $0x1  }
0xb8: {  	v6 =	vadd.s32 v1, v6;
	_ =	sdelay $0x1  }
0xb9: {  	s15 =	simm.s32 $0xF800  }
0xba: {  	[tilespmem:s15], [sflag:$0x4] =	stream.indirect_vreg.gather [hbm4b:s3+s7], $0x80, v7, vm0, $0xb8;
	[tilespmem:$0x15E00] =	vst v63  }
0xbb: {  	s15 =	simm.s32 $0x10000  }
0xbc: {  	[tilespmem:s15], [sflag:$0x4] =	stream.indirect_vreg.gather [hbm4b:s3+s7], $0x80, v6, vm0, $0xb8;
	[tilespmem:$0x15E00] =	vst v63  }
0xbd: {  	v6 =	vld [tilespmem:s10+$0x1460];
	_ =	sdelay $0x4  }
0xbe: {  	v7 =	vshll.u32 v6, $0x1  }
0xbf: {  	v6 =	vand.u32 $0x7, v6;
	v7 =	vand.u32 $0xFFFFFFF0, v7  }
0xc0: {  	v6 =	vor.u32 v6, v7  }
0xc1: {  	v7 =	vperm.xlane v6, v0;
	_ =	sdelay $0x1  }
0xc2: {  	v6 =	vperm.xlane v6, v2;
	v7 =	vadd.s32 v1, v7;
	_ =	sdelay $0x1  }
0xc3: {  	v6 =	vadd.s32 v1, v6;
	_ =	sdelay $0x2  }
0xc4: {  	[tilespmem:s11], [sflag:$0x4] =	stream.indirect_vreg.gather [hbm4b:s3+s7], $0x80, v7, vm0, $0xb8;
	[tilespmem:$0x15E00] =	vst v63  }
0xc5: {  	_ = 	snop  }
0xc6: {  	[tilespmem:s2], [sflag:$0x4] =	stream.indirect_vreg.gather [hbm4b:s3+s7], $0x80, v6, vm0, $0xb8;
	[tilespmem:$0x15E00] =	vst v63  }
0xc7: {  	v6 =	vld [tilespmem:s10+$0x1470];
	_ =	sdelay $0x4  }
0xc8: {  	v7 =	vshll.u32 v6, $0x1  }
0xc9: {  	v6 =	vand.u32 $0x7, v6;
	v7 =	vand.u32 $0xFFFFFFF0, v7  }
0xca: {  	v6 =	vor.u32 v6, v7  }
0xcb: {  	v7 =	vperm.xlane v6, v0;
	_ =	sdelay $0x1  }
0xcc: {  	v6 =	vperm.xlane v6, v2;
	v7 =	vadd.s32 v1, v7;
	_ =	sdelay $0x1  }
0xcd: {  	v6 =	vadd.s32 v1, v6;
	_ =	sdelay $0x2  }
0xce: {  	[tilespmem:s0], [sflag:$0x4] =	stream.indirect_vreg.gather [hbm4b:s3+s7], $0x80, v7, vm0, $0xb8;
	[tilespmem:$0x15E00] =	vst v63  }
0xcf: {  	_ = 	snop  }
0xd0: {  	[tilespmem:s1], [sflag:$0x4] =	stream.indirect_vreg.gather [hbm4b:s3+s7], $0x80, v6, vm0, $0xb8;
	v6 =	vmov s7;
	[tilespmem:$0x15E00] =	vst v63  }
0xd1: {  	_ =	swait.ge [sflag:s12], $0x4000;
	v6 =	vshll.u32 v6, $0x7  }
0xd2: {  	[sflag:s12] =	ssyncset.done $0x0;
	v6 =	vor.u32 v3, v6  }
0xd3: {  	[sflag:s12] =	ssyncadd.s32 $0xFFFFC000;
	v7 =	vor.u32 $0x1, v6  }
0xd4: {  	_ =	swait.ge [sflag:s13], $0x4000  }
0xd5: {  	v8 =	vor.u32 $0x2, v6;
	[sflag:s13] =	ssyncset.done $0x0  }
0xd6: {  	[sflag:s13] =	ssyncadd.s32 $0xFFFFC000  }
0xd7: {  	v9 =	vor.u32 $0x3, v6;
	v10 =	vld.idx.msk [tilespmem:v6+s14+$0x0], $0xffff  }
0xd8: {  	v7 =	vld.idx.msk [tilespmem:v7+s14+$0x0], $0xffff  }
0xd9: {  	v11 =	vor.u32 $0x4, v6  }
0xda: {  	v8 =	vld.idx.msk [tilespmem:v8+s14+$0x0], $0xffff  }
0xdb: {  	v12 =	vor.u32 $0x5, v6  }
0xdc: {  	v9 =	vld.idx.msk [tilespmem:v9+s14+$0x0], $0xffff  }
0xdd: {  	v13 =	vor.u32 $0x6, v6;
	v7 =	vadd.f32 v7, v10  }
0xde: {  	v10 =	vld.idx.msk [tilespmem:v11+s14+$0x0], $0xffff  }
0xdf: {  	v11 =	vor.u32 $0x7, v6;
	v7 =	vadd.f32 v8, v7  }
0xe0: {  	v8 =	vld.idx.msk [tilespmem:v12+s14+$0x0], $0xffff  }
0xe1: {  	v12 =	vor.u32 $0x8, v6;
	v7 =	vadd.f32 v9, v7  }
0xe2: {  	v9 =	vld.idx.msk [tilespmem:v13+s14+$0x0], $0xffff  }
0xe3: {  	v13 =	vor.u32 $0x9, v6;
	v7 =	vadd.f32 v10, v7  }
0xe4: {  	v10 =	vld.idx.msk [tilespmem:v11+s14+$0x0], $0xffff  }
0xe5: {  	v11 =	vor.u32 $0xA, v6;
	v7 =	vadd.f32 v8, v7  }
0xe6: {  	v8 =	vld.idx.msk [tilespmem:v12+s14+$0x0], $0xffff  }
0xe7: {  	v12 =	vor.u32 $0xB, v6;
	v7 =	vadd.f32 v9, v7  }
0xe8: {  	v9 =	vld.idx.msk [tilespmem:v13+s14+$0x0], $0xffff  }
0xe9: {  	v13 =	vor.u32 $0xC, v6;
	v7 =	vadd.f32 v10, v7  }
0xea: {  	v10 =	vld.idx.msk [tilespmem:v11+s14+$0x0], $0xffff  }
0xeb: {  	v11 =	vor.u32 $0xD, v6;
	v7 =	vadd.f32 v8, v7  }
0xec: {  	v8 =	vld.idx.msk [tilespmem:v12+s14+$0x0], $0xffff  }
0xed: {  	v12 =	vor.u32 $0xE, v6;
	v7 =	vadd.f32 v9, v7  }
0xee: {  	v9 =	vld.idx.msk [tilespmem:v13+s14+$0x0], $0xffff  }
0xef: {  	v6 =	vor.u32 $0xF, v6;
	v7 =	vadd.f32 v10, v7  }
0xf0: {  	v10 =	vld.idx.msk [tilespmem:v11+s14+$0x0], $0xffff  }
0xf1: {  	v7 =	vadd.f32 v8, v7  }
0xf2: {  	v8 =	vld.idx.msk [tilespmem:v12+s14+$0x0], $0xffff  }
0xf3: {  	v7 =	vadd.f32 v9, v7  }
0xf4: {  	v6 =	vld.idx.msk [tilespmem:v6+s14+$0x0], $0xffff  }
0xf5: {  	v7 =	vadd.f32 v10, v7;
	_ =	sdelay $0x1  }
0xf6: {  	s15 =	simm.s32 $0x10;
	v7 =	vadd.f32 v8, v7  }
0xf7: {  	v8 =	vmov s15  }
0xf8: {  	v8 =	vshll.u32 v8, $0x7;
	v7 =	vadd.f32 v6, v7  }
0xf9: {  	v6 =	vor.u32 v3, v8  }
0xfa: {  	v13 =	vor.u32 $0x1, v6;
	v11 =	vor.u32 $0x2, v6;
	v14 =	vadd.f32 v7, v5  }
0xfb: {  	v12 =	vor.u32 $0x3, v6;
	v10 =	vor.u32 $0x4, v6;
	v9 =	vor.u32 $0x5, v6  }
0xfc: {  	s10 =	simm.s32 $0x20;
	s7 =	smov.u32 s9;
	v8 =	vor.u32 $0x6, v6;
	v7 =	vor.u32 $0x7, v6;
	v14 =	vmax.f32 v14, $0.0e+00  }
.LBB2_3:
0xfd: {  	p0 =	sne.s32 s10, $0x30  }
0xfe: {  	v15 =	vor.u32 $0x8, v6;
	v16 =	vor.u32 $0x9, v6;
	v17 =	vor.u32 $0xA, v6;
	[tilespmem:s7+$0x0] =	vst v14;
	s7 =	sadd.s32 $0x10, s7;
	s15 =	smov.u32 s10;
	s10 =	sadd.s32 $0x10, s10  }
0xff: {  	v18 =	vor.u32 $0xB, v6;
	v19 =	vor.u32 $0xC, v6;
	v20 =	vor.u32 $0xD, v6;
	v14 =	vld.idx.msk [tilespmem:v6+s14+$0x0], $0xffff  }
0x100: {  	v21 =	vor.u32 $0xE, v6;
	v6 =	vor.u32 $0xF, v6;
	v13 =	vld.idx.msk [tilespmem:v13+s14+$0x0], $0xffff;
	_ =	sdelay $0x1  }
0x101: {  	v11 =	vld.idx.msk [tilespmem:v11+s14+$0x0], $0xffff;
	_ =	sdelay $0x1  }
0x102: {  	v12 =	vld.idx.msk [tilespmem:v12+s14+$0x0], $0xffff;
	_ =	sdelay $0x1  }
0x103: {  	v13 =	vadd.f32 v13, v14;
	v10 =	vld.idx.msk [tilespmem:v10+s14+$0x0], $0xffff;
	_ =	sdelay $0x1  }
0x104: {  	v11 =	vadd.f32 v11, v13;
	v9 =	vld.idx.msk [tilespmem:v9+s14+$0x0], $0xffff;
	_ =	sdelay $0x1  }
0x105: {  	v11 =	vadd.f32 v12, v11;
	v8 =	vld.idx.msk [tilespmem:v8+s14+$0x0], $0xffff;
	_ =	sdelay $0x1  }
0x106: {  	v10 =	vadd.f32 v10, v11;
	v7 =	vld.idx.msk [tilespmem:v7+s14+$0x0], $0xffff;
	_ =	sdelay $0x1  }
0x107: {  	v9 =	vadd.f32 v9, v10;
	v10 =	vld.idx.msk [tilespmem:v15+s14+$0x0], $0xffff;
	_ =	sdelay $0x1  }
0x108: {  	v8 =	vadd.f32 v8, v9;
	v9 =	vld.idx.msk [tilespmem:v16+s14+$0x0], $0xffff;
	_ =	sdelay $0x1  }
0x109: {  	v7 =	vadd.f32 v7, v8;
	v8 =	vld.idx.msk [tilespmem:v17+s14+$0x0], $0xffff;
	_ =	sdelay $0x1  }
0x10a: {  	v7 =	vadd.f32 v10, v7;
	v10 =	vld.idx.msk [tilespmem:v18+s14+$0x0], $0xffff;
	_ =	sdelay $0x1  }
0x10b: {  	v7 =	vadd.f32 v9, v7;
	v9 =	vld.idx.msk [tilespmem:v19+s14+$0x0], $0xffff;
	_ =	sdelay $0x1  }
0x10c: {  	v7 =	vadd.f32 v8, v7;
	v8 =	vld.idx.msk [tilespmem:v20+s14+$0x0], $0xffff;
	_ =	sdelay $0x1  }
0x10d: {  	v7 =	vadd.f32 v10, v7;
	v10 =	vld.idx.msk [tilespmem:v21+s14+$0x0], $0xffff;
	_ =	sdelay $0x1  }
0x10e: {  	v7 =	vadd.f32 v9, v7;
	v6 =	vld.idx.msk [tilespmem:v6+s14+$0x0], $0xffff;
	_ =	sdelay $0x1  }
0x10f: {  	v7 =	vadd.f32 v8, v7;
	_ =	sdelay $0x1  }
0x110: {  	v7 =	vadd.f32 v10, v7  }
0x111: {  	v8 =	vmov s15  }
.Ltmp0:
0x112: {  	v8 =	vshll.u32 v8, $0x7;
	v7 =	vadd.f32 v6, v7;
	(pc) =	sbr.rel @p0 .LBB2_3-.Ltmp0, $4  }
0x113: {  	v6 =	vor.u32 v3, v8  }
0x114: {  	v13 =	vor.u32 $0x1, v6;
	v11 =	vor.u32 $0x2, v6;
	v14 =	vadd.f32 v7, v5  }
0x115: {  	v12 =	vor.u32 $0x3, v6;
	v10 =	vor.u32 $0x4, v6;
	v9 =	vor.u32 $0x5, v6  }
0x116: {  	v8 =	vor.u32 $0x6, v6;
	v7 =	vor.u32 $0x7, v6;
	v14 =	vmax.f32 v14, $0.0e+00  }
0x117: {  	_ =	sdelay $0x2  }
0x118: {  	[tilespmem:s7+$0x0] =	vst v14  }
0x119: {  	v14 =	vld.idx.msk [tilespmem:v6+s14+$0x0], $0xffff  }
0x11a: {  	v13 =	vld.idx.msk [tilespmem:v13+s14+$0x0], $0xffff;
	_ =	sdelay $0x1  }
0x11b: {  	v11 =	vld.idx.msk [tilespmem:v11+s14+$0x0], $0xffff;
	_ =	sdelay $0x1  }
0x11c: {  	v12 =	vld.idx.msk [tilespmem:v12+s14+$0x0], $0xffff  }
0x11d: {  	v13 =	vadd.f32 v13, v14  }
0x11e: {  	v10 =	vld.idx.msk [tilespmem:v10+s14+$0x0], $0xffff  }
0x11f: {  	v11 =	vadd.f32 v11, v13  }
0x120: {  	v9 =	vld.idx.msk [tilespmem:v9+s14+$0x0], $0xffff  }
0x121: {  	v13 =	vor.u32 $0x8, v6;
	v11 =	vadd.f32 v12, v11  }
0x122: {  	v8 =	vld.idx.msk [tilespmem:v8+s14+$0x0], $0xffff  }
0x123: {  	v12 =	vor.u32 $0x9, v6;
	v10 =	vadd.f32 v10, v11  }
0x124: {  	v7 =	vld.idx.msk [tilespmem:v7+s14+$0x0], $0xffff  }
0x125: {  	v11 =	vor.u32 $0xA, v6;
	v9 =	vadd.f32 v9, v10  }
0x126: {  	v10 =	vld.idx.msk [tilespmem:v13+s14+$0x0], $0xffff  }
0x127: {  	v13 =	vor.u32 $0xB, v6;
	v8 =	vadd.f32 v8, v9  }
0x128: {  	v9 =	vld.idx.msk [tilespmem:v12+s14+$0x0], $0xffff  }
0x129: {  	v12 =	vor.u32 $0xC, v6;
	v7 =	vadd.f32 v7, v8  }
0x12a: {  	v8 =	vld.idx.msk [tilespmem:v11+s14+$0x0], $0xffff  }
0x12b: {  	v11 =	vor.u32 $0xD, v6;
	v7 =	vadd.f32 v10, v7  }
0x12c: {  	v10 =	vld.idx.msk [tilespmem:v13+s14+$0x0], $0xffff  }
0x12d: {  	v13 =	vor.u32 $0xE, v6;
	v7 =	vadd.f32 v9, v7  }
0x12e: {  	v9 =	vld.idx.msk [tilespmem:v12+s14+$0x0], $0xffff  }
0x12f: {  	v6 =	vor.u32 $0xF, v6;
	v7 =	vadd.f32 v8, v7  }
0x130: {  	v8 =	vld.idx.msk [tilespmem:v11+s14+$0x0], $0xffff  }
0x131: {  	v7 =	vadd.f32 v10, v7  }
0x132: {  	v10 =	vld.idx.msk [tilespmem:v13+s14+$0x0], $0xffff  }
0x133: {  	v7 =	vadd.f32 v9, v7  }
0x134: {  	v6 =	vld.idx.msk [tilespmem:v6+s14+$0x0], $0xffff  }
0x135: {  	v7 =	vadd.f32 v8, v7;
	_ =	sdelay $0x1  }
0x136: {  	v7 =	vadd.f32 v10, v7;
	_ =	sdelay $0x1  }
0x137: {  	s10 =	sshll.u32 s8, $0x1;
	v6 =	vadd.f32 v6, v7  }
0x138: {  	s10 =	smin.u32 s10, $0x4D  }
0x139: {  	s10 =	sshll.u32 s10, $0x6;
	v6 =	vadd.f32 v6, v5  }
0x13a: {  	s15 =	sadd.s32 $0x80, s10  }
0x13b: {  	s7 =	sadd.s32 $0x10, s7;
	s10 =	sand.u32 $0x40, s10;
	s15 =	sand.u32 $0x3F80, s15;
	v6 =	vmax.f32 v6, $0.0e+00  }
0x13c: {  	s10 =	sor.u32 s10, s15;
	[tilespmem:s7+$0x0] =	vst v6  }
0x13d: {  	v6 =	vld [tilespmem:s10+$0x0];
	_ =	sdelay $0x4  }
0x13e: {  	v7 =	vshll.u32 v6, $0x1  }
0x13f: {  	v6 =	vand.u32 $0x7, v6;
	v7 =	vand.u32 $0xFFFFFFF0, v7  }
0x140: {  	v6 =	vor.u32 v6, v7  }
0x141: {  	v7 =	vperm.xlane v6, v0;
	_ =	sdelay $0x1  }
0x142: {  	v6 =	vperm.xlane v6, v2;
	v7 =	vadd.s32 v1, v7;
	_ =	sdelay $0x1  }
0x143: {  	v6 =	vadd.s32 v1, v6;
	_ =	sdelay $0x1  }
0x144: {  	s15 =	simm.s32 $0x2800;
	s7 =	simm.s32 $0x0  }
0x145: {  	[tilespmem:s15], [sflag:$0x1] =	stream.indirect_vreg.gather [hbm4b:s3+s7], $0x80, v7, vm0, $0xb8;
	[tilespmem:$0x15E00] =	vst v63  }
0x146: {  	_ = 	snop  }
0x147: {  	[tilespmem:s16], [sflag:$0x1] =	stream.indirect_vreg.gather [hbm4b:s3+s7], $0x80, v6, vm0, $0xb8;
	[tilespmem:$0x15E00] =	vst v63  }
0x148: {  	v6 =	vld [tilespmem:s10+$0x10];
	_ =	sdelay $0x4  }
0x149: {  	v7 =	vshll.u32 v6, $0x1  }
0x14a: {  	v6 =	vand.u32 $0x7, v6;
	v7 =	vand.u32 $0xFFFFFFF0, v7  }
0x14b: {  	v6 =	vor.u32 v6, v7  }
0x14c: {  	v7 =	vperm.xlane v6, v0;
	_ =	sdelay $0x1  }
0x14d: {  	v6 =	vperm.xlane v6, v2;
	v7 =	vadd.s32 v1, v7;
	_ =	sdelay $0x1  }
0x14e: {  	v6 =	vadd.s32 v1, v6;
	_ =	sdelay $0x2  }
0x14f: {  	[tilespmem:s17], [sflag:$0x1] =	stream.indirect_vreg.gather [hbm4b:s3+s7], $0x80, v7, vm0, $0xb8;
	[tilespmem:$0x15E00] =	vst v63  }
0x150: {  	_ = 	snop  }
0x151: {  	[tilespmem:s18], [sflag:$0x1] =	stream.indirect_vreg.gather [hbm4b:s3+s7], $0x80, v6, vm0, $0xb8;
	[tilespmem:$0x15E00] =	vst v63  }
0x152: {  	v6 =	vld [tilespmem:s10+$0x20];
	_ =	sdelay $0x4  }
0x153: {  	v7 =	vshll.u32 v6, $0x1  }
0x154: {  	v6 =	vand.u32 $0x7, v6;
	v7 =	vand.u32 $0xFFFFFFF0, v7  }
0x155: {  	v6 =	vor.u32 v6, v7  }
0x156: {  	v7 =	vperm.xlane v6, v0;
	_ =	sdelay $0x1  }
0x157: {  	v6 =	vperm.xlane v6, v2;
	v7 =	vadd.s32 v1, v7;
	_ =	sdelay $0x1  }
0x158: {  	v6 =	vadd.s32 v1, v6;
	_ =	sdelay $0x2  }
0x159: {  	[tilespmem:s19], [sflag:$0x1] =	stream.indirect_vreg.gather [hbm4b:s3+s7], $0x80, v7, vm0, $0xb8;
	[tilespmem:$0x15E00] =	vst v63  }
0x15a: {  	_ = 	snop  }
0x15b: {  	[tilespmem:s20], [sflag:$0x1] =	stream.indirect_vreg.gather [hbm4b:s3+s7], $0x80, v6, vm0, $0xb8;
	[tilespmem:$0x15E00] =	vst v63  }
0x15c: {  	v6 =	vld [tilespmem:s10+$0x30];
	_ =	sdelay $0x4  }
0x15d: {  	v7 =	vshll.u32 v6, $0x1  }
0x15e: {  	v6 =	vand.u32 $0x7, v6;
	v7 =	vand.u32 $0xFFFFFFF0, v7  }
0x15f: {  	v6 =	vor.u32 v6, v7  }
0x160: {  	v7 =	vperm.xlane v6, v0;
	_ =	sdelay $0x1  }
0x161: {  	v6 =	vperm.xlane v6, v2;
	v7 =	vadd.s32 v1, v7;
	_ =	sdelay $0x1  }
0x162: {  	v6 =	vadd.s32 v1, v6;
	_ =	sdelay $0x2  }
0x163: {  	[tilespmem:s21], [sflag:$0x1] =	stream.indirect_vreg.gather [hbm4b:s3+s7], $0x80, v7, vm0, $0xb8;
	[tilespmem:$0x15E00] =	vst v63  }
0x164: {  	_ = 	snop  }
0x165: {  	[tilespmem:s22], [sflag:$0x1] =	stream.indirect_vreg.gather [hbm4b:s3+s7], $0x80, v6, vm0, $0xb8;
	[tilespmem:$0x15E00] =	vst v63  }
0x166: {  	v6 =	vld [tilespmem:s10+$0x1400];
	_ =	sdelay $0x4  }
0x167: {  	v7 =	vshll.u32 v6, $0x1  }
0x168: {  	v6 =	vand.u32 $0x7, v6;
	v7 =	vand.u32 $0xFFFFFFF0, v7  }
0x169: {  	v6 =	vor.u32 v6, v7  }
0x16a: {  	v7 =	vperm.xlane v6, v0;
	_ =	sdelay $0x1  }
0x16b: {  	v6 =	vperm.xlane v6, v2;
	v7 =	vadd.s32 v1, v7;
	_ =	sdelay $0x1  }
0x16c: {  	v6 =	vadd.s32 v1, v6;
	_ =	sdelay $0x2  }
0x16d: {  	[tilespmem:s23], [sflag:$0x2] =	stream.indirect_vreg.gather [hbm4b:s3+s7], $0x80, v7, vm0, $0xb8;
	[tilespmem:$0x15E00] =	vst v63  }
0x16e: {  	_ = 	snop  }
0x16f: {  	[tilespmem:s24], [sflag:$0x2] =	stream.indirect_vreg.gather [hbm4b:s3+s7], $0x80, v6, vm0, $0xb8;
	[tilespmem:$0x15E00] =	vst v63  }
0x170: {  	v6 =	vld [tilespmem:s10+$0x1410];
	_ =	sdelay $0x4  }
0x171: {  	v7 =	vshll.u32 v6, $0x1  }
0x172: {  	v6 =	vand.u32 $0x7, v6;
	v7 =	vand.u32 $0xFFFFFFF0, v7  }
0x173: {  	v6 =	vor.u32 v6, v7  }
0x174: {  	v7 =	vperm.xlane v6, v0;
	_ =	sdelay $0x1  }
0x175: {  	v6 =	vperm.xlane v6, v2;
	v7 =	vadd.s32 v1, v7;
	_ =	sdelay $0x1  }
0x176: {  	v6 =	vadd.s32 v1, v6;
	_ =	sdelay $0x2  }
0x177: {  	[tilespmem:s25], [sflag:$0x2] =	stream.indirect_vreg.gather [hbm4b:s3+s7], $0x80, v7, vm0, $0xb8;
	[tilespmem:$0x15E00] =	vst v63  }
0x178: {  	_ = 	snop  }
0x179: {  	[tilespmem:s26], [sflag:$0x2] =	stream.indirect_vreg.gather [hbm4b:s3+s7], $0x80, v6, vm0, $0xb8;
	[tilespmem:$0x15E00] =	vst v63  }
0x17a: {  	v6 =	vld [tilespmem:s10+$0x1420];
	_ =	sdelay $0x4  }
0x17b: {  	v7 =	vshll.u32 v6, $0x1  }
0x17c: {  	v6 =	vand.u32 $0x7, v6;
	v7 =	vand.u32 $0xFFFFFFF0, v7  }
0x17d: {  	v6 =	vor.u32 v6, v7  }
0x17e: {  	v7 =	vperm.xlane v6, v0;
	_ =	sdelay $0x1  }
0x17f: {  	v6 =	vperm.xlane v6, v2;
	v7 =	vadd.s32 v1, v7;
	_ =	sdelay $0x1  }
0x180: {  	v6 =	vadd.s32 v1, v6;
	_ =	sdelay $0x2  }
0x181: {  	[tilespmem:s28], [sflag:$0x2] =	stream.indirect_vreg.gather [hbm4b:s3+s7], $0x80, v7, vm0, $0xb8;
	[tilespmem:$0x15E00] =	vst v63  }
0x182: {  	_ = 	snop  }
0x183: {  	[tilespmem:s29], [sflag:$0x2] =	stream.indirect_vreg.gather [hbm4b:s3+s7], $0x80, v6, vm0, $0xb8;
	[tilespmem:$0x15E00] =	vst v63  }
0x184: {  	v6 =	vld [tilespmem:s10+$0x1430];
	_ =	sdelay $0x4  }
0x185: {  	v7 =	vshll.u32 v6, $0x1  }
0x186: {  	v6 =	vand.u32 $0x7, v6;
	v7 =	vand.u32 $0xFFFFFFF0, v7  }
0x187: {  	v6 =	vor.u32 v6, v7  }
0x188: {  	v7 =	vperm.xlane v6, v0;
	_ =	sdelay $0x1  }
0x189: {  	v6 =	vperm.xlane v6, v2;
	v7 =	vadd.s32 v1, v7;
	_ =	sdelay $0x1  }
0x18a: {  	v6 =	vadd.s32 v1, v6;
	_ =	sdelay $0x2  }
0x18b: {  	[tilespmem:s30], [sflag:$0x2] =	stream.indirect_vreg.gather [hbm4b:s3+s7], $0x80, v7, vm0, $0xb8;
	[tilespmem:$0x15E00] =	vst v63  }
0x18c: {  	_ = 	snop  }
0x18d: {  	[tilespmem:s31], [sflag:$0x2] =	stream.indirect_vreg.gather [hbm4b:s3+s7], $0x80, v6, vm0, $0xb8;
	v6 =	vmov s7;
	[tilespmem:$0x15E00] =	vst v63  }
0x18e: {  	_ =	swait.ge [sflag:s4], $0x4000;
	v6 =	vshll.u32 v6, $0x7  }
0x18f: {  	[sflag:s4] =	ssyncset.done $0x0;
	v6 =	vor.u32 v3, v6  }
0x190: {  	[sflag:s4] =	ssyncadd.s32 $0xFFFFC000;
	v7 =	vor.u32 $0x1, v6  }
0x191: {  	_ =	swait.ge [sflag:s5], $0x4000  }
0x192: {  	v8 =	vor.u32 $0x2, v6;
	[sflag:s5] =	ssyncset.done $0x0  }
0x193: {  	[sflag:s5] =	ssyncadd.s32 $0xFFFFC000  }
0x194: {  	v9 =	vor.u32 $0x3, v6;
	v10 =	vld.idx.msk [tilespmem:v6+s14+$0x0], $0xffff  }
0x195: {  	v7 =	vld.idx.msk [tilespmem:v7+s14+$0x0], $0xffff  }
0x196: {  	v11 =	vor.u32 $0x4, v6  }
0x197: {  	v8 =	vld.idx.msk [tilespmem:v8+s14+$0x0], $0xffff  }
0x198: {  	v12 =	vor.u32 $0x5, v6  }
0x199: {  	v9 =	vld.idx.msk [tilespmem:v9+s14+$0x0], $0xffff  }
0x19a: {  	v13 =	vor.u32 $0x6, v6;
	v7 =	vadd.f32 v7, v10  }
0x19b: {  	v10 =	vld.idx.msk [tilespmem:v11+s14+$0x0], $0xffff  }
0x19c: {  	v11 =	vor.u32 $0x7, v6;
	v7 =	vadd.f32 v8, v7  }
0x19d: {  	v8 =	vld.idx.msk [tilespmem:v12+s14+$0x0], $0xffff  }
0x19e: {  	v12 =	vor.u32 $0x8, v6;
	v7 =	vadd.f32 v9, v7  }
0x19f: {  	v9 =	vld.idx.msk [tilespmem:v13+s14+$0x0], $0xffff  }
0x1a0: {  	v13 =	vor.u32 $0x9, v6;
	v7 =	vadd.f32 v10, v7  }
0x1a1: {  	v10 =	vld.idx.msk [tilespmem:v11+s14+$0x0], $0xffff  }
0x1a2: {  	v11 =	vor.u32 $0xA, v6;
	v7 =	vadd.f32 v8, v7  }
0x1a3: {  	v8 =	vld.idx.msk [tilespmem:v12+s14+$0x0], $0xffff  }
0x1a4: {  	v12 =	vor.u32 $0xB, v6;
	v7 =	vadd.f32 v9, v7  }
0x1a5: {  	v9 =	vld.idx.msk [tilespmem:v13+s14+$0x0], $0xffff  }
0x1a6: {  	v13 =	vor.u32 $0xC, v6;
	v7 =	vadd.f32 v10, v7  }
0x1a7: {  	v10 =	vld.idx.msk [tilespmem:v11+s14+$0x0], $0xffff  }
0x1a8: {  	v11 =	vor.u32 $0xD, v6;
	v7 =	vadd.f32 v8, v7  }
0x1a9: {  	v8 =	vld.idx.msk [tilespmem:v12+s14+$0x0], $0xffff  }
0x1aa: {  	v12 =	vor.u32 $0xE, v6;
	v7 =	vadd.f32 v9, v7  }
0x1ab: {  	v9 =	vld.idx.msk [tilespmem:v13+s14+$0x0], $0xffff  }
0x1ac: {  	v6 =	vor.u32 $0xF, v6;
	v7 =	vadd.f32 v10, v7  }
0x1ad: {  	v10 =	vld.idx.msk [tilespmem:v11+s14+$0x0], $0xffff  }
0x1ae: {  	v7 =	vadd.f32 v8, v7  }
0x1af: {  	v8 =	vld.idx.msk [tilespmem:v12+s14+$0x0], $0xffff  }
0x1b0: {  	v7 =	vadd.f32 v9, v7  }
0x1b1: {  	v6 =	vld.idx.msk [tilespmem:v6+s14+$0x0], $0xffff  }
0x1b2: {  	v7 =	vadd.f32 v10, v7;
	_ =	sdelay $0x1  }
0x1b3: {  	s15 =	simm.s32 $0x10;
	v7 =	vadd.f32 v8, v7  }
0x1b4: {  	v8 =	vmov s15  }
0x1b5: {  	v8 =	vshll.u32 v8, $0x7;
	v7 =	vadd.f32 v6, v7  }
0x1b6: {  	v6 =	vor.u32 v3, v8  }
0x1b7: {  	v13 =	vor.u32 $0x1, v6;
	v11 =	vor.u32 $0x2, v6;
	v14 =	vadd.f32 v7, v5  }
0x1b8: {  	v12 =	vor.u32 $0x3, v6;
	v10 =	vor.u32 $0x4, v6;
	v9 =	vor.u32 $0x5, v6  }
0x1b9: {  	s10 =	simm.s32 $0x20;
	s7 =	smov.u32 s6;
	v8 =	vor.u32 $0x6, v6;
	v7 =	vor.u32 $0x7, v6;
	v14 =	vmax.f32 v14, $0.0e+00  }
.LBB2_5:
0x1ba: {  	p0 =	sne.s32 s10, $0x30  }
0x1bb: {  	v15 =	vor.u32 $0x8, v6;
	v16 =	vor.u32 $0x9, v6;
	v17 =	vor.u32 $0xA, v6;
	[tilespmem:s7+$0x0] =	vst v14;
	s7 =	sadd.s32 $0x10, s7;
	s15 =	smov.u32 s10;
	s10 =	sadd.s32 $0x10, s10  }
0x1bc: {  	v18 =	vor.u32 $0xB, v6;
	v19 =	vor.u32 $0xC, v6;
	v20 =	vor.u32 $0xD, v6;
	v14 =	vld.idx.msk [tilespmem:v6+s14+$0x0], $0xffff  }
0x1bd: {  	v21 =	vor.u32 $0xE, v6;
	v6 =	vor.u32 $0xF, v6;
	v13 =	vld.idx.msk [tilespmem:v13+s14+$0x0], $0xffff;
	_ =	sdelay $0x1  }
0x1be: {  	v11 =	vld.idx.msk [tilespmem:v11+s14+$0x0], $0xffff;
	_ =	sdelay $0x1  }
0x1bf: {  	v12 =	vld.idx.msk [tilespmem:v12+s14+$0x0], $0xffff;
	_ =	sdelay $0x1  }
0x1c0: {  	v13 =	vadd.f32 v13, v14;
	v10 =	vld.idx.msk [tilespmem:v10+s14+$0x0], $0xffff;
	_ =	sdelay $0x1  }
0x1c1: {  	v11 =	vadd.f32 v11, v13;
	v9 =	vld.idx.msk [tilespmem:v9+s14+$0x0], $0xffff;
	_ =	sdelay $0x1  }
0x1c2: {  	v11 =	vadd.f32 v12, v11;
	v8 =	vld.idx.msk [tilespmem:v8+s14+$0x0], $0xffff;
	_ =	sdelay $0x1  }
0x1c3: {  	v10 =	vadd.f32 v10, v11;
	v7 =	vld.idx.msk [tilespmem:v7+s14+$0x0], $0xffff;
	_ =	sdelay $0x1  }
0x1c4: {  	v9 =	vadd.f32 v9, v10;
	v10 =	vld.idx.msk [tilespmem:v15+s14+$0x0], $0xffff;
	_ =	sdelay $0x1  }
0x1c5: {  	v8 =	vadd.f32 v8, v9;
	v9 =	vld.idx.msk [tilespmem:v16+s14+$0x0], $0xffff;
	_ =	sdelay $0x1  }
0x1c6: {  	v7 =	vadd.f32 v7, v8;
	v8 =	vld.idx.msk [tilespmem:v17+s14+$0x0], $0xffff;
	_ =	sdelay $0x1  }
0x1c7: {  	v7 =	vadd.f32 v10, v7;
	v10 =	vld.idx.msk [tilespmem:v18+s14+$0x0], $0xffff;
	_ =	sdelay $0x1  }
0x1c8: {  	v7 =	vadd.f32 v9, v7;
	v9 =	vld.idx.msk [tilespmem:v19+s14+$0x0], $0xffff;
	_ =	sdelay $0x1  }
0x1c9: {  	v7 =	vadd.f32 v8, v7;
	v8 =	vld.idx.msk [tilespmem:v20+s14+$0x0], $0xffff;
	_ =	sdelay $0x1  }
0x1ca: {  	v7 =	vadd.f32 v10, v7;
	v10 =	vld.idx.msk [tilespmem:v21+s14+$0x0], $0xffff;
	_ =	sdelay $0x1  }
0x1cb: {  	v7 =	vadd.f32 v9, v7;
	v6 =	vld.idx.msk [tilespmem:v6+s14+$0x0], $0xffff;
	_ =	sdelay $0x1  }
0x1cc: {  	v7 =	vadd.f32 v8, v7;
	_ =	sdelay $0x1  }
0x1cd: {  	v7 =	vadd.f32 v10, v7  }
0x1ce: {  	v8 =	vmov s15  }
.Ltmp1:
0x1cf: {  	v8 =	vshll.u32 v8, $0x7;
	v7 =	vadd.f32 v6, v7;
	(pc) =	sbr.rel @p0 .LBB2_5-.Ltmp1, $4  }
0x1d0: {  	v6 =	vor.u32 v3, v8  }
0x1d1: {  	v13 =	vor.u32 $0x1, v6;
	v11 =	vor.u32 $0x2, v6;
	v14 =	vadd.f32 v7, v5  }
0x1d2: {  	v12 =	vor.u32 $0x3, v6;
	v10 =	vor.u32 $0x4, v6;
	v9 =	vor.u32 $0x5, v6  }
0x1d3: {  	v8 =	vor.u32 $0x6, v6;
	v7 =	vor.u32 $0x7, v6;
	v14 =	vmax.f32 v14, $0.0e+00  }
0x1d4: {  	_ =	sdelay $0x2  }
0x1d5: {  	[tilespmem:s7+$0x0] =	vst v14  }
0x1d6: {  	v14 =	vld.idx.msk [tilespmem:v6+s14+$0x0], $0xffff  }
0x1d7: {  	v13 =	vld.idx.msk [tilespmem:v13+s14+$0x0], $0xffff;
	_ =	sdelay $0x1  }
0x1d8: {  	v11 =	vld.idx.msk [tilespmem:v11+s14+$0x0], $0xffff;
	_ =	sdelay $0x1  }
0x1d9: {  	v12 =	vld.idx.msk [tilespmem:v12+s14+$0x0], $0xffff  }
0x1da: {  	v13 =	vadd.f32 v13, v14  }
0x1db: {  	v10 =	vld.idx.msk [tilespmem:v10+s14+$0x0], $0xffff  }
0x1dc: {  	v11 =	vadd.f32 v11, v13  }
0x1dd: {  	v9 =	vld.idx.msk [tilespmem:v9+s14+$0x0], $0xffff  }
0x1de: {  	v50 =	vor.u32 $0x8, v6;
	v11 =	vadd.f32 v12, v11  }
0x1df: {  	v8 =	vld.idx.msk [tilespmem:v8+s14+$0x0], $0xffff  }
0x1e0: {  	v51 =	vor.u32 $0x9, v6;
	v10 =	vadd.f32 v10, v11  }
0x1e1: {  	v7 =	vld.idx.msk [tilespmem:v7+s14+$0x0], $0xffff  }
0x1e2: {  	v52 =	vor.u32 $0xA, v6;
	v9 =	vadd.f32 v9, v10  }
0x1e3: {  	v53 =	vld.idx.msk [tilespmem:v50+s14+$0x0], $0xffff  }
0x1e4: {  	v54 =	vor.u32 $0xB, v6;
	v8 =	vadd.f32 v8, v9  }
0x1e5: {  	v55 =	vld.idx.msk [tilespmem:v51+s14+$0x0], $0xffff  }
0x1e6: {  	v56 =	vor.u32 $0xC, v6;
	v7 =	vadd.f32 v7, v8  }
0x1e7: {  	v57 =	vld.idx.msk [tilespmem:v52+s14+$0x0], $0xffff  }
0x1e8: {  	v58 =	vor.u32 $0xD, v6;
	v7 =	vadd.f32 v53, v7  }
0x1e9: {  	v59 =	vld.idx.msk [tilespmem:v54+s14+$0x0], $0xffff  }
0x1ea: {  	v60 =	vor.u32 $0xE, v6;
	v7 =	vadd.f32 v55, v7  }
0x1eb: {  	v61 =	vld.idx.msk [tilespmem:v56+s14+$0x0], $0xffff  }
0x1ec: {  	v6 =	vor.u32 $0xF, v6;
	v7 =	vadd.f32 v57, v7  }
0x1ed: {  	v62 =	vld.idx.msk [tilespmem:v58+s14+$0x0], $0xffff  }
0x1ee: {  	v7 =	vadd.f32 v59, v7  }
0x1ef: {  	v63 =	vld.idx.msk [tilespmem:v60+s14+$0x0], $0xffff  }
0x1f0: {  	v7 =	vadd.f32 v61, v7  }
0x1f1: {  	v6 =	vld.idx.msk [tilespmem:v6+s14+$0x0], $0xffff  }
0x1f2: {  	v7 =	vadd.f32 v62, v7;
	_ =	sdelay $0x1  }
0x1f3: {  	v7 =	vadd.f32 v63, v7  }
0x1f4: {  	s8 =	sadd.s32 $0x1, s8  }
0x1f5: {  	p0 =	sne.s32 s8, $0x28;
	v6 =	vadd.f32 v6, v7  }
.Ltmp2:
0x1f6: {  	_ = 	snop;
	(pc) =	sbr.rel @p0 .LBB2_2-.Ltmp2, $3  }
0x1f7: {  	v6 =	vadd.f32 v6, v5;
	_ =	sdelay $0x1  }
0x1f8: {  	s15 =	sadd.s32 $0x10, s7;
	v6 =	vmax.f32 v6, $0.0e+00  }
0x1f9: {  	s9 =	sadd.s32 $0x80, s9;
	s6 =	sadd.s32 $0x80, s6;
	[tilespmem:s15+$0x0] =	vst v6  }
0x1fa: {  	_ =	swait.ge [sflag:s12], $0x4000  }
0x1fb: {  	[sflag:s12] =	ssyncset.done $0x0  }
0x1fc: {  	s6 =	simm.s32 $0x0;
	[sflag:s12] =	ssyncadd.s32 $0xFFFFC000  }
0x1fd: {  	s7 =	sand.u32 $0x7E00, s6;
	_ =	swait.ge [sflag:s13], $0x4000  }
0x1fe: {  	s6 =	sand.u32 $0x70, s6;
	s7 =	sshrl.u32 s7, $0x2;
	[sflag:s13] =	ssyncset.done $0x0  }
0x1ff: {  	s7 =	sor.u32 s6, s7;
	[sflag:s13] =	ssyncadd.s32 $0xFFFFC000  }
0x200: {  	v6 =	vld [tilespmem:s7+$0x14800];
	_ =	sdelay $0x1  }
0x201: {  	v5 =	vimm.f32 $0.0e+00;
	s6 =	simm.s32 $0x40;
	s7 =	simm.s32 $0x10  }
.LBB2_8:
0x202: {  	s8 =	sand.u32 $0x7E00, s6;
	p0 =	sne.s32 s6, $0x4FC0;
	s6 =	sadd.s32 $0x40, s6  }
.Ltmp3:
0x203: {  	s9 =	sand.u32 $0x70, s7;
	s8 =	sshrl.u32 s8, $0x2;
	(pc) =	sbr.rel @p0 .LBB2_8-.Ltmp3, $3  }
0x204: {  	s8 =	sor.u32 s9, s8;
	v5 =	vmax.f32 v5, v6  }
0x205: {  	v6 =	vld [tilespmem:s8+$0x14800];
	_ =	sdelay $0x1  }
0x206: {  	s7 =	sadd.s32 $0x10, s7  }
0x207: {  	_ =	sdelay $0x1  }
0x208: {  	v5 =	vmax.f32 v5, v6  }
0x209: {  	(xrf0) =	vmax.scan.msk.f32 $0xffff, v5;
	_ =	sdelay $0x2  }
0x20a: {  	s9 =	simm.s32 $0x0  }
0x20b: {  	v6 =	vld [tilespmem:s9+$0x14800];
	_ =	sdelay $0x1  }
0x20c: {  	v5, _, _ =	vpop (xrf0)  }
0x20d: {  	s6 =	simm.s32 $0x10;
	v5 =	vbroadcast v5, $0xF  }
0x20e: {  	v7 =	vld [tilespmem:s6+$0x14800]  }
0x20f: {  	v6 =	vsub.f32 v6, v5;
	_ =	sdelay $0x1  }
0x210: {  	v6 =	vmul.f32 $1.442695020e+00, v6;
	_ =	sdelay $0x1  }
0x211: {  	v7 =	vsub.f32 v7, v5;
	(erf) = vpow2.f32 v6;
	_ =	sdelay $0x1  }
0x212: {  	s7 =	simm.s32 $0x20;
	v8 =	vld [tilespmem:s9+$0x0];
	v10 =	vmul.f32 $1.442695020e+00, v7  }
0x213: {  	v9 =	vld [tilespmem:s7+$0x14800]  }
0x214: {  	v7 =	vld [tilespmem:s9+$0x1400];
	(erf) = vpow2.f32 v10;
	_ =	sdelay $0x2  }
0x215: {  	s8 =	simm.s32 $0xC0;
	v6 =	vimm.f32 $0.0e+00  }
.LBB2_10:
0x216: {  	s9 =	sshra.s32 s8, $0x2;
	p0 =	sne.s32 s8, $0x4FC0;
	s8 =	sadd.s32 $0x40, s8;
	v10 =	vsub.f32 v9, v5;
	v11 =	vld [tilespmem:s6+$0x0]  }
.Ltmp4:
0x217: {  	v9 =	vld [tilespmem:s9+$0x14800];
	vm3 =	veq.s32 v8, v7;
	v8 =	vpop (erf);
	(pc) =	sbr.rel @p0 .LBB2_10-.Ltmp4, $4  }
0x218: {  	v10 =	vmul.f32 $1.442695020e+00, v10;
	v7 =	vld [tilespmem:s6+$0x1400];
	v8 =	vsel vm3, $0x0, v8;
	s6 =	smov.u32 s7;
	s7 =	smov.u32 s9  }
0x219: {  	v6 =	vadd.f32 v8, v6  }
0x21a: {  	(erf) = vpow2.f32 v10  }
0x21b: {  	v8 =	vmov v11  }
0x21c: {  	v9 =	vsub.f32 v9, v5;
	_ =	sdelay $0x1  }
0x21d: {  	v9 =	vmul.f32 $1.442695020e+00, v9  }
0x21e: {  	v63 =	vld [tilespmem:s6+$0x0]  }
0x21f: {  	v10 =	vld [tilespmem:s6+$0x1400];
	(erf) = vpow2.f32 v9  }
0x220: {  	v13 =	vpop (erf);
	vm3 =	veq.s32 v8, v7  }
0x221: {  	v7 =	vsel vm3, $0x0, v13  }
0x222: {  	v11 =	vld [tilespmem:s7+$0x0]  }
0x223: {  	v12 =	vld [tilespmem:s7+$0x1400]  }
0x224: {  	v6 =	vadd.f32 v7, v6;
	vm3 =	veq.s32 v63, v10;
	v7 =	vpop (erf)  }
0x225: {  	v7 =	vsel vm3, $0x0, v7;
	_ =	sdelay $0x2  }
0x226: {  	vm3 =	veq.s32 v11, v12;
	v6 =	vadd.f32 v7, v6;
	v7 =	vpop (erf)  }
0x227: {  	v7 =	vsel vm3, $0x0, v7  }
0x228: {  	v6 =	vadd.f32 v7, v6;
	_ =	sdelay $0x1  }
0x229: {  	(xrf2) =	vadd.scan.msk.f32 $0xffff, v6;
	_ =	sdelay $0x7  }
0x22a: {  	s8 =	simm.s32 $0x0  }
0x22b: {  	s9 =	rddreg [dreg:$0x7];
	s10 =	simm.s32 $0x14800;
	s7 =	simm.s32 $0x5  }
0x22c: {  	[hbm4b:s9+s8] =	stream.linear.scatter [tilespmem:s10], [sflag:$0x5], $0x1400, $0x38;
	v6, _, _ =	vpop (xrf2);
	[tilespmem:$0x15E00] =	vst v63  }
0x22d: {  	_ =	swait.ge [sflag:s7], $0x1400  }
0x22e: {  	[sflag:s7] =	ssyncset.done $0x0  }
0x22f: {  	[sflag:s7] =	ssyncadd.s32 $0xFFFFEC00  }
0x230: {  	[tilespmem:$0x15D90] =	vst v4  }
0x231: {  	[tilespmem:$0x15DA0] =	vst v4  }
0x232: {  	[tilespmem:$0x15DB0] =	vst v4  }
0x233: {  	v6 =	vbroadcast v6, $0xF;
	[tilespmem:$0x15DC0] =	vst v4  }
0x234: {  	[tilespmem:$0x15DD0] =	vst v4  }
0x235: {  	v6 =	vnsel vm1, $0x0, v6;
	[tilespmem:$0x15DE0] =	vst v4  }
0x236: {  	v5 =	vsel vm2, v6, v5;
	[tilespmem:$0x15DF0] =	vst v4  }
0x237: {  	s9 =	simm.s32 $0x15D80;
	s15 =	rddreg [dreg:$0x8];
	[tilespmem:$0x15D80] =	vst v5  }
0x238: {  	[hbm4b:s15+s8] =	stream.linear.scatter [tilespmem:s9], [sflag:$0x5], $0x80, $0x38;
	[tilespmem:$0x15E00] =	vst v63  }
0x239: {  	_ =	swait.ge [sflag:s7], $0x80  }
0x23a: {  	s10 =	rddreg [dreg:$0xa]  }
0x23b: {  	s15 =	rddreg [dreg:$0x9];
	s9 =	sadd.s32 $0x1, s10  }
0x23c: {  	p0 =	sne.s32 s9, s15  }
.Ltmp5:
0x23d: {  	_ = 	snop;
	(pc) =	sbr.rel @p0 .LBB2_1-.Ltmp5, $3  }
0x23e: {  	_ =	sdelay $0x1  }
0x23f: {  	[sflag:s7] =	ssyncset.done $0x0  }
0x240: {  	[sflag:s7] =	ssyncadd.s32 $0xFFFFFF80  }
0x241: {  	_ =	sfence.sel $0x180000  }
0x242: {  	[bflag:$0x0] =	sbarrier.arrive $0xFFFF  }
0x243: {  	_ =	strace $0x90000047  }
0x244: {  	s0 =	stileid.u32;
	[bflag:$0x2] =	sbarrier.arrive $0xFFFF  }
0x245: {  	p0 =	sne.s32 s0, $0x0;
	s0 =	rddreg [dreg:$0x2]  }
0x246: {  	s0 =	sadd.s32 @!p0 $0x100000, s0  }
0x247: {  	[sflag:s0] =	ssyncadd.tile.s32 @!p0 $0x1;
	_ =	shalt  }
.Lfunc_end2:
_tile_overlayer_lowered:
.L_overlay_start_2:
0x248: {  	(tag) =	ssettag $0x2  }
0x249: {  	s0 =	rddreg [dreg:$0x0];
	s2 =	stileid.u32  }
0x24a: {  	s1 =	rddreg [dreg:$0x1];
	p0 =	sne.s32 s2, $0x0  }
0x24b: {  	s3 =	rddreg [dreg:$0x2];
	[bflag:$0x3] =	sbarrier.arrive $0xFFFF;
	s2 =	simm.s32 @!p0 $0x1C05  }
0x24c: {  	[timem:s3], [sflag:s2] =	dma.local @!p0 [hbm:s0], s1  }
0x24d: {  	s0 =	simm.s32 @!p0 $0x5  }
0x24e: {  	_ =	swait.ge @!p0 [sflag:s0], s1  }
0x24f: {  	s1 =	ssub.s32 @!p0 $0x0, s1;
	[sflag:s0] =	ssyncset.done @!p0 $0x0  }
0x250: {  	[sflag:s0] =	ssyncadd.s32 @!p0 s1  }
0x251: {  	[bflag:$0x3] =	sbarrier.arrive $0xFFFF  }
0x252: {  	_ =	shalt  }

</sc_bundles>
